<compile_context>
chip_gen: v7x
topology: tpu7x:2x2x1
jax: 0.10.2.dev20260603
libtpu: 0.0.44.dev20260713+nightly
codegen_flags: <defaults>
</compile_context>

<pallas_src>
import functools

import jax
import jax.numpy as jnp
from jax import lax
from jax.experimental import pallas as pl
from jax.experimental.pallas import tpu as pltpu
from jax.experimental.pallas import tpu_sc as plsc

N = 10000
NR = 10240
D_IN = 128
HEADS = 8
HID = 16
D_OUT = 64
NEG = 0.2
ROW1 = 144
ROW2 = 80
CHK = 64
GRP = 54
NW = 32
BLK = 512
NEG_BIG = -1e30



def _stage1_body(x_ref, w_ref, a_ref, o_ref):
    i = pl.program_id(0)
    h = jnp.dot(x_ref[...], w_ref[...], preferred_element_type=jnp.float32)
    asd = jnp.dot(h, a_ref[...], preferred_element_type=jnp.float32)
    rows = i * BLK + lax.broadcasted_iota(jnp.int32, (BLK, 1), 0)
    valid = rows < N
    hm = jnp.where(valid, h, 0.0)
    asm = jnp.where(valid, asd[:, :8], NEG_BIG)
    adm = jnp.where(valid, asd[:, 8:], 0.0)
    o_ref[:, 0:128] = hm
    o_ref[:, 128:144] = jnp.concatenate([asm, adm], axis=1)


def _stage1(xp, W1, A1):
    return pl.pallas_call(
        _stage1_body,
        out_shape=jax.ShapeDtypeStruct((NR, ROW1), jnp.float32),
        grid=(NR // BLK,),
        in_specs=[
            pl.BlockSpec((BLK, D_IN), lambda i: (i, 0)),
            pl.BlockSpec((D_IN, D_IN), lambda i: (0, 0)),
            pl.BlockSpec((D_IN, 16), lambda i: (0, 0)),
        ],
        out_specs=pl.BlockSpec((BLK, ROW1), lambda i: (i, 0)),
    )(xp, W1, A1)


def _shift1_body(t_ref, o_ref):
    t = t_ref[:, 128:144]
    asv, adv = t[:, :8], t[:, 8:]
    m = jnp.max(asv, axis=0, keepdims=True)
    tt = m + adv
    c = jnp.where(tt >= 0, tt, NEG * tt)
    z = jnp.zeros_like(adv)
    o_ref[...] = jnp.concatenate([adv, z, c, z], axis=1)


def _shift1(table1):
    return pl.pallas_call(
        _shift1_body,
        out_shape=jax.ShapeDtypeStruct((NR, 32), jnp.float32),
        grid=(1,),
        in_specs=[pl.BlockSpec((NR, ROW1), lambda i: (0, 0))],
        out_specs=pl.BlockSpec((NR, 32), lambda i: (0, 0)),
    )(table1)


def _stage2_body(p0_ref, p1_ref, w_ref, a_ref, r_ref, b1_ref, sc_ref, sh_ref,
                 o_ref):
    i = pl.program_id(0)
    s = p0_ref[...] + p1_ref[...]
    feats = s[:, :128]
    den = s[:, 128:136]
    denb = jnp.dot(den, r_ref[...], preferred_element_type=jnp.float32)
    h1 = feats / (denb + 1e-16) + b1_ref[...]
    h1 = h1 * sc_ref[...] + sh_ref[...]
    h1 = jnp.maximum(h1, 0.0)
    h2 = jnp.dot(h1, w_ref[...], preferred_element_type=jnp.float32)
    asd = jnp.dot(h2, a_ref[...], preferred_element_type=jnp.float32)
    rows = i * BLK + lax.broadcasted_iota(jnp.int32, (BLK, 1), 0)
    valid = rows < N
    padrow = jnp.where(
        lax.broadcasted_iota(jnp.int32, (1, 16), 1) == 0, NEG_BIG, 0.0)
    o_ref[:, 0:64] = jnp.where(valid, h2, 0.0)
    o_ref[:, 64:80] = jnp.where(valid, asd, padrow)


def _stage2(p0, p1, W2, A2, R, b1, scale, shift):
    return pl.pallas_call(
        _stage2_body,
        out_shape=jax.ShapeDtypeStruct((NR, ROW2), jnp.float32),
        grid=(NR // BLK,),
        in_specs=[
            pl.BlockSpec((BLK, ROW1), lambda i: (i, 0)),
            pl.BlockSpec((BLK, ROW1), lambda i: (i, 0)),
            pl.BlockSpec((128, 64), lambda i: (0, 0)),
            pl.BlockSpec((64, 16), lambda i: (0, 0)),
            pl.BlockSpec((8, 128), lambda i: (0, 0)),
            pl.BlockSpec((1, 128), lambda i: (0, 0)),
            pl.BlockSpec((1, 128), lambda i: (0, 0)),
            pl.BlockSpec((1, 128), lambda i: (0, 0)),
        ],
        out_specs=pl.BlockSpec((BLK, ROW2), lambda i: (i, 0)),
    )(p0, p1, W2, A2, R, b1, scale, shift)


def _shift2_body(t_ref, o_ref):
    t = t_ref[:, 64:80]
    asv, adv = t[:, 0:1], t[:, 1:2]
    m = jnp.max(asv, axis=0, keepdims=True)
    tt = m + adv
    c = jnp.where(tt >= 0, tt, NEG * tt)
    z = jnp.zeros((t.shape[0], 15), dtype=jnp.float32)
    o_ref[...] = jnp.concatenate([adv, z, c, z], axis=1)


def _shift2(table2):
    return pl.pallas_call(
        _shift2_body,
        out_shape=jax.ShapeDtypeStruct((NR, 32), jnp.float32),
        grid=(1,),
        in_specs=[pl.BlockSpec((NR, ROW2), lambda i: (0, 0))],
        out_specs=pl.BlockSpec((NR, 32), lambda i: (0, 0)),
    )(table2)


def _stage3_body(q0_ref, q1_ref, b2_ref, o_ref):
    s = q0_ref[...] + q1_ref[...]
    feats = s[:, :64]
    den = s[:, 64:65]
    o = feats / (den + 1e-16) + b2_ref[...]
    m = jnp.max(o, axis=1, keepdims=True)
    l = o - m
    o_ref[...] = l - jnp.log(jnp.sum(jnp.exp(l), axis=1, keepdims=True))


def _stage3(q0, q1, b2):
    return pl.pallas_call(
        _stage3_body,
        out_shape=jax.ShapeDtypeStruct((NR, D_OUT), jnp.float32),
        grid=(NR // BLK,),
        in_specs=[
            pl.BlockSpec((BLK, ROW2), lambda i: (i, 0)),
            pl.BlockSpec((BLK, ROW2), lambda i: (i, 0)),
            pl.BlockSpec((1, 64), lambda i: (0, 0)),
        ],
        out_specs=pl.BlockSpec((BLK, D_OUT), lambda i: (i, 0)),
    )(q0, q1, b2)



def _make_edge_pass(roww, ch, mask_width, ep):
    nch = ep // (NW * CHK)
    ngrp = nch // GRP
    npair = GRP // 2
    nfeat = (roww - 16) // 16
    zslices = (NR // 16) // CHK
    mesh = plsc.VectorSubcoreMesh(core_axis_name="c", subcore_axis_name="s")

    @functools.partial(
        pl.kernel, mesh=mesh,
        compiler_params=pltpu.CompilerParams(use_tc_tiling_on_sc=False),
        out_type=jax.ShapeDtypeStruct((2, NR, roww), jnp.float32),
        scratch_types=[
            pltpu.VMEM((GRP, CHK), jnp.int32),
            pltpu.VMEM((GRP, CHK), jnp.int32),
            pltpu.VMEM((CHK, roww), jnp.float32),
            pltpu.VMEM((CHK, roww), jnp.float32),
            pltpu.VMEM((CHK, 32), jnp.float32),
            pltpu.VMEM((CHK, 32), jnp.float32),
            pltpu.VMEM_SHARED((NR, roww), jnp.float32),
            pltpu.SemaphoreType.DMA,
            pltpu.SemaphoreType.DMA,
            pltpu.SemaphoreType.DMA,
            pltpu.SemaphoreType.DMA,
            pltpu.SemaphoreType.DMA,
            pltpu.SemaphoreType.DMA,
        ],
    )
    def edge_pass(t1, tA, srcr, dstr, out, sbuf, dbuf, gb0, gb1, ab0, ab1,
                  acc, sg0, sg1, sa0, sa1, ss0, ss1):
        cid = lax.axis_index("c")
        sid = lax.axis_index("s")
        wid = sid * 2 + cid
        lane = lax.iota(jnp.int32, 16)
        emask = lane < mask_width
        zero16 = jnp.zeros((16,), jnp.float32)

        def zrow(i, _):
            for j in range(roww // 16):
                gb0[i, pl.ds(j * 16, 16)] = zero16
            return 0
        lax.fori_loop(0, CHK, zrow, 0)
        base = sid * (NR // 16)

        def zcp(k, _):
            pltpu.sync_copy(gb0, acc.at[pl.ds(base + k * CHK, CHK)])
            return 0
        lax.fori_loop(0, zslices, zcp, 0)
        plsc.subcore_barrier()

        def start(l, gb, ab, sg, sa):
            pltpu.async_copy(t1.at[sbuf.at[l]], gb, sg)
            pltpu.async_copy(tA.at[dbuf.at[l]], ab, sa)

        def wait(gb, ab, sg, sa):
            pltpu.make_async_copy(t1.at[sbuf.at[0]], gb, sg).wait()
            pltpu.make_async_copy(tA.at[dbuf.at[0]], ab, sa).wait()

        dup_idx = (lane % mask_width).reshape(16, 1)

        def compute(gb, ab):
            @plsc.parallel_loop(0, CHK, 1, unroll=4)
            def edge(i):
                tail = gb[i, pl.ds(roww - 16, 16)]
                adv = ab[i, pl.ds(0, 16)]
                cv = ab[i, pl.ds(16, 16)]
                raw = tail + adv
                lk = jnp.where(raw >= 0, raw, NEG * raw)
                ev = jnp.exp(lk - cv)
                ed = lax.gather(
                    ev, dup_idx,
                    lax.GatherDimensionNumbers(
                        offset_dims=(), collapsed_slice_dims=(0,),
                        start_index_map=(0,)),
                    (1,), mode=lax.GatherScatterMode.PROMISE_IN_BOUNDS)
                for j in range(nfeat):
                    gb[i, pl.ds(j * 16, 16)] = gb[i, pl.ds(j * 16, 16)] * ed
                gb[i, pl.ds(roww - 16, 16)] = jnp.where(emask, ev, zero16)

        def scat_start(l, gb, ss):
            pltpu.async_copy(gb, acc.at[dbuf.at[l]], ss, add=True)

        def scat_wait(gb, ss):
            pltpu.make_async_copy(gb, acc.at[dbuf.at[0]], ss).wait()

        def group(g, _):
            cbase = wid * nch + g * GRP
            pltpu.sync_copy(srcr.at[pl.ds(cbase, GRP)], sbuf)
            pltpu.sync_copy(dstr.at[pl.ds(cbase, GRP)], dbuf)
            start(0, gb0, ab0, sg0, sa0)

            def pair(q, _):
                l0 = 2 * q

                @pl.when(q > 0)
                def _():
                    scat_wait(gb1, ss1)
                start(l0 + 1, gb1, ab1, sg1, sa1)
                wait(gb0, ab0, sg0, sa0)
                compute(gb0, ab0)
                scat_start(l0, gb0, ss0)
                wait(gb1, ab1, sg1, sa1)
                compute(gb1, ab1)
                scat_wait(gb0, ss0)

                @pl.when(q < npair - 1)
                def _():
                    start(l0 + 2, gb0, ab0, sg0, sa0)
                scat_start(l0 + 1, gb1, ss1)
                return 0
            lax.fori_loop(0, npair, pair, 0)
            scat_wait(gb1, ss1)
            return 0
        lax.fori_loop(0, ngrp, group, 0)
        plsc.subcore_barrier()

        def ocp(k, _):
            pltpu.sync_copy(acc.at[pl.ds(base + k * CHK, CHK)],
                            out.at[cid, pl.ds(base + k * CHK, CHK)])
            return 0
        lax.fori_loop(0, zslices, ocp, 0)

    return edge_pass



def kernel(x, edge_index, W1, a_src1, a_dst1, b1, gamma, beta, run_mean,
           run_var, W2, a_src2, a_dst2, b2):
    e2 = edge_index.shape[1] + N
    epq = NW * CHK * GRP
    ep = ((e2 + epq - 1) // epq) * epq

    xp = jnp.pad(x, ((0, NR - N), (0, 0)))
    ar = jnp.arange(N, dtype=edge_index.dtype)
    ei = jnp.concatenate([edge_index, jnp.stack([ar, ar])], axis=1)
    src = jnp.pad(ei[0], (0, ep - e2), constant_values=N).reshape(
        ep // CHK, CHK)
    dst = jnp.pad(ei[1], (0, ep - e2), constant_values=N).reshape(
        ep // CHK, CHK)

    rows128 = jnp.arange(128)
    head_of = jnp.repeat(jnp.arange(8), 16)
    A_src = jnp.zeros((128, 8), jnp.float32).at[rows128, head_of].set(
        a_src1.reshape(128))
    A_dst = jnp.zeros((128, 8), jnp.float32).at[rows128, head_of].set(
        a_dst1.reshape(128))
    pvec = (rows128 % 8) * 16 + rows128 // 8
    W1p = W1[:, pvec]
    A1 = jnp.concatenate([A_src, A_dst], axis=1)[pvec, :]
    A2 = jnp.concatenate(
        [a_src2.reshape(64, 1), a_dst2.reshape(64, 1),
         jnp.zeros((64, 14), jnp.float32)], axis=1)
    Rm = (rows128[None, :] % 8 == jnp.arange(8)[:, None]).astype(jnp.float32)
    W2p = W2[pvec, :]
    scale = gamma / jnp.sqrt(run_var + 1e-5)
    shift = beta - run_mean * scale

    table1 = _stage1(xp, W1p, A1)
    tA1 = _shift1(table1)
    acc1 = _make_edge_pass(ROW1, HID, HEADS, ep)(table1, tA1, src, dst)
    table2 = _stage2(acc1[0], acc1[1], W2p, A2, Rm, b1[pvec].reshape(1, 128),
                     scale[pvec].reshape(1, 128), shift[pvec].reshape(1, 128))
    tA2 = _shift2(table2)
    acc2 = _make_edge_pass(ROW2, D_OUT, 1, ep)(table2, tA2, src, dst)
    out = _stage3(acc2[0], acc2[1], b2.reshape(1, 64))
    return out[:N]

# --- scband reference (transcript-rebuilt; emitter-appended) ---
"""Pipeline reference for scband-gat-22617297781051 (READ-ONLY COPY).

The authoritative reference and input builder live on the scoring server;
editing this copy changes nothing except your own understanding.
"""

import jax, jax.numpy as jnp
import numpy as np

N = 10000
E = 320000
D_IN = 128
HID = 16
HEADS = 8
D_OUT = 64
NEG_SLOPE = 0.2


def _glorot(key, shape):
    fan_in = shape[0] if len(shape) > 1 else int(np.prod(shape))
    fan_out = shape[-1]
    a = float(np.sqrt(6.0 / (fan_in + fan_out)))
    return jax.random.uniform(key, shape, minval=-a, maxval=a, dtype=jnp.float32)


def setup_inputs(seed: int = 0):
    key = jax.random.key(seed)
    ks = jax.random.split(key, 16)
    x = jax.random.normal(ks[0], (N, D_IN), dtype=jnp.float32)
    edge_index = jax.random.randint(ks[1], (2, E), 0, N, dtype=jnp.int32)
    # Layer 1: GATConv(in=128, out=16, heads=8, concat=True)
    W1 = _glorot(ks[2], (D_IN, HEADS * HID))
    a_src1 = _glorot(ks[3], (HEADS, HID))
    a_dst1 = _glorot(ks[4], (HEADS, HID))
    b1 = jnp.zeros((HEADS * HID,), dtype=jnp.float32)
    # BatchNorm1d(128) in eval mode (running stats)
    gamma = jnp.ones((HEADS * HID,), dtype=jnp.float32)
    beta = jnp.zeros((HEADS * HID,), dtype=jnp.float32)
    run_mean = jnp.zeros((HEADS * HID,), dtype=jnp.float32)
    run_var = jnp.ones((HEADS * HID,), dtype=jnp.float32)
    # Layer 2: GATConv(in=128, out=64, heads=1, concat=False)
    W2 = _glorot(ks[5], (HEADS * HID, 1 * D_OUT))
    a_src2 = _glorot(ks[6], (1, D_OUT))
    a_dst2 = _glorot(ks[7], (1, D_OUT))
    b2 = jnp.zeros((D_OUT,), dtype=jnp.float32)
    return {"x": x, "edge_index": edge_index, "W1": W1, "a_src1": a_src1,
            "a_dst1": a_dst1, "b1": b1, "gamma": gamma, "beta": beta,
            "run_mean": run_mean, "run_var": run_var, "W2": W2,
            "a_src2": a_src2, "a_dst2": a_dst2, "b2": b2}


def _segment_softmax(alpha, dst, num_nodes):
    m = jax.ops.segment_max(alpha, dst, num_segments=num_nodes)
    alpha = jnp.exp(alpha - m[dst])
    s = jax.ops.segment_sum(alpha, dst, num_segments=num_nodes)
    return alpha / (s[dst] + 1e-16)


def _gat_conv(x, edge_index, W, a_src, a_dst, b, heads, ch, concat, neg_slope):
    num_nodes = x.shape[0]
    # add self loops (PyG GATConv default)
    ar = jnp.arange(num_nodes, dtype=edge_index.dtype)
    ei = jnp.concatenate([edge_index, jnp.stack([ar, ar])], axis=1)
    src, dst = ei[0], ei[1]
    h = (x @ W).reshape(num_nodes, heads, ch)
    alpha_s = jnp.sum(h * a_src[None, :, :], axis=-1)  # [N, H]
    alpha_d = jnp.sum(h * a_dst[None, :, :], axis=-1)  # [N, H]
    alpha = alpha_s[src] + alpha_d[dst]                # [E', H]
    alpha = jnp.where(alpha >= 0, alpha, neg_slope * alpha)
    alpha = _segment_softmax(alpha, dst, num_nodes)
    msg = h[src] * alpha[:, :, None]                   # [E', H, C]
    out = jax.ops.segment_sum(msg, dst, num_segments=num_nodes)
    if concat:
        out = out.reshape(num_nodes, heads * ch)
    else:
        out = out.mean(axis=1)
    return out + b


def reference(x, edge_index, W1, a_src1, a_dst1, b1, gamma, beta, run_mean,
              run_var, W2, a_src2, a_dst2, b2):
    h = _gat_conv(x, edge_index, W1, a_src1, a_dst1, b1, HEADS, HID, True, NEG_SLOPE)
    h = (h - run_mean) / jnp.sqrt(run_var + 1e-5) * gamma + beta  # BN eval mode
    h = jax.nn.relu(h)
    # dropout p=0.0 -> identity
    h = _gat_conv(h, edge_index, W2, a_src2, a_dst2, b2, 1, D_OUT, False, NEG_SLOPE)
    return jax.nn.log_softmax(h, axis=-1)

if __name__ == "__main__":
    import jax
    _d = setup_inputs()
    print(jax.jit(kernel)(*tuple(_d.values())))

</pallas_src>

<mosaic_0001>
#map = affine_map<(d0, d1) -> (0, 0)>
#map1 = affine_map<(d0, d1) -> (0, 0, 0)>
module attributes {stable_mosaic.version = 14 : i64} {
  func.func @edge_pass(%arg0: i32, %arg1: i32, %arg2: memref<10240x144xf32, #tpu.memory_space<hbm>>, %arg3: memref<10240x32xf32, #tpu.memory_space<hbm>>, %arg4: memref<5184x64xi32, #tpu.memory_space<hbm>>, %arg5: memref<5184x64xi32, #tpu.memory_space<hbm>>, %arg6: memref<2x10240x144xf32, #tpu.memory_space<hbm>>, %arg7: memref<54x64xi32, #tpu.memory_space<vmem>>, %arg8: memref<54x64xi32, #tpu.memory_space<vmem>>, %arg9: memref<64x144xf32, #tpu.memory_space<vmem>>, %arg10: memref<64x144xf32, #tpu.memory_space<vmem>>, %arg11: memref<64x32xf32, #tpu.memory_space<vmem>>, %arg12: memref<64x32xf32, #tpu.memory_space<vmem>>, %arg13: memref<10240x144xf32, #tpu.memory_space<vmem_shared>>, %arg14: memref<!tpu.dma_semaphore, #tpu.memory_space<semaphore_mem>>, %arg15: memref<!tpu.dma_semaphore, #tpu.memory_space<semaphore_mem>>, %arg16: memref<!tpu.dma_semaphore, #tpu.memory_space<semaphore_mem>>, %arg17: memref<!tpu.dma_semaphore, #tpu.memory_space<semaphore_mem>>, %arg18: memref<!tpu.dma_semaphore, #tpu.memory_space<semaphore_mem>>, %arg19: memref<!tpu.dma_semaphore, #tpu.memory_space<semaphore_mem>>) attributes {dimension_semantics = [#tpu.dimension_semantics<core_parallel>, #tpu.dimension_semantics<subcore_parallel>], iteration_bounds = array<i64: 2, 16>, scalar_prefetch = 0 : i64, scratch_operands = 13 : i64, tpu.core_type = #tpu.core_type<sc_vector_subcore>, window_params = [{transform_indices = #map}, {transform_indices = #map}, {transform_indices = #map}, {transform_indices = #map}, {transform_indices = #map1}]} {
    %mul3A = arith.constant 2 : i32
    %mul3A_0 = arith.muli %arg1, %mul3A : i32
    %add3A = arith.addi %mul3A_0, %arg0 : i32
    %iota3A = tpu.iota {dimensions = array<i32: 0>} : vector<16xi32>
    %lt3A = arith.constant 8 : i32
    %lt3A_1 = vector.broadcast %lt3A : i32 to vector<16xi32>
    %lt3A_2 = arith.cmpi slt, %iota3A, %lt3A_1 : vector<16xi32>
    %broadcast_in_dim3A = arith.constant 0.000000e+00 : f32
    %broadcast_in_dim3A_3 = vector.broadcast %broadcast_in_dim3A : f32 to vector<16xf32>
    %scan3A = arith.constant 0 : i32
    %scan3A_4 = arith.constant 0 : i32
    %scan3A_5 = arith.constant 64 : i32
    %scan3A_6 = arith.addi %scan3A_4, %scan3A_5 : i32
    %scan3A_7 = arith.constant 1 : i32
    %scan3A_8 = scf.for %scan3A_50 = %scan3A_4 to %scan3A_6 step %scan3A_7 iter_args(%scan3A_51 = %scan3A) -> (i32)  : i32 {
      %swap3A = arith.index_cast %scan3A_50 : i32 to index
      %swap3A_52 = arith.constant 0 : index
      %swap3A_53 = tpu.vector_load %arg9[%swap3A, %swap3A_52] {strides = array<i32>} : memref<64x144xf32, #tpu.memory_space<vmem>>, vector<1x16xf32>,
      %swap3A_54 = vector.shape_cast %swap3A_53 : vector<1x16xf32> to vector<16xf32>
      %swap3A_55 = vector.shape_cast %broadcast_in_dim3A_3 : vector<16xf32> to vector<1x16xf32>
      tpu.vector_store %arg9[%swap3A, %swap3A_52], %swap3A_55 {strides = array<i32>} : memref<64x144xf32, #tpu.memory_space<vmem>>, vector<1x16xf32>,
      %swap3A_56 = arith.index_cast %scan3A_50 : i32 to index
      %swap3A_57 = arith.constant 16 : index
      %swap3A_58 = tpu.vector_load %arg9[%swap3A_56, %swap3A_57] {strides = array<i32>} : memref<64x144xf32, #tpu.memory_space<vmem>>, vector<1x16xf32>,
      %swap3A_59 = vector.shape_cast %swap3A_58 : vector<1x16xf32> to vector<16xf32>
      %swap3A_60 = vector.shape_cast %broadcast_in_dim3A_3 : vector<16xf32> to vector<1x16xf32>
      tpu.vector_store %arg9[%swap3A_56, %swap3A_57], %swap3A_60 {strides = array<i32>} : memref<64x144xf32, #tpu.memory_space<vmem>>, vector<1x16xf32>,
      %swap3A_61 = arith.index_cast %scan3A_50 : i32 to index
      %swap3A_62 = arith.constant 32 : index
      %swap3A_63 = tpu.vector_load %arg9[%swap3A_61, %swap3A_62] {strides = array<i32>} : memref<64x144xf32, #tpu.memory_space<vmem>>, vector<1x16xf32>,
      %swap3A_64 = vector.shape_cast %swap3A_63 : vector<1x16xf32> to vector<16xf32>
      %swap3A_65 = vector.shape_cast %broadcast_in_dim3A_3 : vector<16xf32> to vector<1x16xf32>
      tpu.vector_store %arg9[%swap3A_61, %swap3A_62], %swap3A_65 {strides = array<i32>} : memref<64x144xf32, #tpu.memory_space<vmem>>, vector<1x16xf32>,
      %swap3A_66 = arith.index_cast %scan3A_50 : i32 to index
      %swap3A_67 = arith.constant 48 : index
      %swap3A_68 = tpu.vector_load %arg9[%swap3A_66, %swap3A_67] {strides = array<i32>} : memref<64x144xf32, #tpu.memory_space<vmem>>, vector<1x16xf32>,
      %swap3A_69 = vector.shape_cast %swap3A_68 : vector<1x16xf32> to vector<16xf32>
      %swap3A_70 = vector.shape_cast %broadcast_in_dim3A_3 : vector<16xf32> to vector<1x16xf32>
      tpu.vector_store %arg9[%swap3A_66, %swap3A_67], %swap3A_70 {strides = array<i32>} : memref<64x144xf32, #tpu.memory_space<vmem>>, vector<1x16xf32>,
      %swap3A_71 = arith.index_cast %scan3A_50 : i32 to index
      %swap3A_72 = arith.constant 64 : index
      %swap3A_73 = tpu.vector_load %arg9[%swap3A_71, %swap3A_72] {strides = array<i32>} : memref<64x144xf32, #tpu.memory_space<vmem>>, vector<1x16xf32>,
      %swap3A_74 = vector.shape_cast %swap3A_73 : vector<1x16xf32> to vector<16xf32>
      %swap3A_75 = vector.shape_cast %broadcast_in_dim3A_3 : vector<16xf32> to vector<1x16xf32>
      tpu.vector_store %arg9[%swap3A_71, %swap3A_72], %swap3A_75 {strides = array<i32>} : memref<64x144xf32, #tpu.memory_space<vmem>>, vector<1x16xf32>,
      %swap3A_76 = arith.index_cast %scan3A_50 : i32 to index
      %swap3A_77 = arith.constant 80 : index
      %swap3A_78 = tpu.vector_load %arg9[%swap3A_76, %swap3A_77] {strides = array<i32>} : memref<64x144xf32, #tpu.memory_space<vmem>>, vector<1x16xf32>,
      %swap3A_79 = vector.shape_cast %swap3A_78 : vector<1x16xf32> to vector<16xf32>
      %swap3A_80 = vector.shape_cast %broadcast_in_dim3A_3 : vector<16xf32> to vector<1x16xf32>
      tpu.vector_store %arg9[%swap3A_76, %swap3A_77], %swap3A_80 {strides = array<i32>} : memref<64x144xf32, #tpu.memory_space<vmem>>, vector<1x16xf32>,
      %swap3A_81 = arith.index_cast %scan3A_50 : i32 to index
      %swap3A_82 = arith.constant 96 : index
      %swap3A_83 = tpu.vector_load %arg9[%swap3A_81, %swap3A_82] {strides = array<i32>} : memref<64x144xf32, #tpu.memory_space<vmem>>, vector<1x16xf32>,
      %swap3A_84 = vector.shape_cast %swap3A_83 : vector<1x16xf32> to vector<16xf32>
      %swap3A_85 = vector.shape_cast %broadcast_in_dim3A_3 : vector<16xf32> to vector<1x16xf32>
      tpu.vector_store %arg9[%swap3A_81, %swap3A_82], %swap3A_85 {strides = array<i32>} : memref<64x144xf32, #tpu.memory_space<vmem>>, vector<1x16xf32>,
      %swap3A_86 = arith.index_cast %scan3A_50 : i32 to index
      %swap3A_87 = arith.constant 112 : index
      %swap3A_88 = tpu.vector_load %arg9[%swap3A_86, %swap3A_87] {strides = array<i32>} : memref<64x144xf32, #tpu.memory_space<vmem>>, vector<1x16xf32>,
      %swap3A_89 = vector.shape_cast %swap3A_88 : vector<1x16xf32> to vector<16xf32>
      %swap3A_90 = vector.shape_cast %broadcast_in_dim3A_3 : vector<16xf32> to vector<1x16xf32>
      tpu.vector_store %arg9[%swap3A_86, %swap3A_87], %swap3A_90 {strides = array<i32>} : memref<64x144xf32, #tpu.memory_space<vmem>>, vector<1x16xf32>,
      %swap3A_91 = arith.index_cast %scan3A_50 : i32 to index
      %swap3A_92 = arith.constant 128 : index
      %swap3A_93 = tpu.vector_load %arg9[%swap3A_91, %swap3A_92] {strides = array<i32>} : memref<64x144xf32, #tpu.memory_space<vmem>>, vector<1x16xf32>,
      %swap3A_94 = vector.shape_cast %swap3A_93 : vector<1x16xf32> to vector<16xf32>
      %swap3A_95 = vector.shape_cast %broadcast_in_dim3A_3 : vector<16xf32> to vector<1x16xf32>
      tpu.vector_store %arg9[%swap3A_91, %swap3A_92], %swap3A_95 {strides = array<i32>} : memref<64x144xf32, #tpu.memory_space<vmem>>, vector<1x16xf32>,
      %scan3A_96 = arith.constant 0 : i32
      scf.yield %scan3A_96 : i32
    }
    %scan3A_9 = arith.constant 64 : i32
    %mul3A_10 = arith.constant 640 : i32
    %mul3A_11 = arith.muli %arg1, %mul3A_10 : i32
    %scan3A_12 = arith.constant 0 : i32
    %scan3A_13 = arith.constant 0 : i32
    %scan3A_14 = arith.constant 10 : i32
    %scan3A_15 = arith.addi %scan3A_13, %scan3A_14 : i32
    %scan3A_16 = arith.constant 1 : i32
    %scan3A_17 = scf.for %scan3A_50 = %scan3A_13 to %scan3A_15 step %scan3A_16 iter_args(%scan3A_51 = %scan3A_12) -> (i32)  : i32 {
      %mul3A_52 = arith.constant 64 : i32
      %mul3A_53 = arith.muli %scan3A_50, %mul3A_52 : i32
      %add3A_54 = arith.addi %mul3A_11, %mul3A_53 : i32
      "tpu.region"() ({
        %run_scoped3A = tpu.sem_alloc : memref<!tpu.dma_semaphore, #tpu.memory_space<semaphore_mem>>
        %dma_start3A = arith.constant 0 : i32
        %dma_start3A_56 = tpu.memref_slice %arg13[%add3A_54, %dma_start3A] : memref<10240x144xf32, #tpu.memory_space<vmem_shared>> -> memref<64x144xf32, #tpu.memory_space<vmem_shared>>
        %dma_start3A_57 = arith.constant 0 : i32
        %dma_start3A_58 = tpu.memref_slice %arg13[%add3A_54, %dma_start3A_57] : memref<10240x144xf32, #tpu.memory_space<vmem_shared>> -> memref<64x144xf32, #tpu.memory_space<vmem_shared>>
        tpu.enqueue_dma source(%arg9 : memref<64x144xf32, #tpu.memory_space<vmem>>) target(%dma_start3A_58 : memref<64x144xf32, #tpu.memory_space<vmem_shared>>) target_semaphore(%run_scoped3A : memref<!tpu.dma_semaphore, #tpu.memory_space<semaphore_mem>>)
        %dma_wait3A = arith.constant 0 : i32
        %dma_wait3A_59 = tpu.memref_slice %arg13[%add3A_54, %dma_wait3A] : memref<10240x144xf32, #tpu.memory_space<vmem_shared>> -> memref<64x144xf32, #tpu.memory_space<vmem_shared>>
        %dma_wait3A_60 = arith.constant 0 : i32
        %dma_wait3A_61 = tpu.memref_slice %arg13[%add3A_54, %dma_wait3A_60] : memref<10240x144xf32, #tpu.memory_space<vmem_shared>> -> memref<64x144xf32, #tpu.memory_space<vmem_shared>>
        tpu.wait_dma2 semaphore(%run_scoped3A : memref<!tpu.dma_semaphore, #tpu.memory_space<semaphore_mem>>) src(%arg9 : memref<64x144xf32, #tpu.memory_space<vmem>>) dst(%dma_wait3A_61 : memref<64x144xf32, #tpu.memory_space<vmem_shared>>)
        tpu.yield
      }) : () -> ()
      %scan3A_55 = arith.constant 0 : i32
      scf.yield %scan3A_55 : i32
    }
    %scan3A_18 = arith.constant 10 : i32
    %barrier3A = arith.constant 0 : index
    tpu.barrier barrier_id(%barrier3A)
    %jit3A = arith.constant 8 : i32
    %eq3A = arith.constant 0 : i32
    %eq3A_19 = arith.cmpi eq, %jit3A, %eq3A : i32
    %jit3A_20 = arith.constant 1 : i32
    %select_n3A = arith.select %eq3A_19, %jit3A_20, %jit3A : i32
    %rem3A = vector.broadcast %select_n3A : i32 to vector<16xi32>
    %rem3A_21 = arith.remsi %iota3A, %rem3A : vector<16xi32>
    %ne3A = arith.constant 0 : i32
    %ne3A_22 = vector.broadcast %ne3A : i32 to vector<16xi32>
    %ne3A_23 = arith.cmpi ne, %rem3A_21, %ne3A_22 : vector<16xi32>
    %lt3A_24 = arith.constant 0 : i32
    %lt3A_25 = vector.broadcast %lt3A_24 : i32 to vector<16xi32>
    %lt3A_26 = arith.cmpi slt, %rem3A_21, %lt3A_25 : vector<16xi32>
    %lt3A_27 = arith.constant 0 : i32
    %lt3A_28 = arith.cmpi slt, %select_n3A, %lt3A_27 : i32
    %ne3A_29 = vector.broadcast %lt3A_28 : i1 to vector<16xi1>
    %ne3A_30 = vector.broadcast %ne3A_29 : vector<16xi1> to vector<16xi1>
    %ne3A_31 = arith.xori %lt3A_26, %ne3A_30 : vector<16xi1>
    %and3A = arith.andi %ne3A_31, %ne3A_23 : vector<16xi1>
    %add3A_32 = vector.broadcast %select_n3A : i32 to vector<16xi32>
    %add3A_33 = arith.addi %rem3A_21, %add3A_32 : vector<16xi32>
    %select_n3A_34 = arith.select %and3A, %add3A_33, %rem3A_21 : vector<16xi1>, vector<16xi32>
    %reshape3A = vector.shape_cast %select_n3A_34 : vector<16xi32> to vector<16x1xi32>
    %scan3A_35 = arith.constant 0 : i32
    %scan3A_36 = arith.constant 0 : i32
    %scan3A_37 = arith.constant 3 : i32
    %scan3A_38 = arith.addi %scan3A_36, %scan3A_37 : i32
    %scan3A_39 = arith.constant 1 : i32
    %scan3A_40 = scf.for %scan3A_50 = %scan3A_36 to %scan3A_38 step %scan3A_39 iter_args(%scan3A_51 = %scan3A_35) -> (i32)  : i32 {
      %mul3A_52 = arith.constant 162 : i32
      %mul3A_53 = arith.muli %add3A, %mul3A_52 : i32
      %mul3A_54 = arith.constant 54 : i32
      %mul3A_55 = arith.muli %scan3A_50, %mul3A_54 : i32
      %add3A_56 = arith.addi %mul3A_53, %mul3A_55 : i32
      "tpu.region"() ({
        %run_scoped3A = tpu.sem_alloc : memref<!tpu.dma_semaphore, #tpu.memory_space<semaphore_mem>>
        %dma_start3A_84 = arith.constant 0 : i32
        %dma_start3A_85 = tpu.memref_slice %arg4[%add3A_56, %dma_start3A_84] : memref<5184x64xi32, #tpu.memory_space<hbm>> -> memref<54x64xi32, #tpu.memory_space<hbm>>
        %dma_start3A_86 = arith.constant 0 : i32
        %dma_start3A_87 = tpu.memref_slice %arg4[%add3A_56, %dma_start3A_86] : memref<5184x64xi32, #tpu.memory_space<hbm>> -> memref<54x64xi32, #tpu.memory_space<hbm>>
        tpu.enqueue_dma source(%dma_start3A_87 : memref<54x64xi32, #tpu.memory_space<hbm>>) target(%arg7 : memref<54x64xi32, #tpu.memory_space<vmem>>) target_semaphore(%run_scoped3A : memref<!tpu.dma_semaphore, #tpu.memory_space<semaphore_mem>>)
        %dma_wait3A_88 = arith.constant 0 : i32
        %dma_wait3A_89 = tpu.memref_slice %arg4[%add3A_56, %dma_wait3A_88] : memref<5184x64xi32, #tpu.memory_space<hbm>> -> memref<54x64xi32, #tpu.memory_space<hbm>>
        %dma_wait3A_90 = arith.constant 0 : i32
        %dma_wait3A_91 = tpu.memref_slice %arg4[%add3A_56, %dma_wait3A_90] : memref<5184x64xi32, #tpu.memory_space<hbm>> -> memref<54x64xi32, #tpu.memory_space<hbm>>
        tpu.wait_dma2 semaphore(%run_scoped3A : memref<!tpu.dma_semaphore, #tpu.memory_space<semaphore_mem>>) src(%dma_wait3A_91 : memref<54x64xi32, #tpu.memory_space<hbm>>) dst(%arg7 : memref<54x64xi32, #tpu.memory_space<vmem>>)
        tpu.yield
      }) : () -> ()
      "tpu.region"() ({
        %run_scoped3A = tpu.sem_alloc : memref<!tpu.dma_semaphore, #tpu.memory_space<semaphore_mem>>
        %dma_start3A_84 = arith.constant 0 : i32
        %dma_start3A_85 = tpu.memref_slice %arg5[%add3A_56, %dma_start3A_84] : memref<5184x64xi32, #tpu.memory_space<hbm>> -> memref<54x64xi32, #tpu.memory_space<hbm>>
        %dma_start3A_86 = arith.constant 0 : i32
        %dma_start3A_87 = tpu.memref_slice %arg5[%add3A_56, %dma_start3A_86] : memref<5184x64xi32, #tpu.memory_space<hbm>> -> memref<54x64xi32, #tpu.memory_space<hbm>>
        tpu.enqueue_dma source(%dma_start3A_87 : memref<54x64xi32, #tpu.memory_space<hbm>>) target(%arg8 : memref<54x64xi32, #tpu.memory_space<vmem>>) target_semaphore(%run_scoped3A : memref<!tpu.dma_semaphore, #tpu.memory_space<semaphore_mem>>)
        %dma_wait3A_88 = arith.constant 0 : i32
        %dma_wait3A_89 = tpu.memref_slice %arg5[%add3A_56, %dma_wait3A_88] : memref<5184x64xi32, #tpu.memory_space<hbm>> -> memref<54x64xi32, #tpu.memory_space<hbm>>
        %dma_wait3A_90 = arith.constant 0 : i32
        %dma_wait3A_91 = tpu.memref_slice %arg5[%add3A_56, %dma_wait3A_90] : memref<5184x64xi32, #tpu.memory_space<hbm>> -> memref<54x64xi32, #tpu.memory_space<hbm>>
        tpu.wait_dma2 semaphore(%run_scoped3A : memref<!tpu.dma_semaphore, #tpu.memory_space<semaphore_mem>>) src(%dma_wait3A_91 : memref<54x64xi32, #tpu.memory_space<hbm>>) dst(%arg8 : memref<54x64xi32, #tpu.memory_space<vmem>>)
        tpu.yield
      }) : () -> ()
      %dma_start3A = arith.constant 0 : i32
      %dma_start3A_57 = arith.constant 0 : i32
      %dma_start3A_58 = tpu.memref_slice %arg7[%dma_start3A, %dma_start3A_57] : memref<54x64xi32, #tpu.memory_space<vmem>> -> memref<1x64xi32, #tpu.memory_space<vmem>>
      %dma_start3A_59 = tpu.memref_squeeze %dma_start3A_58 : memref<1x64xi32, #tpu.memory_space<vmem>> -> memref<64xi32, #tpu.memory_space<vmem>>
      %dma_start3A_60 = arith.constant 0 : i32
      %dma_start3A_61 = arith.constant 0 : i32
      %dma_start3A_62 = tpu.memref_slice %arg2[%dma_start3A_60, %dma_start3A_61] : memref<10240x144xf32, #tpu.memory_space<hbm>> -> memref<10240x144xf32, #tpu.memory_space<hbm>>
      tpu.enqueue_indirect_dma source(%dma_start3A_62 : memref<10240x144xf32, #tpu.memory_space<hbm>>) target(%arg9 : memref<64x144xf32, #tpu.memory_space<vmem>>) offsets(%dma_start3A_59 : memref<64xi32, #tpu.memory_space<vmem>>) semaphore(%arg14 : memref<!tpu.dma_semaphore, #tpu.memory_space<semaphore_mem>>)
      %dma_start3A_63 = arith.constant 0 : i32
      %dma_start3A_64 = arith.constant 0 : i32
      %dma_start3A_65 = tpu.memref_slice %arg8[%dma_start3A_63, %dma_start3A_64] : memref<54x64xi32, #tpu.memory_space<vmem>> -> memref<1x64xi32, #tpu.memory_space<vmem>>
      %dma_start3A_66 = tpu.memref_squeeze %dma_start3A_65 : memref<1x64xi32, #tpu.memory_space<vmem>> -> memref<64xi32, #tpu.memory_space<vmem>>
      %dma_start3A_67 = arith.constant 0 : i32
      %dma_start3A_68 = arith.constant 0 : i32
      %dma_start3A_69 = tpu.memref_slice %arg3[%dma_start3A_67, %dma_start3A_68] : memref<10240x32xf32, #tpu.memory_space<hbm>> -> memref<10240x32xf32, #tpu.memory_space<hbm>>
      tpu.enqueue_indirect_dma source(%dma_start3A_69 : memref<10240x32xf32, #tpu.memory_space<hbm>>) target(%arg11 : memref<64x32xf32, #tpu.memory_space<vmem>>) offsets(%dma_start3A_66 : memref<64xi32, #tpu.memory_space<vmem>>) semaphore(%arg16 : memref<!tpu.dma_semaphore, #tpu.memory_space<semaphore_mem>>)
      %scan3A_70 = arith.constant 0 : i32
      %scan3A_71 = arith.constant 0 : i32
      %scan3A_72 = arith.constant 27 : i32
      %scan3A_73 = arith.addi %scan3A_71, %scan3A_72 : i32
      %scan3A_74 = arith.constant 1 : i32
      %scan3A_75 = scf.for %scan3A_84 = %scan3A_71 to %scan3A_73 step %scan3A_74 iter_args(%scan3A_85 = %scan3A_70) -> (i32)  : i32 {
        %mul3A_86 = arith.constant 2 : i32
        %mul3A_87 = arith.muli %mul3A_86, %scan3A_84 : i32
        %gt3A = arith.constant 0 : i32
        %gt3A_88 = arith.cmpi sgt, %scan3A_84, %gt3A : i32
        %convert_element_type3A = arith.extui %gt3A_88 : i1 to i32
        %cond3A = arith.constant 0 : i32
        %cond3A_89 = arith.cmpi ne, %convert_element_type3A, %cond3A : i32
        scf.if %cond3A_89 {
          %dma_wait3A_164 = arith.constant 0 : i32
          %dma_wait3A_165 = arith.constant 0 : i32
          %dma_wait3A_166 = tpu.memref_slice %arg8[%dma_wait3A_164, %dma_wait3A_165] : memref<54x64xi32, #tpu.memory_space<vmem>> -> memref<1x64xi32, #tpu.memory_space<vmem>>
          %dma_wait3A_167 = tpu.memref_squeeze %dma_wait3A_166 : memref<1x64xi32, #tpu.memory_space<vmem>> -> memref<64xi32, #tpu.memory_space<vmem>>
          %dma_wait3A_168 = arith.constant 0 : i32
          %dma_wait3A_169 = arith.constant 0 : i32
          %dma_wait3A_170 = tpu.memref_slice %arg13[%dma_wait3A_168, %dma_wait3A_169] : memref<10240x144xf32, #tpu.memory_space<vmem_shared>> -> memref<10240x144xf32, #tpu.memory_space<vmem_shared>>
          tpu.wait_indirect_dma semaphore(%arg19 : memref<!tpu.dma_semaphore, #tpu.memory_space<semaphore_mem>>) src(%arg10 : memref<64x144xf32, #tpu.memory_space<vmem>>) dst(%dma_wait3A_170 : memref<10240x144xf32, #tpu.memory_space<vmem_shared>>)
        } else {
        }
        %add3A_90 = arith.constant 1 : i32
        %add3A_91 = arith.addi %mul3A_87, %add3A_90 : i32
        %dma_start3A_92 = arith.constant 0 : i32
        %dma_start3A_93 = tpu.memref_slice %arg7[%add3A_91, %dma_start3A_92] : memref<54x64xi32, #tpu.memory_space<vmem>> -> memref<1x64xi32, #tpu.memory_space<vmem>>
        %dma_start3A_94 = tpu.memref_squeeze %dma_start3A_93 : memref<1x64xi32, #tpu.memory_space<vmem>> -> memref<64xi32, #tpu.memory_space<vmem>>
        %dma_start3A_95 = arith.constant 0 : i32
        %dma_start3A_96 = arith.constant 0 : i32
        %dma_start3A_97 = tpu.memref_slice %arg2[%dma_start3A_95, %dma_start3A_96] : memref<10240x144xf32, #tpu.memory_space<hbm>> -> memref<10240x144xf32, #tpu.memory_space<hbm>>
        tpu.enqueue_indirect_dma source(%dma_start3A_97 : memref<10240x144xf32, #tpu.memory_space<hbm>>) target(%arg10 : memref<64x144xf32, #tpu.memory_space<vmem>>) offsets(%dma_start3A_94 : memref<64xi32, #tpu.memory_space<vmem>>) semaphore(%arg15 : memref<!tpu.dma_semaphore, #tpu.memory_space<semaphore_mem>>)
        %dma_start3A_98 = arith.constant 0 : i32
        %dma_start3A_99 = tpu.memref_slice %arg8[%add3A_91, %dma_start3A_98] : memref<54x64xi32, #tpu.memory_space<vmem>> -> memref<1x64xi32, #tpu.memory_space<vmem>>
        %dma_start3A_100 = tpu.memref_squeeze %dma_start3A_99 : memref<1x64xi32, #tpu.memory_space<vmem>> -> memref<64xi32, #tpu.memory_space<vmem>>
        %dma_start3A_101 = arith.constant 0 : i32
        %dma_start3A_102 = arith.constant 0 : i32
        %dma_start3A_103 = tpu.memref_slice %arg3[%dma_start3A_101, %dma_start3A_102] : memref<10240x32xf32, #tpu.memory_space<hbm>> -> memref<10240x32xf32, #tpu.memory_space<hbm>>
        tpu.enqueue_indirect_dma source(%dma_start3A_103 : memref<10240x32xf32, #tpu.memory_space<hbm>>) target(%arg12 : memref<64x32xf32, #tpu.memory_space<vmem>>) offsets(%dma_start3A_100 : memref<64xi32, #tpu.memory_space<vmem>>) semaphore(%arg17 : memref<!tpu.dma_semaphore, #tpu.memory_space<semaphore_mem>>)
        %dma_wait3A_104 = arith.constant 0 : i32
        %dma_wait3A_105 = arith.constant 0 : i32
        %dma_wait3A_106 = tpu.memref_slice %arg7[%dma_wait3A_104, %dma_wait3A_105] : memref<54x64xi32, #tpu.memory_space<vmem>> -> memref<1x64xi32, #tpu.memory_space<vmem>>
        %dma_wait3A_107 = tpu.memref_squeeze %dma_wait3A_106 : memref<1x64xi32, #tpu.memory_space<vmem>> -> memref<64xi32, #tpu.memory_space<vmem>>
        %dma_wait3A_108 = arith.constant 0 : i32
        %dma_wait3A_109 = arith.constant 0 : i32
        %dma_wait3A_110 = tpu.memref_slice %arg2[%dma_wait3A_108, %dma_wait3A_109] : memref<10240x144xf32, #tpu.memory_space<hbm>> -> memref<10240x144xf32, #tpu.memory_space<hbm>>
        tpu.wait_indirect_dma semaphore(%arg14 : memref<!tpu.dma_semaphore, #tpu.memory_space<semaphore_mem>>) src(%dma_wait3A_110 : memref<10240x144xf32, #tpu.memory_space<hbm>>) dst(%arg9 : memref<64x144xf32, #tpu.memory_space<vmem>>)
        %dma_wait3A_111 = arith.constant 0 : i32
        %dma_wait3A_112 = arith.constant 0 : i32
        %dma_wait3A_113 = tpu.memref_slice %arg8[%dma_wait3A_111, %dma_wait3A_112] : memref<54x64xi32, #tpu.memory_space<vmem>> -> memref<1x64xi32, #tpu.memory_space<vmem>>
        %dma_wait3A_114 = tpu.memref_squeeze %dma_wait3A_113 : memref<1x64xi32, #tpu.memory_space<vmem>> -> memref<64xi32, #tpu.memory_space<vmem>>
        %dma_wait3A_115 = arith.constant 0 : i32
        %dma_wait3A_116 = arith.constant 0 : i32
        %dma_wait3A_117 = tpu.memref_slice %arg3[%dma_wait3A_115, %dma_wait3A_116] : memref<10240x32xf32, #tpu.memory_space<hbm>> -> memref<10240x32xf32, #tpu.memory_space<hbm>>
        tpu.wait_indirect_dma semaphore(%arg16 : memref<!tpu.dma_semaphore, #tpu.memory_space<semaphore_mem>>) src(%dma_wait3A_117 : memref<10240x32xf32, #tpu.memory_space<hbm>>) dst(%arg11 : memref<64x32xf32, #tpu.memory_space<vmem>>)
        %parallel_loop3A = arith.constant 0 : i32
        %parallel_loop3A_118 = arith.constant 64 : i32
        %parallel_loop3A_119 = arith.constant 1 : i32
        scf.for %parallel_loop3A_164 = %parallel_loop3A to %parallel_loop3A_118 step %parallel_loop3A_119  : i32 {
          %parallel_loop3A_165 = arith.index_cast %parallel_loop3A_164 : i32 to index
          %parallel_loop3A_166 = arith.constant 128 : index
          %parallel_loop3A_167 = tpu.vector_load %arg9[%parallel_loop3A_165, %parallel_loop3A_166] {strides = array<i32>} : memref<64x144xf32, #tpu.memory_space<vmem>>, vector<1x16xf32>,
          %parallel_loop3A_168 = vector.shape_cast %parallel_loop3A_167 : vector<1x16xf32> to vector<16xf32>
          %parallel_loop3A_169 = arith.index_cast %parallel_loop3A_164 : i32 to index
          %parallel_loop3A_170 = arith.constant 0 : index
          %parallel_loop3A_171 = tpu.vector_load %arg11[%parallel_loop3A_169, %parallel_loop3A_170] {strides = array<i32>} : memref<64x32xf32, #tpu.memory_space<vmem>>, vector<1x16xf32>,
          %parallel_loop3A_172 = vector.shape_cast %parallel_loop3A_171 : vector<1x16xf32> to vector<16xf32>
          %parallel_loop3A_173 = arith.index_cast %parallel_loop3A_164 : i32 to index
          %parallel_loop3A_174 = arith.constant 16 : index
          %parallel_loop3A_175 = tpu.vector_load %arg11[%parallel_loop3A_173, %parallel_loop3A_174] {strides = array<i32>} : memref<64x32xf32, #tpu.memory_space<vmem>>, vector<1x16xf32>,
          %parallel_loop3A_176 = vector.shape_cast %parallel_loop3A_175 : vector<1x16xf32> to vector<16xf32>
          %parallel_loop3A_177 = arith.addf %parallel_loop3A_168, %parallel_loop3A_172 : vector<16xf32>
          %parallel_loop3A_178 = arith.constant 0.000000e+00 : f32
          %parallel_loop3A_179 = vector.broadcast %parallel_loop3A_178 : f32 to vector<16xf32>
          %parallel_loop3A_180 = arith.cmpf oge, %parallel_loop3A_177, %parallel_loop3A_179 : vector<16xf32>
          %parallel_loop3A_181 = arith.constant 2.000000e-01 : f32
          %parallel_loop3A_182 = vector.broadcast %parallel_loop3A_181 : f32 to vector<16xf32>
          %parallel_loop3A_183 = arith.mulf %parallel_loop3A_182, %parallel_loop3A_177 : vector<16xf32>
          %parallel_loop3A_184 = arith.select %parallel_loop3A_180, %parallel_loop3A_177, %parallel_loop3A_183 : vector<16xi1>, vector<16xf32>
          %parallel_loop3A_185 = arith.subf %parallel_loop3A_184, %parallel_loop3A_176 : vector<16xf32>
          %parallel_loop3A_186 = math.exp %parallel_loop3A_185 : vector<16xf32>
          %parallel_loop3A_187 = vector.shape_cast %reshape3A : vector<16x1xi32> to vector<16xi32>
          %parallel_loop3A_188 = tpu.dynamic_gather %parallel_loop3A_186[%parallel_loop3A_187] in [0] : vector<16xf32>, vector<16xi32> -> vector<16xf32>
          %parallel_loop3A_189 = arith.index_cast %parallel_loop3A_164 : i32 to index
          %parallel_loop3A_190 = arith.constant 0 : index
          %parallel_loop3A_191 = tpu.vector_load %arg9[%parallel_loop3A_189, %parallel_loop3A_190] {strides = array<i32>} : memref<64x144xf32, #tpu.memory_space<vmem>>, vector<1x16xf32>,
          %parallel_loop3A_192 = vector.shape_cast %parallel_loop3A_191 : vector<1x16xf32> to vector<16xf32>
          %parallel_loop3A_193 = arith.mulf %parallel_loop3A_192, %parallel_loop3A_188 : vector<16xf32>
          %parallel_loop3A_194 = arith.index_cast %parallel_loop3A_164 : i32 to index
          %parallel_loop3A_195 = arith.constant 0 : index
          %parallel_loop3A_196 = tpu.vector_load %arg9[%parallel_loop3A_194, %parallel_loop3A_195] {strides = array<i32>} : memref<64x144xf32, #tpu.memory_space<vmem>>, vector<1x16xf32>,
          %parallel_loop3A_197 = vector.shape_cast %parallel_loop3A_196 : vector<1x16xf32> to vector<16xf32>
          %parallel_loop3A_198 = vector.shape_cast %parallel_loop3A_193 : vector<16xf32> to vector<1x16xf32>
          tpu.vector_store %arg9[%parallel_loop3A_194, %parallel_loop3A_195], %parallel_loop3A_198 {strides = array<i32>} : memref<64x144xf32, #tpu.memory_space<vmem>>, vector<1x16xf32>,
          %parallel_loop3A_199 = arith.index_cast %parallel_loop3A_164 : i32 to index
          %parallel_loop3A_200 = arith.constant 16 : index
          %parallel_loop3A_201 = tpu.vector_load %arg9[%parallel_loop3A_199, %parallel_loop3A_200] {strides = array<i32>} : memref<64x144xf32, #tpu.memory_space<vmem>>, vector<1x16xf32>,
          %parallel_loop3A_202 = vector.shape_cast %parallel_loop3A_201 : vector<1x16xf32> to vector<16xf32>
          %parallel_loop3A_203 = arith.mulf %parallel_loop3A_202, %parallel_loop3A_188 : vector<16xf32>
          %parallel_loop3A_204 = arith.index_cast %parallel_loop3A_164 : i32 to index
          %parallel_loop3A_205 = arith.constant 16 : index
          %parallel_loop3A_206 = tpu.vector_load %arg9[%parallel_loop3A_204, %parallel_loop3A_205] {strides = array<i32>} : memref<64x144xf32, #tpu.memory_space<vmem>>, vector<1x16xf32>,
          %parallel_loop3A_207 = vector.shape_cast %parallel_loop3A_206 : vector<1x16xf32> to vector<16xf32>
          %parallel_loop3A_208 = vector.shape_cast %parallel_loop3A_203 : vector<16xf32> to vector<1x16xf32>
          tpu.vector_store %arg9[%parallel_loop3A_204, %parallel_loop3A_205], %parallel_loop3A_208 {strides = array<i32>} : memref<64x144xf32, #tpu.memory_space<vmem>>, vector<1x16xf32>,
          %parallel_loop3A_209 = arith.index_cast %parallel_loop3A_164 : i32 to index
          %parallel_loop3A_210 = arith.constant 32 : index
          %parallel_loop3A_211 = tpu.vector_load %arg9[%parallel_loop3A_209, %parallel_loop3A_210] {strides = array<i32>} : memref<64x144xf32, #tpu.memory_space<vmem>>, vector<1x16xf32>,
          %parallel_loop3A_212 = vector.shape_cast %parallel_loop3A_211 : vector<1x16xf32> to vector<16xf32>
          %parallel_loop3A_213 = arith.mulf %parallel_loop3A_212, %parallel_loop3A_188 : vector<16xf32>
          %parallel_loop3A_214 = arith.index_cast %parallel_loop3A_164 : i32 to index
          %parallel_loop3A_215 = arith.constant 32 : index
          %parallel_loop3A_216 = tpu.vector_load %arg9[%parallel_loop3A_214, %parallel_loop3A_215] {strides = array<i32>} : memref<64x144xf32, #tpu.memory_space<vmem>>, vector<1x16xf32>,
          %parallel_loop3A_217 = vector.shape_cast %parallel_loop3A_216 : vector<1x16xf32> to vector<16xf32>
          %parallel_loop3A_218 = vector.shape_cast %parallel_loop3A_213 : vector<16xf32> to vector<1x16xf32>
          tpu.vector_store %arg9[%parallel_loop3A_214, %parallel_loop3A_215], %parallel_loop3A_218 {strides = array<i32>} : memref<64x144xf32, #tpu.memory_space<vmem>>, vector<1x16xf32>,
          %parallel_loop3A_219 = arith.index_cast %parallel_loop3A_164 : i32 to index
          %parallel_loop3A_220 = arith.constant 48 : index
          %parallel_loop3A_221 = tpu.vector_load %arg9[%parallel_loop3A_219, %parallel_loop3A_220] {strides = array<i32>} : memref<64x144xf32, #tpu.memory_space<vmem>>, vector<1x16xf32>,
          %parallel_loop3A_222 = vector.shape_cast %parallel_loop3A_221 : vector<1x16xf32> to vector<16xf32>
          %parallel_loop3A_223 = arith.mulf %parallel_loop3A_222, %parallel_loop3A_188 : vector<16xf32>
          %parallel_loop3A_224 = arith.index_cast %parallel_loop3A_164 : i32 to index
          %parallel_loop3A_225 = arith.constant 48 : index
          %parallel_loop3A_226 = tpu.vector_load %arg9[%parallel_loop3A_224, %parallel_loop3A_225] {strides = array<i32>} : memref<64x144xf32, #tpu.memory_space<vmem>>, vector<1x16xf32>,
          %parallel_loop3A_227 = vector.shape_cast %parallel_loop3A_226 : vector<1x16xf32> to vector<16xf32>
          %parallel_loop3A_228 = vector.shape_cast %parallel_loop3A_223 : vector<16xf32> to vector<1x16xf32>
          tpu.vector_store %arg9[%parallel_loop3A_224, %parallel_loop3A_225], %parallel_loop3A_228 {strides = array<i32>} : memref<64x144xf32, #tpu.memory_space<vmem>>, vector<1x16xf32>,
          %parallel_loop3A_229 = arith.index_cast %parallel_loop3A_164 : i32 to index
          %parallel_loop3A_230 = arith.constant 64 : index
          %parallel_loop3A_231 = tpu.vector_load %arg9[%parallel_loop3A_229, %parallel_loop3A_230] {strides = array<i32>} : memref<64x144xf32, #tpu.memory_space<vmem>>, vector<1x16xf32>,
          %parallel_loop3A_232 = vector.shape_cast %parallel_loop3A_231 : vector<1x16xf32> to vector<16xf32>
          %parallel_loop3A_233 = arith.mulf %parallel_loop3A_232, %parallel_loop3A_188 : vector<16xf32>
          %parallel_loop3A_234 = arith.index_cast %parallel_loop3A_164 : i32 to index
          %parallel_loop3A_235 = arith.constant 64 : index
          %parallel_loop3A_236 = tpu.vector_load %arg9[%parallel_loop3A_234, %parallel_loop3A_235] {strides = array<i32>} : memref<64x144xf32, #tpu.memory_space<vmem>>, vector<1x16xf32>,
          %parallel_loop3A_237 = vector.shape_cast %parallel_loop3A_236 : vector<1x16xf32> to vector<16xf32>
          %parallel_loop3A_238 = vector.shape_cast %parallel_loop3A_233 : vector<16xf32> to vector<1x16xf32>
          tpu.vector_store %arg9[%parallel_loop3A_234, %parallel_loop3A_235], %parallel_loop3A_238 {strides = array<i32>} : memref<64x144xf32, #tpu.memory_space<vmem>>, vector<1x16xf32>,
          %parallel_loop3A_239 = arith.index_cast %parallel_loop3A_164 : i32 to index
          %parallel_loop3A_240 = arith.constant 80 : index
          %parallel_loop3A_241 = tpu.vector_load %arg9[%parallel_loop3A_239, %parallel_loop3A_240] {strides = array<i32>} : memref<64x144xf32, #tpu.memory_space<vmem>>, vector<1x16xf32>,
          %parallel_loop3A_242 = vector.shape_cast %parallel_loop3A_241 : vector<1x16xf32> to vector<16xf32>
          %parallel_loop3A_243 = arith.mulf %parallel_loop3A_242, %parallel_loop3A_188 : vector<16xf32>
          %parallel_loop3A_244 = arith.index_cast %parallel_loop3A_164 : i32 to index
          %parallel_loop3A_245 = arith.constant 80 : index
          %parallel_loop3A_246 = tpu.vector_load %arg9[%parallel_loop3A_244, %parallel_loop3A_245] {strides = array<i32>} : memref<64x144xf32, #tpu.memory_space<vmem>>, vector<1x16xf32>,
          %parallel_loop3A_247 = vector.shape_cast %parallel_loop3A_246 : vector<1x16xf32> to vector<16xf32>
          %parallel_loop3A_248 = vector.shape_cast %parallel_loop3A_243 : vector<16xf32> to vector<1x16xf32>
          tpu.vector_store %arg9[%parallel_loop3A_244, %parallel_loop3A_245], %parallel_loop3A_248 {strides = array<i32>} : memref<64x144xf32, #tpu.memory_space<vmem>>, vector<1x16xf32>,
          %parallel_loop3A_249 = arith.index_cast %parallel_loop3A_164 : i32 to index
          %parallel_loop3A_250 = arith.constant 96 : index
          %parallel_loop3A_251 = tpu.vector_load %arg9[%parallel_loop3A_249, %parallel_loop3A_250] {strides = array<i32>} : memref<64x144xf32, #tpu.memory_space<vmem>>, vector<1x16xf32>,
          %parallel_loop3A_252 = vector.shape_cast %parallel_loop3A_251 : vector<1x16xf32> to vector<16xf32>
          %parallel_loop3A_253 = arith.mulf %parallel_loop3A_252, %parallel_loop3A_188 : vector<16xf32>
          %parallel_loop3A_254 = arith.index_cast %parallel_loop3A_164 : i32 to index
          %parallel_loop3A_255 = arith.constant 96 : index
          %parallel_loop3A_256 = tpu.vector_load %arg9[%parallel_loop3A_254, %parallel_loop3A_255] {strides = array<i32>} : memref<64x144xf32, #tpu.memory_space<vmem>>, vector<1x16xf32>,
          %parallel_loop3A_257 = vector.shape_cast %parallel_loop3A_256 : vector<1x16xf32> to vector<16xf32>
          %parallel_loop3A_258 = vector.shape_cast %parallel_loop3A_253 : vector<16xf32> to vector<1x16xf32>
          tpu.vector_store %arg9[%parallel_loop3A_254, %parallel_loop3A_255], %parallel_loop3A_258 {strides = array<i32>} : memref<64x144xf32, #tpu.memory_space<vmem>>, vector<1x16xf32>,
          %parallel_loop3A_259 = arith.index_cast %parallel_loop3A_164 : i32 to index
          %parallel_loop3A_260 = arith.constant 112 : index
          %parallel_loop3A_261 = tpu.vector_load %arg9[%parallel_loop3A_259, %parallel_loop3A_260] {strides = array<i32>} : memref<64x144xf32, #tpu.memory_space<vmem>>, vector<1x16xf32>,
          %parallel_loop3A_262 = vector.shape_cast %parallel_loop3A_261 : vector<1x16xf32> to vector<16xf32>
          %parallel_loop3A_263 = arith.mulf %parallel_loop3A_262, %parallel_loop3A_188 : vector<16xf32>
          %parallel_loop3A_264 = arith.index_cast %parallel_loop3A_164 : i32 to index
          %parallel_loop3A_265 = arith.constant 112 : index
          %parallel_loop3A_266 = tpu.vector_load %arg9[%parallel_loop3A_264, %parallel_loop3A_265] {strides = array<i32>} : memref<64x144xf32, #tpu.memory_space<vmem>>, vector<1x16xf32>,
          %parallel_loop3A_267 = vector.shape_cast %parallel_loop3A_266 : vector<1x16xf32> to vector<16xf32>
          %parallel_loop3A_268 = vector.shape_cast %parallel_loop3A_263 : vector<16xf32> to vector<1x16xf32>
          tpu.vector_store %arg9[%parallel_loop3A_264, %parallel_loop3A_265], %parallel_loop3A_268 {strides = array<i32>} : memref<64x144xf32, #tpu.memory_space<vmem>>, vector<1x16xf32>,
          %parallel_loop3A_269 = arith.select %lt3A_2, %parallel_loop3A_186, %broadcast_in_dim3A_3 : vector<16xi1>, vector<16xf32>
          %parallel_loop3A_270 = arith.index_cast %parallel_loop3A_164 : i32 to index
          %parallel_loop3A_271 = arith.constant 128 : index
          %parallel_loop3A_272 = tpu.vector_load %arg9[%parallel_loop3A_270, %parallel_loop3A_271] {strides = array<i32>} : memref<64x144xf32, #tpu.memory_space<vmem>>, vector<1x16xf32>,
          %parallel_loop3A_273 = vector.shape_cast %parallel_loop3A_272 : vector<1x16xf32> to vector<16xf32>
          %parallel_loop3A_274 = vector.shape_cast %parallel_loop3A_269 : vector<16xf32> to vector<1x16xf32>
          tpu.vector_store %arg9[%parallel_loop3A_270, %parallel_loop3A_271], %parallel_loop3A_274 {strides = array<i32>} : memref<64x144xf32, #tpu.memory_space<vmem>>, vector<1x16xf32>,
        } {sc.loop_unroll_factor = 4 : i64, sc.parallel_access}
        %dma_start3A_120 = arith.constant 0 : i32
        %dma_start3A_121 = tpu.memref_slice %arg8[%mul3A_87, %dma_start3A_120] : memref<54x64xi32, #tpu.memory_space<vmem>> -> memref<1x64xi32, #tpu.memory_space<vmem>>
        %dma_start3A_122 = tpu.memref_squeeze %dma_start3A_121 : memref<1x64xi32, #tpu.memory_space<vmem>> -> memref<64xi32, #tpu.memory_space<vmem>>
        %dma_start3A_123 = arith.constant 0 : i32
        %dma_start3A_124 = arith.constant 0 : i32
        %dma_start3A_125 = tpu.memref_slice %arg13[%dma_start3A_123, %dma_start3A_124] : memref<10240x144xf32, #tpu.memory_space<vmem_shared>> -> memref<10240x144xf32, #tpu.memory_space<vmem_shared>>
        tpu.enqueue_indirect_dma source(%arg9 : memref<64x144xf32, #tpu.memory_space<vmem>>) target(%dma_start3A_125 : memref<10240x144xf32, #tpu.memory_space<vmem_shared>>) offsets(%dma_start3A_122 : memref<64xi32, #tpu.memory_space<vmem>>) semaphore(%arg18 : memref<!tpu.dma_semaphore, #tpu.memory_space<semaphore_mem>>) {add = true}
        %dma_wait3A_126 = arith.constant 0 : i32
        %dma_wait3A_127 = arith.constant 0 : i32
        %dma_wait3A_128 = tpu.memref_slice %arg7[%dma_wait3A_126, %dma_wait3A_127] : memref<54x64xi32, #tpu.memory_space<vmem>> -> memref<1x64xi32, #tpu.memory_space<vmem>>
        %dma_wait3A_129 = tpu.memref_squeeze %dma_wait3A_128 : memref<1x64xi32, #tpu.memory_space<vmem>> -> memref<64xi32, #tpu.memory_space<vmem>>
        %dma_wait3A_130 = arith.constant 0 : i32
        %dma_wait3A_131 = arith.constant 0 : i32
        %dma_wait3A_132 = tpu.memref_slice %arg2[%dma_wait3A_130, %dma_wait3A_131] : memref<10240x144xf32, #tpu.memory_space<hbm>> -> memref<10240x144xf32, #tpu.memory_space<hbm>>
        tpu.wait_indirect_dma semaphore(%arg15 : memref<!tpu.dma_semaphore, #tpu.memory_space<semaphore_mem>>) src(%dma_wait3A_132 : memref<10240x144xf32, #tpu.memory_space<hbm>>) dst(%arg10 : memref<64x144xf32, #tpu.memory_space<vmem>>)
        %dma_wait3A_133 = arith.constant 0 : i32
        %dma_wait3A_134 = arith.constant 0 : i32
        %dma_wait3A_135 = tpu.memref_slice %arg8[%dma_wait3A_133, %dma_wait3A_134] : memref<54x64xi32, #tpu.memory_space<vmem>> -> memref<1x64xi32, #tpu.memory_space<vmem>>
        %dma_wait3A_136 = tpu.memref_squeeze %dma_wait3A_135 : memref<1x64xi32, #tpu.memory_space<vmem>> -> memref<64xi32, #tpu.memory_space<vmem>>
        %dma_wait3A_137 = arith.constant 0 : i32
        %dma_wait3A_138 = arith.constant 0 : i32
        %dma_wait3A_139 = tpu.memref_slice %arg3[%dma_wait3A_137, %dma_wait3A_138] : memref<10240x32xf32, #tpu.memory_space<hbm>> -> memref<10240x32xf32, #tpu.memory_space<hbm>>
        tpu.wait_indirect_dma semaphore(%arg17 : memref<!tpu.dma_semaphore, #tpu.memory_space<semaphore_mem>>) src(%dma_wait3A_139 : memref<10240x32xf32, #tpu.memory_space<hbm>>) dst(%arg12 : memref<64x32xf32, #tpu.memory_space<vmem>>)
        %parallel_loop3A_140 = arith.constant 0 : i32
        %parallel_loop3A_141 = arith.constant 64 : i32
        %parallel_loop3A_142 = arith.constant 1 : i32
        scf.for %parallel_loop3A_164 = %parallel_loop3A_140 to %parallel_loop3A_141 step %parallel_loop3A_142  : i32 {
          %parallel_loop3A_165 = arith.index_cast %parallel_loop3A_164 : i32 to index
          %parallel_loop3A_166 = arith.constant 128 : index
          %parallel_loop3A_167 = tpu.vector_load %arg10[%parallel_loop3A_165, %parallel_loop3A_166] {strides = array<i32>} : memref<64x144xf32, #tpu.memory_space<vmem>>, vector<1x16xf32>,
          %parallel_loop3A_168 = vector.shape_cast %parallel_loop3A_167 : vector<1x16xf32> to vector<16xf32>
          %parallel_loop3A_169 = arith.index_cast %parallel_loop3A_164 : i32 to index
          %parallel_loop3A_170 = arith.constant 0 : index
          %parallel_loop3A_171 = tpu.vector_load %arg12[%parallel_loop3A_169, %parallel_loop3A_170] {strides = array<i32>} : memref<64x32xf32, #tpu.memory_space<vmem>>, vector<1x16xf32>,
          %parallel_loop3A_172 = vector.shape_cast %parallel_loop3A_171 : vector<1x16xf32> to vector<16xf32>
          %parallel_loop3A_173 = arith.index_cast %parallel_loop3A_164 : i32 to index
          %parallel_loop3A_174 = arith.constant 16 : index
          %parallel_loop3A_175 = tpu.vector_load %arg12[%parallel_loop3A_173, %parallel_loop3A_174] {strides = array<i32>} : memref<64x32xf32, #tpu.memory_space<vmem>>, vector<1x16xf32>,
          %parallel_loop3A_176 = vector.shape_cast %parallel_loop3A_175 : vector<1x16xf32> to vector<16xf32>
          %parallel_loop3A_177 = arith.addf %parallel_loop3A_168, %parallel_loop3A_172 : vector<16xf32>
          %parallel_loop3A_178 = arith.constant 0.000000e+00 : f32
          %parallel_loop3A_179 = vector.broadcast %parallel_loop3A_178 : f32 to vector<16xf32>
          %parallel_loop3A_180 = arith.cmpf oge, %parallel_loop3A_177, %parallel_loop3A_179 : vector<16xf32>
          %parallel_loop3A_181 = arith.constant 2.000000e-01 : f32
          %parallel_loop3A_182 = vector.broadcast %parallel_loop3A_181 : f32 to vector<16xf32>
          %parallel_loop3A_183 = arith.mulf %parallel_loop3A_182, %parallel_loop3A_177 : vector<16xf32>
          %parallel_loop3A_184 = arith.select %parallel_loop3A_180, %parallel_loop3A_177, %parallel_loop3A_183 : vector<16xi1>, vector<16xf32>
          %parallel_loop3A_185 = arith.subf %parallel_loop3A_184, %parallel_loop3A_176 : vector<16xf32>
          %parallel_loop3A_186 = math.exp %parallel_loop3A_185 : vector<16xf32>
          %parallel_loop3A_187 = vector.shape_cast %reshape3A : vector<16x1xi32> to vector<16xi32>
          %parallel_loop3A_188 = tpu.dynamic_gather %parallel_loop3A_186[%parallel_loop3A_187] in [0] : vector<16xf32>, vector<16xi32> -> vector<16xf32>
          %parallel_loop3A_189 = arith.index_cast %parallel_loop3A_164 : i32 to index
          %parallel_loop3A_190 = arith.constant 0 : index
          %parallel_loop3A_191 = tpu.vector_load %arg10[%parallel_loop3A_189, %parallel_loop3A_190] {strides = array<i32>} : memref<64x144xf32, #tpu.memory_space<vmem>>, vector<1x16xf32>,
          %parallel_loop3A_192 = vector.shape_cast %parallel_loop3A_191 : vector<1x16xf32> to vector<16xf32>
          %parallel_loop3A_193 = arith.mulf %parallel_loop3A_192, %parallel_loop3A_188 : vector<16xf32>
          %parallel_loop3A_194 = arith.index_cast %parallel_loop3A_164 : i32 to index
          %parallel_loop3A_195 = arith.constant 0 : index
          %parallel_loop3A_196 = tpu.vector_load %arg10[%parallel_loop3A_194, %parallel_loop3A_195] {strides = array<i32>} : memref<64x144xf32, #tpu.memory_space<vmem>>, vector<1x16xf32>,
          %parallel_loop3A_197 = vector.shape_cast %parallel_loop3A_196 : vector<1x16xf32> to vector<16xf32>
          %parallel_loop3A_198 = vector.shape_cast %parallel_loop3A_193 : vector<16xf32> to vector<1x16xf32>
          tpu.vector_store %arg10[%parallel_loop3A_194, %parallel_loop3A_195], %parallel_loop3A_198 {strides = array<i32>} : memref<64x144xf32, #tpu.memory_space<vmem>>, vector<1x16xf32>,
          %parallel_loop3A_199 = arith.index_cast %parallel_loop3A_164 : i32 to index
          %parallel_loop3A_200 = arith.constant 16 : index
          %parallel_loop3A_201 = tpu.vector_load %arg10[%parallel_loop3A_199, %parallel_loop3A_200] {strides = array<i32>} : memref<64x144xf32, #tpu.memory_space<vmem>>, vector<1x16xf32>,
          %parallel_loop3A_202 = vector.shape_cast %parallel_loop3A_201 : vector<1x16xf32> to vector<16xf32>
          %parallel_loop3A_203 = arith.mulf %parallel_loop3A_202, %parallel_loop3A_188 : vector<16xf32>
          %parallel_loop3A_204 = arith.index_cast %parallel_loop3A_164 : i32 to index
          %parallel_loop3A_205 = arith.constant 16 : index
          %parallel_loop3A_206 = tpu.vector_load %arg10[%parallel_loop3A_204, %parallel_loop3A_205] {strides = array<i32>} : memref<64x144xf32, #tpu.memory_space<vmem>>, vector<1x16xf32>,
          %parallel_loop3A_207 = vector.shape_cast %parallel_loop3A_206 : vector<1x16xf32> to vector<16xf32>
          %parallel_loop3A_208 = vector.shape_cast %parallel_loop3A_203 : vector<16xf32> to vector<1x16xf32>
          tpu.vector_store %arg10[%parallel_loop3A_204, %parallel_loop3A_205], %parallel_loop3A_208 {strides = array<i32>} : memref<64x144xf32, #tpu.memory_space<vmem>>, vector<1x16xf32>,
          %parallel_loop3A_209 = arith.index_cast %parallel_loop3A_164 : i32 to index
          %parallel_loop3A_210 = arith.constant 32 : index
          %parallel_loop3A_211 = tpu.vector_load %arg10[%parallel_loop3A_209, %parallel_loop3A_210] {strides = array<i32>} : memref<64x144xf32, #tpu.memory_space<vmem>>, vector<1x16xf32>,
          %parallel_loop3A_212 = vector.shape_cast %parallel_loop3A_211 : vector<1x16xf32> to vector<16xf32>
          %parallel_loop3A_213 = arith.mulf %parallel_loop3A_212, %parallel_loop3A_188 : vector<16xf32>
          %parallel_loop3A_214 = arith.index_cast %parallel_loop3A_164 : i32 to index
          %parallel_loop3A_215 = arith.constant 32 : index
          %parallel_loop3A_216 = tpu.vector_load %arg10[%parallel_loop3A_214, %parallel_loop3A_215] {strides = array<i32>} : memref<64x144xf32, #tpu.memory_space<vmem>>, vector<1x16xf32>,
          %parallel_loop3A_217 = vector.shape_cast %parallel_loop3A_216 : vector<1x16xf32> to vector<16xf32>
          %parallel_loop3A_218 = vector.shape_cast %parallel_loop3A_213 : vector<16xf32> to vector<1x16xf32>
          tpu.vector_store %arg10[%parallel_loop3A_214, %parallel_loop3A_215], %parallel_loop3A_218 {strides = array<i32>} : memref<64x144xf32, #tpu.memory_space<vmem>>, vector<1x16xf32>,
          %parallel_loop3A_219 = arith.index_cast %parallel_loop3A_164 : i32 to index
          %parallel_loop3A_220 = arith.constant 48 : index
          %parallel_loop3A_221 = tpu.vector_load %arg10[%parallel_loop3A_219, %parallel_loop3A_220] {strides = array<i32>} : memref<64x144xf32, #tpu.memory_space<vmem>>, vector<1x16xf32>,
          %parallel_loop3A_222 = vector.shape_cast %parallel_loop3A_221 : vector<1x16xf32> to vector<16xf32>
          %parallel_loop3A_223 = arith.mulf %parallel_loop3A_222, %parallel_loop3A_188 : vector<16xf32>
          %parallel_loop3A_224 = arith.index_cast %parallel_loop3A_164 : i32 to index
          %parallel_loop3A_225 = arith.constant 48 : index
          %parallel_loop3A_226 = tpu.vector_load %arg10[%parallel_loop3A_224, %parallel_loop3A_225] {strides = array<i32>} : memref<64x144xf32, #tpu.memory_space<vmem>>, vector<1x16xf32>,
          %parallel_loop3A_227 = vector.shape_cast %parallel_loop3A_226 : vector<1x16xf32> to vector<16xf32>
          %parallel_loop3A_228 = vector.shape_cast %parallel_loop3A_223 : vector<16xf32> to vector<1x16xf32>
          tpu.vector_store %arg10[%parallel_loop3A_224, %parallel_loop3A_225], %parallel_loop3A_228 {strides = array<i32>} : memref<64x144xf32, #tpu.memory_space<vmem>>, vector<1x16xf32>,
          %parallel_loop3A_229 = arith.index_cast %parallel_loop3A_164 : i32 to index
          %parallel_loop3A_230 = arith.constant 64 : index
          %parallel_loop3A_231 = tpu.vector_load %arg10[%parallel_loop3A_229, %parallel_loop3A_230] {strides = array<i32>} : memref<64x144xf32, #tpu.memory_space<vmem>>, vector<1x16xf32>,
          %parallel_loop3A_232 = vector.shape_cast %parallel_loop3A_231 : vector<1x16xf32> to vector<16xf32>
          %parallel_loop3A_233 = arith.mulf %parallel_loop3A_232, %parallel_loop3A_188 : vector<16xf32>
          %parallel_loop3A_234 = arith.index_cast %parallel_loop3A_164 : i32 to index
          %parallel_loop3A_235 = arith.constant 64 : index
          %parallel_loop3A_236 = tpu.vector_load %arg10[%parallel_loop3A_234, %parallel_loop3A_235] {strides = array<i32>} : memref<64x144xf32, #tpu.memory_space<vmem>>, vector<1x16xf32>,
          %parallel_loop3A_237 = vector.shape_cast %parallel_loop3A_236 : vector<1x16xf32> to vector<16xf32>
          %parallel_loop3A_238 = vector.shape_cast %parallel_loop3A_233 : vector<16xf32> to vector<1x16xf32>
          tpu.vector_store %arg10[%parallel_loop3A_234, %parallel_loop3A_235], %parallel_loop3A_238 {strides = array<i32>} : memref<64x144xf32, #tpu.memory_space<vmem>>, vector<1x16xf32>,
          %parallel_loop3A_239 = arith.index_cast %parallel_loop3A_164 : i32 to index
          %parallel_loop3A_240 = arith.constant 80 : index
          %parallel_loop3A_241 = tpu.vector_load %arg10[%parallel_loop3A_239, %parallel_loop3A_240] {strides = array<i32>} : memref<64x144xf32, #tpu.memory_space<vmem>>, vector<1x16xf32>,
          %parallel_loop3A_242 = vector.shape_cast %parallel_loop3A_241 : vector<1x16xf32> to vector<16xf32>
          %parallel_loop3A_243 = arith.mulf %parallel_loop3A_242, %parallel_loop3A_188 : vector<16xf32>
          %parallel_loop3A_244 = arith.index_cast %parallel_loop3A_164 : i32 to index
          %parallel_loop3A_245 = arith.constant 80 : index
          %parallel_loop3A_246 = tpu.vector_load %arg10[%parallel_loop3A_244, %parallel_loop3A_245] {strides = array<i32>} : memref<64x144xf32, #tpu.memory_space<vmem>>, vector<1x16xf32>,
          %parallel_loop3A_247 = vector.shape_cast %parallel_loop3A_246 : vector<1x16xf32> to vector<16xf32>
          %parallel_loop3A_248 = vector.shape_cast %parallel_loop3A_243 : vector<16xf32> to vector<1x16xf32>
          tpu.vector_store %arg10[%parallel_loop3A_244, %parallel_loop3A_245], %parallel_loop3A_248 {strides = array<i32>} : memref<64x144xf32, #tpu.memory_space<vmem>>, vector<1x16xf32>,
          %parallel_loop3A_249 = arith.index_cast %parallel_loop3A_164 : i32 to index
          %parallel_loop3A_250 = arith.constant 96 : index
          %parallel_loop3A_251 = tpu.vector_load %arg10[%parallel_loop3A_249, %parallel_loop3A_250] {strides = array<i32>} : memref<64x144xf32, #tpu.memory_space<vmem>>, vector<1x16xf32>,
          %parallel_loop3A_252 = vector.shape_cast %parallel_loop3A_251 : vector<1x16xf32> to vector<16xf32>
          %parallel_loop3A_253 = arith.mulf %parallel_loop3A_252, %parallel_loop3A_188 : vector<16xf32>
          %parallel_loop3A_254 = arith.index_cast %parallel_loop3A_164 : i32 to index
          %parallel_loop3A_255 = arith.constant 96 : index
          %parallel_loop3A_256 = tpu.vector_load %arg10[%parallel_loop3A_254, %parallel_loop3A_255] {strides = array<i32>} : memref<64x144xf32, #tpu.memory_space<vmem>>, vector<1x16xf32>,
          %parallel_loop3A_257 = vector.shape_cast %parallel_loop3A_256 : vector<1x16xf32> to vector<16xf32>
          %parallel_loop3A_258 = vector.shape_cast %parallel_loop3A_253 : vector<16xf32> to vector<1x16xf32>
          tpu.vector_store %arg10[%parallel_loop3A_254, %parallel_loop3A_255], %parallel_loop3A_258 {strides = array<i32>} : memref<64x144xf32, #tpu.memory_space<vmem>>, vector<1x16xf32>,
          %parallel_loop3A_259 = arith.index_cast %parallel_loop3A_164 : i32 to index
          %parallel_loop3A_260 = arith.constant 112 : index
          %parallel_loop3A_261 = tpu.vector_load %arg10[%parallel_loop3A_259, %parallel_loop3A_260] {strides = array<i32>} : memref<64x144xf32, #tpu.memory_space<vmem>>, vector<1x16xf32>,
          %parallel_loop3A_262 = vector.shape_cast %parallel_loop3A_261 : vector<1x16xf32> to vector<16xf32>
          %parallel_loop3A_263 = arith.mulf %parallel_loop3A_262, %parallel_loop3A_188 : vector<16xf32>
          %parallel_loop3A_264 = arith.index_cast %parallel_loop3A_164 : i32 to index
          %parallel_loop3A_265 = arith.constant 112 : index
          %parallel_loop3A_266 = tpu.vector_load %arg10[%parallel_loop3A_264, %parallel_loop3A_265] {strides = array<i32>} : memref<64x144xf32, #tpu.memory_space<vmem>>, vector<1x16xf32>,
          %parallel_loop3A_267 = vector.shape_cast %parallel_loop3A_266 : vector<1x16xf32> to vector<16xf32>
          %parallel_loop3A_268 = vector.shape_cast %parallel_loop3A_263 : vector<16xf32> to vector<1x16xf32>
          tpu.vector_store %arg10[%parallel_loop3A_264, %parallel_loop3A_265], %parallel_loop3A_268 {strides = array<i32>} : memref<64x144xf32, #tpu.memory_space<vmem>>, vector<1x16xf32>,
          %parallel_loop3A_269 = arith.select %lt3A_2, %parallel_loop3A_186, %broadcast_in_dim3A_3 : vector<16xi1>, vector<16xf32>
          %parallel_loop3A_270 = arith.index_cast %parallel_loop3A_164 : i32 to index
          %parallel_loop3A_271 = arith.constant 128 : index
          %parallel_loop3A_272 = tpu.vector_load %arg10[%parallel_loop3A_270, %parallel_loop3A_271] {strides = array<i32>} : memref<64x144xf32, #tpu.memory_space<vmem>>, vector<1x16xf32>,
          %parallel_loop3A_273 = vector.shape_cast %parallel_loop3A_272 : vector<1x16xf32> to vector<16xf32>
          %parallel_loop3A_274 = vector.shape_cast %parallel_loop3A_269 : vector<16xf32> to vector<1x16xf32>
          tpu.vector_store %arg10[%parallel_loop3A_270, %parallel_loop3A_271], %parallel_loop3A_274 {strides = array<i32>} : memref<64x144xf32, #tpu.memory_space<vmem>>, vector<1x16xf32>,
        } {sc.loop_unroll_factor = 4 : i64, sc.parallel_access}
        %dma_wait3A_143 = arith.constant 0 : i32
        %dma_wait3A_144 = arith.constant 0 : i32
        %dma_wait3A_145 = tpu.memref_slice %arg8[%dma_wait3A_143, %dma_wait3A_144] : memref<54x64xi32, #tpu.memory_space<vmem>> -> memref<1x64xi32, #tpu.memory_space<vmem>>
        %dma_wait3A_146 = tpu.memref_squeeze %dma_wait3A_145 : memref<1x64xi32, #tpu.memory_space<vmem>> -> memref<64xi32, #tpu.memory_space<vmem>>
        %dma_wait3A_147 = arith.constant 0 : i32
        %dma_wait3A_148 = arith.constant 0 : i32
        %dma_wait3A_149 = tpu.memref_slice %arg13[%dma_wait3A_147, %dma_wait3A_148] : memref<10240x144xf32, #tpu.memory_space<vmem_shared>> -> memref<10240x144xf32, #tpu.memory_space<vmem_shared>>
        tpu.wait_indirect_dma semaphore(%arg18 : memref<!tpu.dma_semaphore, #tpu.memory_space<semaphore_mem>>) src(%arg9 : memref<64x144xf32, #tpu.memory_space<vmem>>) dst(%dma_wait3A_149 : memref<10240x144xf32, #tpu.memory_space<vmem_shared>>)
        %lt3A_150 = arith.constant 26 : i32
        %lt3A_151 = arith.cmpi slt, %scan3A_84, %lt3A_150 : i32
        %convert_element_type3A_152 = arith.extui %lt3A_151 : i1 to i32
        %cond3A_153 = arith.constant 0 : i32
        %cond3A_154 = arith.cmpi ne, %convert_element_type3A_152, %cond3A_153 : i32
        scf.if %cond3A_154 {
          %add3A_164 = arith.constant 2 : i32
          %add3A_165 = arith.addi %mul3A_87, %add3A_164 : i32
          %dma_start3A_166 = arith.constant 0 : i32
          %dma_start3A_167 = tpu.memref_slice %arg7[%add3A_165, %dma_start3A_166] : memref<54x64xi32, #tpu.memory_space<vmem>> -> memref<1x64xi32, #tpu.memory_space<vmem>>
          %dma_start3A_168 = tpu.memref_squeeze %dma_start3A_167 : memref<1x64xi32, #tpu.memory_space<vmem>> -> memref<64xi32, #tpu.memory_space<vmem>>
          %dma_start3A_169 = arith.constant 0 : i32
          %dma_start3A_170 = arith.constant 0 : i32
          %dma_start3A_171 = tpu.memref_slice %arg2[%dma_start3A_169, %dma_start3A_170] : memref<10240x144xf32, #tpu.memory_space<hbm>> -> memref<10240x144xf32, #tpu.memory_space<hbm>>
          tpu.enqueue_indirect_dma source(%dma_start3A_171 : memref<10240x144xf32, #tpu.memory_space<hbm>>) target(%arg9 : memref<64x144xf32, #tpu.memory_space<vmem>>) offsets(%dma_start3A_168 : memref<64xi32, #tpu.memory_space<vmem>>) semaphore(%arg14 : memref<!tpu.dma_semaphore, #tpu.memory_space<semaphore_mem>>)
          %dma_start3A_172 = arith.constant 0 : i32
          %dma_start3A_173 = tpu.memref_slice %arg8[%add3A_165, %dma_start3A_172] : memref<54x64xi32, #tpu.memory_space<vmem>> -> memref<1x64xi32, #tpu.memory_space<vmem>>
          %dma_start3A_174 = tpu.memref_squeeze %dma_start3A_173 : memref<1x64xi32, #tpu.memory_space<vmem>> -> memref<64xi32, #tpu.memory_space<vmem>>
          %dma_start3A_175 = arith.constant 0 : i32
          %dma_start3A_176 = arith.constant 0 : i32
          %dma_start3A_177 = tpu.memref_slice %arg3[%dma_start3A_175, %dma_start3A_176] : memref<10240x32xf32, #tpu.memory_space<hbm>> -> memref<10240x32xf32, #tpu.memory_space<hbm>>
          tpu.enqueue_indirect_dma source(%dma_start3A_177 : memref<10240x32xf32, #tpu.memory_space<hbm>>) target(%arg11 : memref<64x32xf32, #tpu.memory_space<vmem>>) offsets(%dma_start3A_174 : memref<64xi32, #tpu.memory_space<vmem>>) semaphore(%arg16 : memref<!tpu.dma_semaphore, #tpu.memory_space<semaphore_mem>>)
        } else {
        }
        %add3A_155 = arith.constant 1 : i32
        %add3A_156 = arith.addi %mul3A_87, %add3A_155 : i32
        %dma_start3A_157 = arith.constant 0 : i32
        %dma_start3A_158 = tpu.memref_slice %arg8[%add3A_156, %dma_start3A_157] : memref<54x64xi32, #tpu.memory_space<vmem>> -> memref<1x64xi32, #tpu.memory_space<vmem>>
        %dma_start3A_159 = tpu.memref_squeeze %dma_start3A_158 : memref<1x64xi32, #tpu.memory_space<vmem>> -> memref<64xi32, #tpu.memory_space<vmem>>
        %dma_start3A_160 = arith.constant 0 : i32
        %dma_start3A_161 = arith.constant 0 : i32
        %dma_start3A_162 = tpu.memref_slice %arg13[%dma_start3A_160, %dma_start3A_161] : memref<10240x144xf32, #tpu.memory_space<vmem_shared>> -> memref<10240x144xf32, #tpu.memory_space<vmem_shared>>
        tpu.enqueue_indirect_dma source(%arg10 : memref<64x144xf32, #tpu.memory_space<vmem>>) target(%dma_start3A_162 : memref<10240x144xf32, #tpu.memory_space<vmem_shared>>) offsets(%dma_start3A_159 : memref<64xi32, #tpu.memory_space<vmem>>) semaphore(%arg19 : memref<!tpu.dma_semaphore, #tpu.memory_space<semaphore_mem>>) {add = true}
        %scan3A_163 = arith.constant 0 : i32
        scf.yield %scan3A_163 : i32
      }
      %scan3A_76 = arith.constant 27 : i32
      %dma_wait3A = arith.constant 0 : i32
      %dma_wait3A_77 = arith.constant 0 : i32
      %dma_wait3A_78 = tpu.memref_slice %arg8[%dma_wait3A, %dma_wait3A_77] : memref<54x64xi32, #tpu.memory_space<vmem>> -> memref<1x64xi32, #tpu.memory_space<vmem>>
      %dma_wait3A_79 = tpu.memref_squeeze %dma_wait3A_78 : memref<1x64xi32, #tpu.memory_space<vmem>> -> memref<64xi32, #tpu.memory_space<vmem>>
      %dma_wait3A_80 = arith.constant 0 : i32
      %dma_wait3A_81 = arith.constant 0 : i32
      %dma_wait3A_82 = tpu.memref_slice %arg13[%dma_wait3A_80, %dma_wait3A_81] : memref<10240x144xf32, #tpu.memory_space<vmem_shared>> -> memref<10240x144xf32, #tpu.memory_space<vmem_shared>>
      tpu.wait_indirect_dma semaphore(%arg19 : memref<!tpu.dma_semaphore, #tpu.memory_space<semaphore_mem>>) src(%arg10 : memref<64x144xf32, #tpu.memory_space<vmem>>) dst(%dma_wait3A_82 : memref<10240x144xf32, #tpu.memory_space<vmem_shared>>)
      %scan3A_83 = arith.constant 0 : i32
      scf.yield %scan3A_83 : i32
    }
    %scan3A_41 = arith.constant 3 : i32
    %barrier3A_42 = arith.constant 0 : index
    tpu.barrier barrier_id(%barrier3A_42)
    %scan3A_43 = arith.constant 0 : i32
    %scan3A_44 = arith.constant 0 : i32
    %scan3A_45 = arith.constant 10 : i32
    %scan3A_46 = arith.addi %scan3A_44, %scan3A_45 : i32
    %scan3A_47 = arith.constant 1 : i32
    %scan3A_48 = scf.for %scan3A_50 = %scan3A_44 to %scan3A_46 step %scan3A_47 iter_args(%scan3A_51 = %scan3A_43) -> (i32)  : i32 {
      %mul3A_52 = arith.constant 64 : i32
      %mul3A_53 = arith.muli %scan3A_50, %mul3A_52 : i32
      %add3A_54 = arith.addi %mul3A_11, %mul3A_53 : i32
      %mul3A_55 = arith.constant 64 : i32
      %mul3A_56 = arith.muli %scan3A_50, %mul3A_55 : i32
      %add3A_57 = arith.addi %mul3A_11, %mul3A_56 : i32
      "tpu.region"() ({
        %run_scoped3A = tpu.sem_alloc : memref<!tpu.dma_semaphore, #tpu.memory_space<semaphore_mem>>
        %dma_start3A = arith.constant 0 : i32
        %dma_start3A_59 = tpu.memref_slice %arg6[%arg0, %add3A_57, %dma_start3A] : memref<2x10240x144xf32, #tpu.memory_space<hbm>> -> memref<1x64x144xf32, #tpu.memory_space<hbm>>
        %dma_start3A_60 = tpu.memref_squeeze %dma_start3A_59 : memref<1x64x144xf32, #tpu.memory_space<hbm>> -> memref<64x144xf32, #tpu.memory_space<hbm>>
        %dma_start3A_61 = arith.constant 0 : i32
        %dma_start3A_62 = tpu.memref_slice %arg13[%add3A_54, %dma_start3A_61] : memref<10240x144xf32, #tpu.memory_space<vmem_shared>> -> memref<64x144xf32, #tpu.memory_space<vmem_shared>>
        tpu.enqueue_dma source(%dma_start3A_62 : memref<64x144xf32, #tpu.memory_space<vmem_shared>>) target(%dma_start3A_60 : memref<64x144xf32, #tpu.memory_space<hbm>>) target_semaphore(%run_scoped3A : memref<!tpu.dma_semaphore, #tpu.memory_space<semaphore_mem>>)
        %dma_wait3A = arith.constant 0 : i32
        %dma_wait3A_63 = tpu.memref_slice %arg6[%arg0, %add3A_57, %dma_wait3A] : memref<2x10240x144xf32, #tpu.memory_space<hbm>> -> memref<1x64x144xf32, #tpu.memory_space<hbm>>
        %dma_wait3A_64 = tpu.memref_squeeze %dma_wait3A_63 : memref<1x64x144xf32, #tpu.memory_space<hbm>> -> memref<64x144xf32, #tpu.memory_space<hbm>>
        %dma_wait3A_65 = arith.constant 0 : i32
        %dma_wait3A_66 = tpu.memref_slice %arg13[%add3A_54, %dma_wait3A_65] : memref<10240x144xf32, #tpu.memory_space<vmem_shared>> -> memref<64x144xf32, #tpu.memory_space<vmem_shared>>
        tpu.wait_dma2 semaphore(%run_scoped3A : memref<!tpu.dma_semaphore, #tpu.memory_space<semaphore_mem>>) src(%dma_wait3A_66 : memref<64x144xf32, #tpu.memory_space<vmem_shared>>) dst(%dma_wait3A_64 : memref<64x144xf32, #tpu.memory_space<hbm>>)
        tpu.yield
      }) : () -> ()
      %scan3A_58 = arith.constant 0 : i32
      scf.yield %scan3A_58 : i32
    }
    %scan3A_49 = arith.constant 10 : i32
    return
  }
}

#map = affine_map<(d0, d1) -> (0, 0)>
#map1 = affine_map<(d0, d1) -> (0, 0, 0)>
module attributes {stable_mosaic.version = 14 : i64} {
  func.func @edge_pass(%arg0: i32, %arg1: i32, %arg2: memref<10240x80xf32, #tpu.memory_space<hbm>>, %arg3: memref<10240x32xf32, #tpu.memory_space<hbm>>, %arg4: memref<5184x64xi32, #tpu.memory_space<hbm>>, %arg5: memref<5184x64xi32, #tpu.memory_space<hbm>>, %arg6: memref<2x10240x80xf32, #tpu.memory_space<hbm>>, %arg7: memref<54x64xi32, #tpu.memory_space<vmem>>, %arg8: memref<54x64xi32, #tpu.memory_space<vmem>>, %arg9: memref<64x80xf32, #tpu.memory_space<vmem>>, %arg10: memref<64x80xf32, #tpu.memory_space<vmem>>, %arg11: memref<64x32xf32, #tpu.memory_space<vmem>>, %arg12: memref<64x32xf32, #tpu.memory_space<vmem>>, %arg13: memref<10240x80xf32, #tpu.memory_space<vmem_shared>>, %arg14: memref<!tpu.dma_semaphore, #tpu.memory_space<semaphore_mem>>, %arg15: memref<!tpu.dma_semaphore, #tpu.memory_space<semaphore_mem>>, %arg16: memref<!tpu.dma_semaphore, #tpu.memory_space<semaphore_mem>>, %arg17: memref<!tpu.dma_semaphore, #tpu.memory_space<semaphore_mem>>, %arg18: memref<!tpu.dma_semaphore, #tpu.memory_space<semaphore_mem>>, %arg19: memref<!tpu.dma_semaphore, #tpu.memory_space<semaphore_mem>>) attributes {dimension_semantics = [#tpu.dimension_semantics<core_parallel>, #tpu.dimension_semantics<subcore_parallel>], iteration_bounds = array<i64: 2, 16>, scalar_prefetch = 0 : i64, scratch_operands = 13 : i64, tpu.core_type = #tpu.core_type<sc_vector_subcore>, window_params = [{transform_indices = #map}, {transform_indices = #map}, {transform_indices = #map}, {transform_indices = #map}, {transform_indices = #map1}]} {
    %mul3A = arith.constant 2 : i32
    %mul3A_0 = arith.muli %arg1, %mul3A : i32
    %add3A = arith.addi %mul3A_0, %arg0 : i32
    %iota3A = tpu.iota {dimensions = array<i32: 0>} : vector<16xi32>
    %lt3A = arith.constant 1 : i32
    %lt3A_1 = vector.broadcast %lt3A : i32 to vector<16xi32>
    %lt3A_2 = arith.cmpi slt, %iota3A, %lt3A_1 : vector<16xi32>
    %broadcast_in_dim3A = arith.constant 0.000000e+00 : f32
    %broadcast_in_dim3A_3 = vector.broadcast %broadcast_in_dim3A : f32 to vector<16xf32>
    %scan3A = arith.constant 0 : i32
    %scan3A_4 = arith.constant 0 : i32
    %scan3A_5 = arith.constant 64 : i32
    %scan3A_6 = arith.addi %scan3A_4, %scan3A_5 : i32
    %scan3A_7 = arith.constant 1 : i32
    %scan3A_8 = scf.for %scan3A_50 = %scan3A_4 to %scan3A_6 step %scan3A_7 iter_args(%scan3A_51 = %scan3A) -> (i32)  : i32 {
      %swap3A = arith.index_cast %scan3A_50 : i32 to index
      %swap3A_52 = arith.constant 0 : index
      %swap3A_53 = tpu.vector_load %arg9[%swap3A, %swap3A_52] {strides = array<i32>} : memref<64x80xf32, #tpu.memory_space<vmem>>, vector<1x16xf32>,
      %swap3A_54 = vector.shape_cast %swap3A_53 : vector<1x16xf32> to vector<16xf32>
      %swap3A_55 = vector.shape_cast %broadcast_in_dim3A_3 : vector<16xf32> to vector<1x16xf32>
      tpu.vector_store %arg9[%swap3A, %swap3A_52], %swap3A_55 {strides = array<i32>} : memref<64x80xf32, #tpu.memory_space<vmem>>, vector<1x16xf32>,
      %swap3A_56 = arith.index_cast %scan3A_50 : i32 to index
      %swap3A_57 = arith.constant 16 : index
      %swap3A_58 = tpu.vector_load %arg9[%swap3A_56, %swap3A_57] {strides = array<i32>} : memref<64x80xf32, #tpu.memory_space<vmem>>, vector<1x16xf32>,
      %swap3A_59 = vector.shape_cast %swap3A_58 : vector<1x16xf32> to vector<16xf32>
      %swap3A_60 = vector.shape_cast %broadcast_in_dim3A_3 : vector<16xf32> to vector<1x16xf32>
      tpu.vector_store %arg9[%swap3A_56, %swap3A_57], %swap3A_60 {strides = array<i32>} : memref<64x80xf32, #tpu.memory_space<vmem>>, vector<1x16xf32>,
      %swap3A_61 = arith.index_cast %scan3A_50 : i32 to index
      %swap3A_62 = arith.constant 32 : index
      %swap3A_63 = tpu.vector_load %arg9[%swap3A_61, %swap3A_62] {strides = array<i32>} : memref<64x80xf32, #tpu.memory_space<vmem>>, vector<1x16xf32>,
      %swap3A_64 = vector.shape_cast %swap3A_63 : vector<1x16xf32> to vector<16xf32>
      %swap3A_65 = vector.shape_cast %broadcast_in_dim3A_3 : vector<16xf32> to vector<1x16xf32>
      tpu.vector_store %arg9[%swap3A_61, %swap3A_62], %swap3A_65 {strides = array<i32>} : memref<64x80xf32, #tpu.memory_space<vmem>>, vector<1x16xf32>,
      %swap3A_66 = arith.index_cast %scan3A_50 : i32 to index
      %swap3A_67 = arith.constant 48 : index
      %swap3A_68 = tpu.vector_load %arg9[%swap3A_66, %swap3A_67] {strides = array<i32>} : memref<64x80xf32, #tpu.memory_space<vmem>>, vector<1x16xf32>,
      %swap3A_69 = vector.shape_cast %swap3A_68 : vector<1x16xf32> to vector<16xf32>
      %swap3A_70 = vector.shape_cast %broadcast_in_dim3A_3 : vector<16xf32> to vector<1x16xf32>
      tpu.vector_store %arg9[%swap3A_66, %swap3A_67], %swap3A_70 {strides = array<i32>} : memref<64x80xf32, #tpu.memory_space<vmem>>, vector<1x16xf32>,
      %swap3A_71 = arith.index_cast %scan3A_50 : i32 to index
      %swap3A_72 = arith.constant 64 : index
      %swap3A_73 = tpu.vector_load %arg9[%swap3A_71, %swap3A_72] {strides = array<i32>} : memref<64x80xf32, #tpu.memory_space<vmem>>, vector<1x16xf32>,
      %swap3A_74 = vector.shape_cast %swap3A_73 : vector<1x16xf32> to vector<16xf32>
      %swap3A_75 = vector.shape_cast %broadcast_in_dim3A_3 : vector<16xf32> to vector<1x16xf32>
      tpu.vector_store %arg9[%swap3A_71, %swap3A_72], %swap3A_75 {strides = array<i32>} : memref<64x80xf32, #tpu.memory_space<vmem>>, vector<1x16xf32>,
      %scan3A_76 = arith.constant 0 : i32
      scf.yield %scan3A_76 : i32
    }
    %scan3A_9 = arith.constant 64 : i32
    %mul3A_10 = arith.constant 640 : i32
    %mul3A_11 = arith.muli %arg1, %mul3A_10 : i32
    %scan3A_12 = arith.constant 0 : i32
    %scan3A_13 = arith.constant 0 : i32
    %scan3A_14 = arith.constant 10 : i32
    %scan3A_15 = arith.addi %scan3A_13, %scan3A_14 : i32
    %scan3A_16 = arith.constant 1 : i32
    %scan3A_17 = scf.for %scan3A_50 = %scan3A_13 to %scan3A_15 step %scan3A_16 iter_args(%scan3A_51 = %scan3A_12) -> (i32)  : i32 {
      %mul3A_52 = arith.constant 64 : i32
      %mul3A_53 = arith.muli %scan3A_50, %mul3A_52 : i32
      %add3A_54 = arith.addi %mul3A_11, %mul3A_53 : i32
      "tpu.region"() ({
        %run_scoped3A = tpu.sem_alloc : memref<!tpu.dma_semaphore, #tpu.memory_space<semaphore_mem>>
        %dma_start3A = arith.constant 0 : i32
        %dma_start3A_56 = tpu.memref_slice %arg13[%add3A_54, %dma_start3A] : memref<10240x80xf32, #tpu.memory_space<vmem_shared>> -> memref<64x80xf32, #tpu.memory_space<vmem_shared>>
        %dma_start3A_57 = arith.constant 0 : i32
        %dma_start3A_58 = tpu.memref_slice %arg13[%add3A_54, %dma_start3A_57] : memref<10240x80xf32, #tpu.memory_space<vmem_shared>> -> memref<64x80xf32, #tpu.memory_space<vmem_shared>>
        tpu.enqueue_dma source(%arg9 : memref<64x80xf32, #tpu.memory_space<vmem>>) target(%dma_start3A_58 : memref<64x80xf32, #tpu.memory_space<vmem_shared>>) target_semaphore(%run_scoped3A : memref<!tpu.dma_semaphore, #tpu.memory_space<semaphore_mem>>)
        %dma_wait3A = arith.constant 0 : i32
        %dma_wait3A_59 = tpu.memref_slice %arg13[%add3A_54, %dma_wait3A] : memref<10240x80xf32, #tpu.memory_space<vmem_shared>> -> memref<64x80xf32, #tpu.memory_space<vmem_shared>>
        %dma_wait3A_60 = arith.constant 0 : i32
        %dma_wait3A_61 = tpu.memref_slice %arg13[%add3A_54, %dma_wait3A_60] : memref<10240x80xf32, #tpu.memory_space<vmem_shared>> -> memref<64x80xf32, #tpu.memory_space<vmem_shared>>
        tpu.wait_dma2 semaphore(%run_scoped3A : memref<!tpu.dma_semaphore, #tpu.memory_space<semaphore_mem>>) src(%arg9 : memref<64x80xf32, #tpu.memory_space<vmem>>) dst(%dma_wait3A_61 : memref<64x80xf32, #tpu.memory_space<vmem_shared>>)
        tpu.yield
      }) : () -> ()
      %scan3A_55 = arith.constant 0 : i32
      scf.yield %scan3A_55 : i32
    }
    %scan3A_18 = arith.constant 10 : i32
    %barrier3A = arith.constant 0 : index
    tpu.barrier barrier_id(%barrier3A)
    %jit3A = arith.constant 1 : i32
    %eq3A = arith.constant 0 : i32
    %eq3A_19 = arith.cmpi eq, %jit3A, %eq3A : i32
    %jit3A_20 = arith.constant 1 : i32
    %select_n3A = arith.select %eq3A_19, %jit3A_20, %jit3A : i32
    %rem3A = vector.broadcast %select_n3A : i32 to vector<16xi32>
    %rem3A_21 = arith.remsi %iota3A, %rem3A : vector<16xi32>
    %ne3A = arith.constant 0 : i32
    %ne3A_22 = vector.broadcast %ne3A : i32 to vector<16xi32>
    %ne3A_23 = arith.cmpi ne, %rem3A_21, %ne3A_22 : vector<16xi32>
    %lt3A_24 = arith.constant 0 : i32
    %lt3A_25 = vector.broadcast %lt3A_24 : i32 to vector<16xi32>
    %lt3A_26 = arith.cmpi slt, %rem3A_21, %lt3A_25 : vector<16xi32>
    %lt3A_27 = arith.constant 0 : i32
    %lt3A_28 = arith.cmpi slt, %select_n3A, %lt3A_27 : i32
    %ne3A_29 = vector.broadcast %lt3A_28 : i1 to vector<16xi1>
    %ne3A_30 = vector.broadcast %ne3A_29 : vector<16xi1> to vector<16xi1>
    %ne3A_31 = arith.xori %lt3A_26, %ne3A_30 : vector<16xi1>
    %and3A = arith.andi %ne3A_31, %ne3A_23 : vector<16xi1>
    %add3A_32 = vector.broadcast %select_n3A : i32 to vector<16xi32>
    %add3A_33 = arith.addi %rem3A_21, %add3A_32 : vector<16xi32>
    %select_n3A_34 = arith.select %and3A, %add3A_33, %rem3A_21 : vector<16xi1>, vector<16xi32>
    %reshape3A = vector.shape_cast %select_n3A_34 : vector<16xi32> to vector<16x1xi32>
    %scan3A_35 = arith.constant 0 : i32
    %scan3A_36 = arith.constant 0 : i32
    %scan3A_37 = arith.constant 3 : i32
    %scan3A_38 = arith.addi %scan3A_36, %scan3A_37 : i32
    %scan3A_39 = arith.constant 1 : i32
    %scan3A_40 = scf.for %scan3A_50 = %scan3A_36 to %scan3A_38 step %scan3A_39 iter_args(%scan3A_51 = %scan3A_35) -> (i32)  : i32 {
      %mul3A_52 = arith.constant 162 : i32
      %mul3A_53 = arith.muli %add3A, %mul3A_52 : i32
      %mul3A_54 = arith.constant 54 : i32
      %mul3A_55 = arith.muli %scan3A_50, %mul3A_54 : i32
      %add3A_56 = arith.addi %mul3A_53, %mul3A_55 : i32
      "tpu.region"() ({
        %run_scoped3A = tpu.sem_alloc : memref<!tpu.dma_semaphore, #tpu.memory_space<semaphore_mem>>
        %dma_start3A_84 = arith.constant 0 : i32
        %dma_start3A_85 = tpu.memref_slice %arg4[%add3A_56, %dma_start3A_84] : memref<5184x64xi32, #tpu.memory_space<hbm>> -> memref<54x64xi32, #tpu.memory_space<hbm>>
        %dma_start3A_86 = arith.constant 0 : i32
        %dma_start3A_87 = tpu.memref_slice %arg4[%add3A_56, %dma_start3A_86] : memref<5184x64xi32, #tpu.memory_space<hbm>> -> memref<54x64xi32, #tpu.memory_space<hbm>>
        tpu.enqueue_dma source(%dma_start3A_87 : memref<54x64xi32, #tpu.memory_space<hbm>>) target(%arg7 : memref<54x64xi32, #tpu.memory_space<vmem>>) target_semaphore(%run_scoped3A : memref<!tpu.dma_semaphore, #tpu.memory_space<semaphore_mem>>)
        %dma_wait3A_88 = arith.constant 0 : i32
        %dma_wait3A_89 = tpu.memref_slice %arg4[%add3A_56, %dma_wait3A_88] : memref<5184x64xi32, #tpu.memory_space<hbm>> -> memref<54x64xi32, #tpu.memory_space<hbm>>
        %dma_wait3A_90 = arith.constant 0 : i32
        %dma_wait3A_91 = tpu.memref_slice %arg4[%add3A_56, %dma_wait3A_90] : memref<5184x64xi32, #tpu.memory_space<hbm>> -> memref<54x64xi32, #tpu.memory_space<hbm>>
        tpu.wait_dma2 semaphore(%run_scoped3A : memref<!tpu.dma_semaphore, #tpu.memory_space<semaphore_mem>>) src(%dma_wait3A_91 : memref<54x64xi32, #tpu.memory_space<hbm>>) dst(%arg7 : memref<54x64xi32, #tpu.memory_space<vmem>>)
        tpu.yield
      }) : () -> ()
      "tpu.region"() ({
        %run_scoped3A = tpu.sem_alloc : memref<!tpu.dma_semaphore, #tpu.memory_space<semaphore_mem>>
        %dma_start3A_84 = arith.constant 0 : i32
        %dma_start3A_85 = tpu.memref_slice %arg5[%add3A_56, %dma_start3A_84] : memref<5184x64xi32, #tpu.memory_space<hbm>> -> memref<54x64xi32, #tpu.memory_space<hbm>>
        %dma_start3A_86 = arith.constant 0 : i32
        %dma_start3A_87 = tpu.memref_slice %arg5[%add3A_56, %dma_start3A_86] : memref<5184x64xi32, #tpu.memory_space<hbm>> -> memref<54x64xi32, #tpu.memory_space<hbm>>
        tpu.enqueue_dma source(%dma_start3A_87 : memref<54x64xi32, #tpu.memory_space<hbm>>) target(%arg8 : memref<54x64xi32, #tpu.memory_space<vmem>>) target_semaphore(%run_scoped3A : memref<!tpu.dma_semaphore, #tpu.memory_space<semaphore_mem>>)
        %dma_wait3A_88 = arith.constant 0 : i32
        %dma_wait3A_89 = tpu.memref_slice %arg5[%add3A_56, %dma_wait3A_88] : memref<5184x64xi32, #tpu.memory_space<hbm>> -> memref<54x64xi32, #tpu.memory_space<hbm>>
        %dma_wait3A_90 = arith.constant 0 : i32
        %dma_wait3A_91 = tpu.memref_slice %arg5[%add3A_56, %dma_wait3A_90] : memref<5184x64xi32, #tpu.memory_space<hbm>> -> memref<54x64xi32, #tpu.memory_space<hbm>>
        tpu.wait_dma2 semaphore(%run_scoped3A : memref<!tpu.dma_semaphore, #tpu.memory_space<semaphore_mem>>) src(%dma_wait3A_91 : memref<54x64xi32, #tpu.memory_space<hbm>>) dst(%arg8 : memref<54x64xi32, #tpu.memory_space<vmem>>)
        tpu.yield
      }) : () -> ()
      %dma_start3A = arith.constant 0 : i32
      %dma_start3A_57 = arith.constant 0 : i32
      %dma_start3A_58 = tpu.memref_slice %arg7[%dma_start3A, %dma_start3A_57] : memref<54x64xi32, #tpu.memory_space<vmem>> -> memref<1x64xi32, #tpu.memory_space<vmem>>
      %dma_start3A_59 = tpu.memref_squeeze %dma_start3A_58 : memref<1x64xi32, #tpu.memory_space<vmem>> -> memref<64xi32, #tpu.memory_space<vmem>>
      %dma_start3A_60 = arith.constant 0 : i32
      %dma_start3A_61 = arith.constant 0 : i32
      %dma_start3A_62 = tpu.memref_slice %arg2[%dma_start3A_60, %dma_start3A_61] : memref<10240x80xf32, #tpu.memory_space<hbm>> -> memref<10240x80xf32, #tpu.memory_space<hbm>>
      tpu.enqueue_indirect_dma source(%dma_start3A_62 : memref<10240x80xf32, #tpu.memory_space<hbm>>) target(%arg9 : memref<64x80xf32, #tpu.memory_space<vmem>>) offsets(%dma_start3A_59 : memref<64xi32, #tpu.memory_space<vmem>>) semaphore(%arg14 : memref<!tpu.dma_semaphore, #tpu.memory_space<semaphore_mem>>)
      %dma_start3A_63 = arith.constant 0 : i32
      %dma_start3A_64 = arith.constant 0 : i32
      %dma_start3A_65 = tpu.memref_slice %arg8[%dma_start3A_63, %dma_start3A_64] : memref<54x64xi32, #tpu.memory_space<vmem>> -> memref<1x64xi32, #tpu.memory_space<vmem>>
      %dma_start3A_66 = tpu.memref_squeeze %dma_start3A_65 : memref<1x64xi32, #tpu.memory_space<vmem>> -> memref<64xi32, #tpu.memory_space<vmem>>
      %dma_start3A_67 = arith.constant 0 : i32
      %dma_start3A_68 = arith.constant 0 : i32
      %dma_start3A_69 = tpu.memref_slice %arg3[%dma_start3A_67, %dma_start3A_68] : memref<10240x32xf32, #tpu.memory_space<hbm>> -> memref<10240x32xf32, #tpu.memory_space<hbm>>
      tpu.enqueue_indirect_dma source(%dma_start3A_69 : memref<10240x32xf32, #tpu.memory_space<hbm>>) target(%arg11 : memref<64x32xf32, #tpu.memory_space<vmem>>) offsets(%dma_start3A_66 : memref<64xi32, #tpu.memory_space<vmem>>) semaphore(%arg16 : memref<!tpu.dma_semaphore, #tpu.memory_space<semaphore_mem>>)
      %scan3A_70 = arith.constant 0 : i32
      %scan3A_71 = arith.constant 0 : i32
      %scan3A_72 = arith.constant 27 : i32
      %scan3A_73 = arith.addi %scan3A_71, %scan3A_72 : i32
      %scan3A_74 = arith.constant 1 : i32
      %scan3A_75 = scf.for %scan3A_84 = %scan3A_71 to %scan3A_73 step %scan3A_74 iter_args(%scan3A_85 = %scan3A_70) -> (i32)  : i32 {
        %mul3A_86 = arith.constant 2 : i32
        %mul3A_87 = arith.muli %mul3A_86, %scan3A_84 : i32
        %gt3A = arith.constant 0 : i32
        %gt3A_88 = arith.cmpi sgt, %scan3A_84, %gt3A : i32
        %convert_element_type3A = arith.extui %gt3A_88 : i1 to i32
        %cond3A = arith.constant 0 : i32
        %cond3A_89 = arith.cmpi ne, %convert_element_type3A, %cond3A : i32
        scf.if %cond3A_89 {
          %dma_wait3A_164 = arith.constant 0 : i32
          %dma_wait3A_165 = arith.constant 0 : i32
          %dma_wait3A_166 = tpu.memref_slice %arg8[%dma_wait3A_164, %dma_wait3A_165] : memref<54x64xi32, #tpu.memory_space<vmem>> -> memref<1x64xi32, #tpu.memory_space<vmem>>
          %dma_wait3A_167 = tpu.memref_squeeze %dma_wait3A_166 : memref<1x64xi32, #tpu.memory_space<vmem>> -> memref<64xi32, #tpu.memory_space<vmem>>
          %dma_wait3A_168 = arith.constant 0 : i32
          %dma_wait3A_169 = arith.constant 0 : i32
          %dma_wait3A_170 = tpu.memref_slice %arg13[%dma_wait3A_168, %dma_wait3A_169] : memref<10240x80xf32, #tpu.memory_space<vmem_shared>> -> memref<10240x80xf32, #tpu.memory_space<vmem_shared>>
          tpu.wait_indirect_dma semaphore(%arg19 : memref<!tpu.dma_semaphore, #tpu.memory_space<semaphore_mem>>) src(%arg10 : memref<64x80xf32, #tpu.memory_space<vmem>>) dst(%dma_wait3A_170 : memref<10240x80xf32, #tpu.memory_space<vmem_shared>>)
        } else {
        }
        %add3A_90 = arith.constant 1 : i32
        %add3A_91 = arith.addi %mul3A_87, %add3A_90 : i32
        %dma_start3A_92 = arith.constant 0 : i32
        %dma_start3A_93 = tpu.memref_slice %arg7[%add3A_91, %dma_start3A_92] : memref<54x64xi32, #tpu.memory_space<vmem>> -> memref<1x64xi32, #tpu.memory_space<vmem>>
        %dma_start3A_94 = tpu.memref_squeeze %dma_start3A_93 : memref<1x64xi32, #tpu.memory_space<vmem>> -> memref<64xi32, #tpu.memory_space<vmem>>
        %dma_start3A_95 = arith.constant 0 : i32
        %dma_start3A_96 = arith.constant 0 : i32
        %dma_start3A_97 = tpu.memref_slice %arg2[%dma_start3A_95, %dma_start3A_96] : memref<10240x80xf32, #tpu.memory_space<hbm>> -> memref<10240x80xf32, #tpu.memory_space<hbm>>
        tpu.enqueue_indirect_dma source(%dma_start3A_97 : memref<10240x80xf32, #tpu.memory_space<hbm>>) target(%arg10 : memref<64x80xf32, #tpu.memory_space<vmem>>) offsets(%dma_start3A_94 : memref<64xi32, #tpu.memory_space<vmem>>) semaphore(%arg15 : memref<!tpu.dma_semaphore, #tpu.memory_space<semaphore_mem>>)
        %dma_start3A_98 = arith.constant 0 : i32
        %dma_start3A_99 = tpu.memref_slice %arg8[%add3A_91, %dma_start3A_98] : memref<54x64xi32, #tpu.memory_space<vmem>> -> memref<1x64xi32, #tpu.memory_space<vmem>>
        %dma_start3A_100 = tpu.memref_squeeze %dma_start3A_99 : memref<1x64xi32, #tpu.memory_space<vmem>> -> memref<64xi32, #tpu.memory_space<vmem>>
        %dma_start3A_101 = arith.constant 0 : i32
        %dma_start3A_102 = arith.constant 0 : i32
        %dma_start3A_103 = tpu.memref_slice %arg3[%dma_start3A_101, %dma_start3A_102] : memref<10240x32xf32, #tpu.memory_space<hbm>> -> memref<10240x32xf32, #tpu.memory_space<hbm>>
        tpu.enqueue_indirect_dma source(%dma_start3A_103 : memref<10240x32xf32, #tpu.memory_space<hbm>>) target(%arg12 : memref<64x32xf32, #tpu.memory_space<vmem>>) offsets(%dma_start3A_100 : memref<64xi32, #tpu.memory_space<vmem>>) semaphore(%arg17 : memref<!tpu.dma_semaphore, #tpu.memory_space<semaphore_mem>>)
        %dma_wait3A_104 = arith.constant 0 : i32
        %dma_wait3A_105 = arith.constant 0 : i32
        %dma_wait3A_106 = tpu.memref_slice %arg7[%dma_wait3A_104, %dma_wait3A_105] : memref<54x64xi32, #tpu.memory_space<vmem>> -> memref<1x64xi32, #tpu.memory_space<vmem>>
        %dma_wait3A_107 = tpu.memref_squeeze %dma_wait3A_106 : memref<1x64xi32, #tpu.memory_space<vmem>> -> memref<64xi32, #tpu.memory_space<vmem>>
        %dma_wait3A_108 = arith.constant 0 : i32
        %dma_wait3A_109 = arith.constant 0 : i32
        %dma_wait3A_110 = tpu.memref_slice %arg2[%dma_wait3A_108, %dma_wait3A_109] : memref<10240x80xf32, #tpu.memory_space<hbm>> -> memref<10240x80xf32, #tpu.memory_space<hbm>>
        tpu.wait_indirect_dma semaphore(%arg14 : memref<!tpu.dma_semaphore, #tpu.memory_space<semaphore_mem>>) src(%dma_wait3A_110 : memref<10240x80xf32, #tpu.memory_space<hbm>>) dst(%arg9 : memref<64x80xf32, #tpu.memory_space<vmem>>)
        %dma_wait3A_111 = arith.constant 0 : i32
        %dma_wait3A_112 = arith.constant 0 : i32
        %dma_wait3A_113 = tpu.memref_slice %arg8[%dma_wait3A_111, %dma_wait3A_112] : memref<54x64xi32, #tpu.memory_space<vmem>> -> memref<1x64xi32, #tpu.memory_space<vmem>>
        %dma_wait3A_114 = tpu.memref_squeeze %dma_wait3A_113 : memref<1x64xi32, #tpu.memory_space<vmem>> -> memref<64xi32, #tpu.memory_space<vmem>>
        %dma_wait3A_115 = arith.constant 0 : i32
        %dma_wait3A_116 = arith.constant 0 : i32
        %dma_wait3A_117 = tpu.memref_slice %arg3[%dma_wait3A_115, %dma_wait3A_116] : memref<10240x32xf32, #tpu.memory_space<hbm>> -> memref<10240x32xf32, #tpu.memory_space<hbm>>
        tpu.wait_indirect_dma semaphore(%arg16 : memref<!tpu.dma_semaphore, #tpu.memory_space<semaphore_mem>>) src(%dma_wait3A_117 : memref<10240x32xf32, #tpu.memory_space<hbm>>) dst(%arg11 : memref<64x32xf32, #tpu.memory_space<vmem>>)
        %parallel_loop3A = arith.constant 0 : i32
        %parallel_loop3A_118 = arith.constant 64 : i32
        %parallel_loop3A_119 = arith.constant 1 : i32
        scf.for %parallel_loop3A_164 = %parallel_loop3A to %parallel_loop3A_118 step %parallel_loop3A_119  : i32 {
          %parallel_loop3A_165 = arith.index_cast %parallel_loop3A_164 : i32 to index
          %parallel_loop3A_166 = arith.constant 64 : index
          %parallel_loop3A_167 = tpu.vector_load %arg9[%parallel_loop3A_165, %parallel_loop3A_166] {strides = array<i32>} : memref<64x80xf32, #tpu.memory_space<vmem>>, vector<1x16xf32>,
          %parallel_loop3A_168 = vector.shape_cast %parallel_loop3A_167 : vector<1x16xf32> to vector<16xf32>
          %parallel_loop3A_169 = arith.index_cast %parallel_loop3A_164 : i32 to index
          %parallel_loop3A_170 = arith.constant 0 : index
          %parallel_loop3A_171 = tpu.vector_load %arg11[%parallel_loop3A_169, %parallel_loop3A_170] {strides = array<i32>} : memref<64x32xf32, #tpu.memory_space<vmem>>, vector<1x16xf32>,
          %parallel_loop3A_172 = vector.shape_cast %parallel_loop3A_171 : vector<1x16xf32> to vector<16xf32>
          %parallel_loop3A_173 = arith.index_cast %parallel_loop3A_164 : i32 to index
          %parallel_loop3A_174 = arith.constant 16 : index
          %parallel_loop3A_175 = tpu.vector_load %arg11[%parallel_loop3A_173, %parallel_loop3A_174] {strides = array<i32>} : memref<64x32xf32, #tpu.memory_space<vmem>>, vector<1x16xf32>,
          %parallel_loop3A_176 = vector.shape_cast %parallel_loop3A_175 : vector<1x16xf32> to vector<16xf32>
          %parallel_loop3A_177 = arith.addf %parallel_loop3A_168, %parallel_loop3A_172 : vector<16xf32>
          %parallel_loop3A_178 = arith.constant 0.000000e+00 : f32
          %parallel_loop3A_179 = vector.broadcast %parallel_loop3A_178 : f32 to vector<16xf32>
          %parallel_loop3A_180 = arith.cmpf oge, %parallel_loop3A_177, %parallel_loop3A_179 : vector<16xf32>
          %parallel_loop3A_181 = arith.constant 2.000000e-01 : f32
          %parallel_loop3A_182 = vector.broadcast %parallel_loop3A_181 : f32 to vector<16xf32>
          %parallel_loop3A_183 = arith.mulf %parallel_loop3A_182, %parallel_loop3A_177 : vector<16xf32>
          %parallel_loop3A_184 = arith.select %parallel_loop3A_180, %parallel_loop3A_177, %parallel_loop3A_183 : vector<16xi1>, vector<16xf32>
          %parallel_loop3A_185 = arith.subf %parallel_loop3A_184, %parallel_loop3A_176 : vector<16xf32>
          %parallel_loop3A_186 = math.exp %parallel_loop3A_185 : vector<16xf32>
          %parallel_loop3A_187 = vector.shape_cast %reshape3A : vector<16x1xi32> to vector<16xi32>
          %parallel_loop3A_188 = tpu.dynamic_gather %parallel_loop3A_186[%parallel_loop3A_187] in [0] : vector<16xf32>, vector<16xi32> -> vector<16xf32>
          %parallel_loop3A_189 = arith.index_cast %parallel_loop3A_164 : i32 to index
          %parallel_loop3A_190 = arith.constant 0 : index
          %parallel_loop3A_191 = tpu.vector_load %arg9[%parallel_loop3A_189, %parallel_loop3A_190] {strides = array<i32>} : memref<64x80xf32, #tpu.memory_space<vmem>>, vector<1x16xf32>,
          %parallel_loop3A_192 = vector.shape_cast %parallel_loop3A_191 : vector<1x16xf32> to vector<16xf32>
          %parallel_loop3A_193 = arith.mulf %parallel_loop3A_192, %parallel_loop3A_188 : vector<16xf32>
          %parallel_loop3A_194 = arith.index_cast %parallel_loop3A_164 : i32 to index
          %parallel_loop3A_195 = arith.constant 0 : index
          %parallel_loop3A_196 = tpu.vector_load %arg9[%parallel_loop3A_194, %parallel_loop3A_195] {strides = array<i32>} : memref<64x80xf32, #tpu.memory_space<vmem>>, vector<1x16xf32>,
          %parallel_loop3A_197 = vector.shape_cast %parallel_loop3A_196 : vector<1x16xf32> to vector<16xf32>
          %parallel_loop3A_198 = vector.shape_cast %parallel_loop3A_193 : vector<16xf32> to vector<1x16xf32>
          tpu.vector_store %arg9[%parallel_loop3A_194, %parallel_loop3A_195], %parallel_loop3A_198 {strides = array<i32>} : memref<64x80xf32, #tpu.memory_space<vmem>>, vector<1x16xf32>,
          %parallel_loop3A_199 = arith.index_cast %parallel_loop3A_164 : i32 to index
          %parallel_loop3A_200 = arith.constant 16 : index
          %parallel_loop3A_201 = tpu.vector_load %arg9[%parallel_loop3A_199, %parallel_loop3A_200] {strides = array<i32>} : memref<64x80xf32, #tpu.memory_space<vmem>>, vector<1x16xf32>,
          %parallel_loop3A_202 = vector.shape_cast %parallel_loop3A_201 : vector<1x16xf32> to vector<16xf32>
          %parallel_loop3A_203 = arith.mulf %parallel_loop3A_202, %parallel_loop3A_188 : vector<16xf32>
          %parallel_loop3A_204 = arith.index_cast %parallel_loop3A_164 : i32 to index
          %parallel_loop3A_205 = arith.constant 16 : index
          %parallel_loop3A_206 = tpu.vector_load %arg9[%parallel_loop3A_204, %parallel_loop3A_205] {strides = array<i32>} : memref<64x80xf32, #tpu.memory_space<vmem>>, vector<1x16xf32>,
          %parallel_loop3A_207 = vector.shape_cast %parallel_loop3A_206 : vector<1x16xf32> to vector<16xf32>
          %parallel_loop3A_208 = vector.shape_cast %parallel_loop3A_203 : vector<16xf32> to vector<1x16xf32>
          tpu.vector_store %arg9[%parallel_loop3A_204, %parallel_loop3A_205], %parallel_loop3A_208 {strides = array<i32>} : memref<64x80xf32, #tpu.memory_space<vmem>>, vector<1x16xf32>,
          %parallel_loop3A_209 = arith.index_cast %parallel_loop3A_164 : i32 to index
          %parallel_loop3A_210 = arith.constant 32 : index
          %parallel_loop3A_211 = tpu.vector_load %arg9[%parallel_loop3A_209, %parallel_loop3A_210] {strides = array<i32>} : memref<64x80xf32, #tpu.memory_space<vmem>>, vector<1x16xf32>,
          %parallel_loop3A_212 = vector.shape_cast %parallel_loop3A_211 : vector<1x16xf32> to vector<16xf32>
          %parallel_loop3A_213 = arith.mulf %parallel_loop3A_212, %parallel_loop3A_188 : vector<16xf32>
          %parallel_loop3A_214 = arith.index_cast %parallel_loop3A_164 : i32 to index
          %parallel_loop3A_215 = arith.constant 32 : index
          %parallel_loop3A_216 = tpu.vector_load %arg9[%parallel_loop3A_214, %parallel_loop3A_215] {strides = array<i32>} : memref<64x80xf32, #tpu.memory_space<vmem>>, vector<1x16xf32>,
          %parallel_loop3A_217 = vector.shape_cast %parallel_loop3A_216 : vector<1x16xf32> to vector<16xf32>
          %parallel_loop3A_218 = vector.shape_cast %parallel_loop3A_213 : vector<16xf32> to vector<1x16xf32>
          tpu.vector_store %arg9[%parallel_loop3A_214, %parallel_loop3A_215], %parallel_loop3A_218 {strides = array<i32>} : memref<64x80xf32, #tpu.memory_space<vmem>>, vector<1x16xf32>,
          %parallel_loop3A_219 = arith.index_cast %parallel_loop3A_164 : i32 to index
          %parallel_loop3A_220 = arith.constant 48 : index
          %parallel_loop3A_221 = tpu.vector_load %arg9[%parallel_loop3A_219, %parallel_loop3A_220] {strides = array<i32>} : memref<64x80xf32, #tpu.memory_space<vmem>>, vector<1x16xf32>,
          %parallel_loop3A_222 = vector.shape_cast %parallel_loop3A_221 : vector<1x16xf32> to vector<16xf32>
          %parallel_loop3A_223 = arith.mulf %parallel_loop3A_222, %parallel_loop3A_188 : vector<16xf32>
          %parallel_loop3A_224 = arith.index_cast %parallel_loop3A_164 : i32 to index
          %parallel_loop3A_225 = arith.constant 48 : index
          %parallel_loop3A_226 = tpu.vector_load %arg9[%parallel_loop3A_224, %parallel_loop3A_225] {strides = array<i32>} : memref<64x80xf32, #tpu.memory_space<vmem>>, vector<1x16xf32>,
          %parallel_loop3A_227 = vector.shape_cast %parallel_loop3A_226 : vector<1x16xf32> to vector<16xf32>
          %parallel_loop3A_228 = vector.shape_cast %parallel_loop3A_223 : vector<16xf32> to vector<1x16xf32>
          tpu.vector_store %arg9[%parallel_loop3A_224, %parallel_loop3A_225], %parallel_loop3A_228 {strides = array<i32>} : memref<64x80xf32, #tpu.memory_space<vmem>>, vector<1x16xf32>,
          %parallel_loop3A_229 = arith.select %lt3A_2, %parallel_loop3A_186, %broadcast_in_dim3A_3 : vector<16xi1>, vector<16xf32>
          %parallel_loop3A_230 = arith.index_cast %parallel_loop3A_164 : i32 to index
          %parallel_loop3A_231 = arith.constant 64 : index
          %parallel_loop3A_232 = tpu.vector_load %arg9[%parallel_loop3A_230, %parallel_loop3A_231] {strides = array<i32>} : memref<64x80xf32, #tpu.memory_space<vmem>>, vector<1x16xf32>,
          %parallel_loop3A_233 = vector.shape_cast %parallel_loop3A_232 : vector<1x16xf32> to vector<16xf32>
          %parallel_loop3A_234 = vector.shape_cast %parallel_loop3A_229 : vector<16xf32> to vector<1x16xf32>
          tpu.vector_store %arg9[%parallel_loop3A_230, %parallel_loop3A_231], %parallel_loop3A_234 {strides = array<i32>} : memref<64x80xf32, #tpu.memory_space<vmem>>, vector<1x16xf32>,
        } {sc.loop_unroll_factor = 4 : i64, sc.parallel_access}
        %dma_start3A_120 = arith.constant 0 : i32
        %dma_start3A_121 = tpu.memref_slice %arg8[%mul3A_87, %dma_start3A_120] : memref<54x64xi32, #tpu.memory_space<vmem>> -> memref<1x64xi32, #tpu.memory_space<vmem>>
        %dma_start3A_122 = tpu.memref_squeeze %dma_start3A_121 : memref<1x64xi32, #tpu.memory_space<vmem>> -> memref<64xi32, #tpu.memory_space<vmem>>
        %dma_start3A_123 = arith.constant 0 : i32
        %dma_start3A_124 = arith.constant 0 : i32
        %dma_start3A_125 = tpu.memref_slice %arg13[%dma_start3A_123, %dma_start3A_124] : memref<10240x80xf32, #tpu.memory_space<vmem_shared>> -> memref<10240x80xf32, #tpu.memory_space<vmem_shared>>
        tpu.enqueue_indirect_dma source(%arg9 : memref<64x80xf32, #tpu.memory_space<vmem>>) target(%dma_start3A_125 : memref<10240x80xf32, #tpu.memory_space<vmem_shared>>) offsets(%dma_start3A_122 : memref<64xi32, #tpu.memory_space<vmem>>) semaphore(%arg18 : memref<!tpu.dma_semaphore, #tpu.memory_space<semaphore_mem>>) {add = true}
        %dma_wait3A_126 = arith.constant 0 : i32
        %dma_wait3A_127 = arith.constant 0 : i32
        %dma_wait3A_128 = tpu.memref_slice %arg7[%dma_wait3A_126, %dma_wait3A_127] : memref<54x64xi32, #tpu.memory_space<vmem>> -> memref<1x64xi32, #tpu.memory_space<vmem>>
        %dma_wait3A_129 = tpu.memref_squeeze %dma_wait3A_128 : memref<1x64xi32, #tpu.memory_space<vmem>> -> memref<64xi32, #tpu.memory_space<vmem>>
        %dma_wait3A_130 = arith.constant 0 : i32
        %dma_wait3A_131 = arith.constant 0 : i32
        %dma_wait3A_132 = tpu.memref_slice %arg2[%dma_wait3A_130, %dma_wait3A_131] : memref<10240x80xf32, #tpu.memory_space<hbm>> -> memref<10240x80xf32, #tpu.memory_space<hbm>>
        tpu.wait_indirect_dma semaphore(%arg15 : memref<!tpu.dma_semaphore, #tpu.memory_space<semaphore_mem>>) src(%dma_wait3A_132 : memref<10240x80xf32, #tpu.memory_space<hbm>>) dst(%arg10 : memref<64x80xf32, #tpu.memory_space<vmem>>)
        %dma_wait3A_133 = arith.constant 0 : i32
        %dma_wait3A_134 = arith.constant 0 : i32
        %dma_wait3A_135 = tpu.memref_slice %arg8[%dma_wait3A_133, %dma_wait3A_134] : memref<54x64xi32, #tpu.memory_space<vmem>> -> memref<1x64xi32, #tpu.memory_space<vmem>>
        %dma_wait3A_136 = tpu.memref_squeeze %dma_wait3A_135 : memref<1x64xi32, #tpu.memory_space<vmem>> -> memref<64xi32, #tpu.memory_space<vmem>>
        %dma_wait3A_137 = arith.constant 0 : i32
        %dma_wait3A_138 = arith.constant 0 : i32
        %dma_wait3A_139 = tpu.memref_slice %arg3[%dma_wait3A_137, %dma_wait3A_138] : memref<10240x32xf32, #tpu.memory_space<hbm>> -> memref<10240x32xf32, #tpu.memory_space<hbm>>
        tpu.wait_indirect_dma semaphore(%arg17 : memref<!tpu.dma_semaphore, #tpu.memory_space<semaphore_mem>>) src(%dma_wait3A_139 : memref<10240x32xf32, #tpu.memory_space<hbm>>) dst(%arg12 : memref<64x32xf32, #tpu.memory_space<vmem>>)
        %parallel_loop3A_140 = arith.constant 0 : i32
        %parallel_loop3A_141 = arith.constant 64 : i32
        %parallel_loop3A_142 = arith.constant 1 : i32
        scf.for %parallel_loop3A_164 = %parallel_loop3A_140 to %parallel_loop3A_141 step %parallel_loop3A_142  : i32 {
          %parallel_loop3A_165 = arith.index_cast %parallel_loop3A_164 : i32 to index
          %parallel_loop3A_166 = arith.constant 64 : index
          %parallel_loop3A_167 = tpu.vector_load %arg10[%parallel_loop3A_165, %parallel_loop3A_166] {strides = array<i32>} : memref<64x80xf32, #tpu.memory_space<vmem>>, vector<1x16xf32>,
          %parallel_loop3A_168 = vector.shape_cast %parallel_loop3A_167 : vector<1x16xf32> to vector<16xf32>
          %parallel_loop3A_169 = arith.index_cast %parallel_loop3A_164 : i32 to index
          %parallel_loop3A_170 = arith.constant 0 : index
          %parallel_loop3A_171 = tpu.vector_load %arg12[%parallel_loop3A_169, %parallel_loop3A_170] {strides = array<i32>} : memref<64x32xf32, #tpu.memory_space<vmem>>, vector<1x16xf32>,
          %parallel_loop3A_172 = vector.shape_cast %parallel_loop3A_171 : vector<1x16xf32> to vector<16xf32>
          %parallel_loop3A_173 = arith.index_cast %parallel_loop3A_164 : i32 to index
          %parallel_loop3A_174 = arith.constant 16 : index
          %parallel_loop3A_175 = tpu.vector_load %arg12[%parallel_loop3A_173, %parallel_loop3A_174] {strides = array<i32>} : memref<64x32xf32, #tpu.memory_space<vmem>>, vector<1x16xf32>,
          %parallel_loop3A_176 = vector.shape_cast %parallel_loop3A_175 : vector<1x16xf32> to vector<16xf32>
          %parallel_loop3A_177 = arith.addf %parallel_loop3A_168, %parallel_loop3A_172 : vector<16xf32>
          %parallel_loop3A_178 = arith.constant 0.000000e+00 : f32
          %parallel_loop3A_179 = vector.broadcast %parallel_loop3A_178 : f32 to vector<16xf32>
          %parallel_loop3A_180 = arith.cmpf oge, %parallel_loop3A_177, %parallel_loop3A_179 : vector<16xf32>
          %parallel_loop3A_181 = arith.constant 2.000000e-01 : f32
          %parallel_loop3A_182 = vector.broadcast %parallel_loop3A_181 : f32 to vector<16xf32>
          %parallel_loop3A_183 = arith.mulf %parallel_loop3A_182, %parallel_loop3A_177 : vector<16xf32>
          %parallel_loop3A_184 = arith.select %parallel_loop3A_180, %parallel_loop3A_177, %parallel_loop3A_183 : vector<16xi1>, vector<16xf32>
          %parallel_loop3A_185 = arith.subf %parallel_loop3A_184, %parallel_loop3A_176 : vector<16xf32>
          %parallel_loop3A_186 = math.exp %parallel_loop3A_185 : vector<16xf32>
          %parallel_loop3A_187 = vector.shape_cast %reshape3A : vector<16x1xi32> to vector<16xi32>
          %parallel_loop3A_188 = tpu.dynamic_gather %parallel_loop3A_186[%parallel_loop3A_187] in [0] : vector<16xf32>, vector<16xi32> -> vector<16xf32>
          %parallel_loop3A_189 = arith.index_cast %parallel_loop3A_164 : i32 to index
          %parallel_loop3A_190 = arith.constant 0 : index
          %parallel_loop3A_191 = tpu.vector_load %arg10[%parallel_loop3A_189, %parallel_loop3A_190] {strides = array<i32>} : memref<64x80xf32, #tpu.memory_space<vmem>>, vector<1x16xf32>,
          %parallel_loop3A_192 = vector.shape_cast %parallel_loop3A_191 : vector<1x16xf32> to vector<16xf32>
          %parallel_loop3A_193 = arith.mulf %parallel_loop3A_192, %parallel_loop3A_188 : vector<16xf32>
          %parallel_loop3A_194 = arith.index_cast %parallel_loop3A_164 : i32 to index
          %parallel_loop3A_195 = arith.constant 0 : index
          %parallel_loop3A_196 = tpu.vector_load %arg10[%parallel_loop3A_194, %parallel_loop3A_195] {strides = array<i32>} : memref<64x80xf32, #tpu.memory_space<vmem>>, vector<1x16xf32>,
          %parallel_loop3A_197 = vector.shape_cast %parallel_loop3A_196 : vector<1x16xf32> to vector<16xf32>
          %parallel_loop3A_198 = vector.shape_cast %parallel_loop3A_193 : vector<16xf32> to vector<1x16xf32>
          tpu.vector_store %arg10[%parallel_loop3A_194, %parallel_loop3A_195], %parallel_loop3A_198 {strides = array<i32>} : memref<64x80xf32, #tpu.memory_space<vmem>>, vector<1x16xf32>,
          %parallel_loop3A_199 = arith.index_cast %parallel_loop3A_164 : i32 to index
          %parallel_loop3A_200 = arith.constant 16 : index
          %parallel_loop3A_201 = tpu.vector_load %arg10[%parallel_loop3A_199, %parallel_loop3A_200] {strides = array<i32>} : memref<64x80xf32, #tpu.memory_space<vmem>>, vector<1x16xf32>,
          %parallel_loop3A_202 = vector.shape_cast %parallel_loop3A_201 : vector<1x16xf32> to vector<16xf32>
          %parallel_loop3A_203 = arith.mulf %parallel_loop3A_202, %parallel_loop3A_188 : vector<16xf32>
          %parallel_loop3A_204 = arith.index_cast %parallel_loop3A_164 : i32 to index
          %parallel_loop3A_205 = arith.constant 16 : index
          %parallel_loop3A_206 = tpu.vector_load %arg10[%parallel_loop3A_204, %parallel_loop3A_205] {strides = array<i32>} : memref<64x80xf32, #tpu.memory_space<vmem>>, vector<1x16xf32>,
          %parallel_loop3A_207 = vector.shape_cast %parallel_loop3A_206 : vector<1x16xf32> to vector<16xf32>
          %parallel_loop3A_208 = vector.shape_cast %parallel_loop3A_203 : vector<16xf32> to vector<1x16xf32>
          tpu.vector_store %arg10[%parallel_loop3A_204, %parallel_loop3A_205], %parallel_loop3A_208 {strides = array<i32>} : memref<64x80xf32, #tpu.memory_space<vmem>>, vector<1x16xf32>,
          %parallel_loop3A_209 = arith.index_cast %parallel_loop3A_164 : i32 to index
          %parallel_loop3A_210 = arith.constant 32 : index
          %parallel_loop3A_211 = tpu.vector_load %arg10[%parallel_loop3A_209, %parallel_loop3A_210] {strides = array<i32>} : memref<64x80xf32, #tpu.memory_space<vmem>>, vector<1x16xf32>,
          %parallel_loop3A_212 = vector.shape_cast %parallel_loop3A_211 : vector<1x16xf32> to vector<16xf32>
          %parallel_loop3A_213 = arith.mulf %parallel_loop3A_212, %parallel_loop3A_188 : vector<16xf32>
          %parallel_loop3A_214 = arith.index_cast %parallel_loop3A_164 : i32 to index
          %parallel_loop3A_215 = arith.constant 32 : index
          %parallel_loop3A_216 = tpu.vector_load %arg10[%parallel_loop3A_214, %parallel_loop3A_215] {strides = array<i32>} : memref<64x80xf32, #tpu.memory_space<vmem>>, vector<1x16xf32>,
          %parallel_loop3A_217 = vector.shape_cast %parallel_loop3A_216 : vector<1x16xf32> to vector<16xf32>
          %parallel_loop3A_218 = vector.shape_cast %parallel_loop3A_213 : vector<16xf32> to vector<1x16xf32>
          tpu.vector_store %arg10[%parallel_loop3A_214, %parallel_loop3A_215], %parallel_loop3A_218 {strides = array<i32>} : memref<64x80xf32, #tpu.memory_space<vmem>>, vector<1x16xf32>,
          %parallel_loop3A_219 = arith.index_cast %parallel_loop3A_164 : i32 to index
          %parallel_loop3A_220 = arith.constant 48 : index
          %parallel_loop3A_221 = tpu.vector_load %arg10[%parallel_loop3A_219, %parallel_loop3A_220] {strides = array<i32>} : memref<64x80xf32, #tpu.memory_space<vmem>>, vector<1x16xf32>,
          %parallel_loop3A_222 = vector.shape_cast %parallel_loop3A_221 : vector<1x16xf32> to vector<16xf32>
          %parallel_loop3A_223 = arith.mulf %parallel_loop3A_222, %parallel_loop3A_188 : vector<16xf32>
          %parallel_loop3A_224 = arith.index_cast %parallel_loop3A_164 : i32 to index
          %parallel_loop3A_225 = arith.constant 48 : index
          %parallel_loop3A_226 = tpu.vector_load %arg10[%parallel_loop3A_224, %parallel_loop3A_225] {strides = array<i32>} : memref<64x80xf32, #tpu.memory_space<vmem>>, vector<1x16xf32>,
          %parallel_loop3A_227 = vector.shape_cast %parallel_loop3A_226 : vector<1x16xf32> to vector<16xf32>
          %parallel_loop3A_228 = vector.shape_cast %parallel_loop3A_223 : vector<16xf32> to vector<1x16xf32>
          tpu.vector_store %arg10[%parallel_loop3A_224, %parallel_loop3A_225], %parallel_loop3A_228 {strides = array<i32>} : memref<64x80xf32, #tpu.memory_space<vmem>>, vector<1x16xf32>,
          %parallel_loop3A_229 = arith.select %lt3A_2, %parallel_loop3A_186, %broadcast_in_dim3A_3 : vector<16xi1>, vector<16xf32>
          %parallel_loop3A_230 = arith.index_cast %parallel_loop3A_164 : i32 to index
          %parallel_loop3A_231 = arith.constant 64 : index
          %parallel_loop3A_232 = tpu.vector_load %arg10[%parallel_loop3A_230, %parallel_loop3A_231] {strides = array<i32>} : memref<64x80xf32, #tpu.memory_space<vmem>>, vector<1x16xf32>,
          %parallel_loop3A_233 = vector.shape_cast %parallel_loop3A_232 : vector<1x16xf32> to vector<16xf32>
          %parallel_loop3A_234 = vector.shape_cast %parallel_loop3A_229 : vector<16xf32> to vector<1x16xf32>
          tpu.vector_store %arg10[%parallel_loop3A_230, %parallel_loop3A_231], %parallel_loop3A_234 {strides = array<i32>} : memref<64x80xf32, #tpu.memory_space<vmem>>, vector<1x16xf32>,
        } {sc.loop_unroll_factor = 4 : i64, sc.parallel_access}
        %dma_wait3A_143 = arith.constant 0 : i32
        %dma_wait3A_144 = arith.constant 0 : i32
        %dma_wait3A_145 = tpu.memref_slice %arg8[%dma_wait3A_143, %dma_wait3A_144] : memref<54x64xi32, #tpu.memory_space<vmem>> -> memref<1x64xi32, #tpu.memory_space<vmem>>
        %dma_wait3A_146 = tpu.memref_squeeze %dma_wait3A_145 : memref<1x64xi32, #tpu.memory_space<vmem>> -> memref<64xi32, #tpu.memory_space<vmem>>
        %dma_wait3A_147 = arith.constant 0 : i32
        %dma_wait3A_148 = arith.constant 0 : i32
        %dma_wait3A_149 = tpu.memref_slice %arg13[%dma_wait3A_147, %dma_wait3A_148] : memref<10240x80xf32, #tpu.memory_space<vmem_shared>> -> memref<10240x80xf32, #tpu.memory_space<vmem_shared>>
        tpu.wait_indirect_dma semaphore(%arg18 : memref<!tpu.dma_semaphore, #tpu.memory_space<semaphore_mem>>) src(%arg9 : memref<64x80xf32, #tpu.memory_space<vmem>>) dst(%dma_wait3A_149 : memref<10240x80xf32, #tpu.memory_space<vmem_shared>>)
        %lt3A_150 = arith.constant 26 : i32
        %lt3A_151 = arith.cmpi slt, %scan3A_84, %lt3A_150 : i32
        %convert_element_type3A_152 = arith.extui %lt3A_151 : i1 to i32
        %cond3A_153 = arith.constant 0 : i32
        %cond3A_154 = arith.cmpi ne, %convert_element_type3A_152, %cond3A_153 : i32
        scf.if %cond3A_154 {
          %add3A_164 = arith.constant 2 : i32
          %add3A_165 = arith.addi %mul3A_87, %add3A_164 : i32
          %dma_start3A_166 = arith.constant 0 : i32
          %dma_start3A_167 = tpu.memref_slice %arg7[%add3A_165, %dma_start3A_166] : memref<54x64xi32, #tpu.memory_space<vmem>> -> memref<1x64xi32, #tpu.memory_space<vmem>>
          %dma_start3A_168 = tpu.memref_squeeze %dma_start3A_167 : memref<1x64xi32, #tpu.memory_space<vmem>> -> memref<64xi32, #tpu.memory_space<vmem>>
          %dma_start3A_169 = arith.constant 0 : i32
          %dma_start3A_170 = arith.constant 0 : i32
          %dma_start3A_171 = tpu.memref_slice %arg2[%dma_start3A_169, %dma_start3A_170] : memref<10240x80xf32, #tpu.memory_space<hbm>> -> memref<10240x80xf32, #tpu.memory_space<hbm>>
          tpu.enqueue_indirect_dma source(%dma_start3A_171 : memref<10240x80xf32, #tpu.memory_space<hbm>>) target(%arg9 : memref<64x80xf32, #tpu.memory_space<vmem>>) offsets(%dma_start3A_168 : memref<64xi32, #tpu.memory_space<vmem>>) semaphore(%arg14 : memref<!tpu.dma_semaphore, #tpu.memory_space<semaphore_mem>>)
          %dma_start3A_172 = arith.constant 0 : i32
          %dma_start3A_173 = tpu.memref_slice %arg8[%add3A_165, %dma_start3A_172] : memref<54x64xi32, #tpu.memory_space<vmem>> -> memref<1x64xi32, #tpu.memory_space<vmem>>
          %dma_start3A_174 = tpu.memref_squeeze %dma_start3A_173 : memref<1x64xi32, #tpu.memory_space<vmem>> -> memref<64xi32, #tpu.memory_space<vmem>>
          %dma_start3A_175 = arith.constant 0 : i32
          %dma_start3A_176 = arith.constant 0 : i32
          %dma_start3A_177 = tpu.memref_slice %arg3[%dma_start3A_175, %dma_start3A_176] : memref<10240x32xf32, #tpu.memory_space<hbm>> -> memref<10240x32xf32, #tpu.memory_space<hbm>>
          tpu.enqueue_indirect_dma source(%dma_start3A_177 : memref<10240x32xf32, #tpu.memory_space<hbm>>) target(%arg11 : memref<64x32xf32, #tpu.memory_space<vmem>>) offsets(%dma_start3A_174 : memref<64xi32, #tpu.memory_space<vmem>>) semaphore(%arg16 : memref<!tpu.dma_semaphore, #tpu.memory_space<semaphore_mem>>)
        } else {
        }
        %add3A_155 = arith.constant 1 : i32
        %add3A_156 = arith.addi %mul3A_87, %add3A_155 : i32
        %dma_start3A_157 = arith.constant 0 : i32
        %dma_start3A_158 = tpu.memref_slice %arg8[%add3A_156, %dma_start3A_157] : memref<54x64xi32, #tpu.memory_space<vmem>> -> memref<1x64xi32, #tpu.memory_space<vmem>>
        %dma_start3A_159 = tpu.memref_squeeze %dma_start3A_158 : memref<1x64xi32, #tpu.memory_space<vmem>> -> memref<64xi32, #tpu.memory_space<vmem>>
        %dma_start3A_160 = arith.constant 0 : i32
        %dma_start3A_161 = arith.constant 0 : i32
        %dma_start3A_162 = tpu.memref_slice %arg13[%dma_start3A_160, %dma_start3A_161] : memref<10240x80xf32, #tpu.memory_space<vmem_shared>> -> memref<10240x80xf32, #tpu.memory_space<vmem_shared>>
        tpu.enqueue_indirect_dma source(%arg10 : memref<64x80xf32, #tpu.memory_space<vmem>>) target(%dma_start3A_162 : memref<10240x80xf32, #tpu.memory_space<vmem_shared>>) offsets(%dma_start3A_159 : memref<64xi32, #tpu.memory_space<vmem>>) semaphore(%arg19 : memref<!tpu.dma_semaphore, #tpu.memory_space<semaphore_mem>>) {add = true}
        %scan3A_163 = arith.constant 0 : i32
        scf.yield %scan3A_163 : i32
      }
      %scan3A_76 = arith.constant 27 : i32
      %dma_wait3A = arith.constant 0 : i32
      %dma_wait3A_77 = arith.constant 0 : i32
      %dma_wait3A_78 = tpu.memref_slice %arg8[%dma_wait3A, %dma_wait3A_77] : memref<54x64xi32, #tpu.memory_space<vmem>> -> memref<1x64xi32, #tpu.memory_space<vmem>>
      %dma_wait3A_79 = tpu.memref_squeeze %dma_wait3A_78 : memref<1x64xi32, #tpu.memory_space<vmem>> -> memref<64xi32, #tpu.memory_space<vmem>>
      %dma_wait3A_80 = arith.constant 0 : i32
      %dma_wait3A_81 = arith.constant 0 : i32
      %dma_wait3A_82 = tpu.memref_slice %arg13[%dma_wait3A_80, %dma_wait3A_81] : memref<10240x80xf32, #tpu.memory_space<vmem_shared>> -> memref<10240x80xf32, #tpu.memory_space<vmem_shared>>
      tpu.wait_indirect_dma semaphore(%arg19 : memref<!tpu.dma_semaphore, #tpu.memory_space<semaphore_mem>>) src(%arg10 : memref<64x80xf32, #tpu.memory_space<vmem>>) dst(%dma_wait3A_82 : memref<10240x80xf32, #tpu.memory_space<vmem_shared>>)
      %scan3A_83 = arith.constant 0 : i32
      scf.yield %scan3A_83 : i32
    }
    %scan3A_41 = arith.constant 3 : i32
    %barrier3A_42 = arith.constant 0 : index
    tpu.barrier barrier_id(%barrier3A_42)
    %scan3A_43 = arith.constant 0 : i32
    %scan3A_44 = arith.constant 0 : i32
    %scan3A_45 = arith.constant 10 : i32
    %scan3A_46 = arith.addi %scan3A_44, %scan3A_45 : i32
    %scan3A_47 = arith.constant 1 : i32
    %scan3A_48 = scf.for %scan3A_50 = %scan3A_44 to %scan3A_46 step %scan3A_47 iter_args(%scan3A_51 = %scan3A_43) -> (i32)  : i32 {
      %mul3A_52 = arith.constant 64 : i32
      %mul3A_53 = arith.muli %scan3A_50, %mul3A_52 : i32
      %add3A_54 = arith.addi %mul3A_11, %mul3A_53 : i32
      %mul3A_55 = arith.constant 64 : i32
      %mul3A_56 = arith.muli %scan3A_50, %mul3A_55 : i32
      %add3A_57 = arith.addi %mul3A_11, %mul3A_56 : i32
      "tpu.region"() ({
        %run_scoped3A = tpu.sem_alloc : memref<!tpu.dma_semaphore, #tpu.memory_space<semaphore_mem>>
        %dma_start3A = arith.constant 0 : i32
        %dma_start3A_59 = tpu.memref_slice %arg6[%arg0, %add3A_57, %dma_start3A] : memref<2x10240x80xf32, #tpu.memory_space<hbm>> -> memref<1x64x80xf32, #tpu.memory_space<hbm>>
        %dma_start3A_60 = tpu.memref_squeeze %dma_start3A_59 : memref<1x64x80xf32, #tpu.memory_space<hbm>> -> memref<64x80xf32, #tpu.memory_space<hbm>>
        %dma_start3A_61 = arith.constant 0 : i32
        %dma_start3A_62 = tpu.memref_slice %arg13[%add3A_54, %dma_start3A_61] : memref<10240x80xf32, #tpu.memory_space<vmem_shared>> -> memref<64x80xf32, #tpu.memory_space<vmem_shared>>
        tpu.enqueue_dma source(%dma_start3A_62 : memref<64x80xf32, #tpu.memory_space<vmem_shared>>) target(%dma_start3A_60 : memref<64x80xf32, #tpu.memory_space<hbm>>) target_semaphore(%run_scoped3A : memref<!tpu.dma_semaphore, #tpu.memory_space<semaphore_mem>>)
        %dma_wait3A = arith.constant 0 : i32
        %dma_wait3A_63 = tpu.memref_slice %arg6[%arg0, %add3A_57, %dma_wait3A] : memref<2x10240x80xf32, #tpu.memory_space<hbm>> -> memref<1x64x80xf32, #tpu.memory_space<hbm>>
        %dma_wait3A_64 = tpu.memref_squeeze %dma_wait3A_63 : memref<1x64x80xf32, #tpu.memory_space<hbm>> -> memref<64x80xf32, #tpu.memory_space<hbm>>
        %dma_wait3A_65 = arith.constant 0 : i32
        %dma_wait3A_66 = tpu.memref_slice %arg13[%add3A_54, %dma_wait3A_65] : memref<10240x80xf32, #tpu.memory_space<vmem_shared>> -> memref<64x80xf32, #tpu.memory_space<vmem_shared>>
        tpu.wait_dma2 semaphore(%run_scoped3A : memref<!tpu.dma_semaphore, #tpu.memory_space<semaphore_mem>>) src(%dma_wait3A_66 : memref<64x80xf32, #tpu.memory_space<vmem_shared>>) dst(%dma_wait3A_64 : memref<64x80xf32, #tpu.memory_space<hbm>>)
        tpu.yield
      }) : () -> ()
      %scan3A_58 = arith.constant 0 : i32
      scf.yield %scan3A_58 : i32
    }
    %scan3A_49 = arith.constant 10 : i32
    return
  }
}

module attributes {stable_mosaic.version = 14 : i64} {
  func.func @_stage1_body(%arg0: i32, %arg1: memref<512x128xf32, #tpu.memory_space<vmem>>, %arg2: memref<128x128xf32, #tpu.memory_space<vmem>>, %arg3: memref<128x16xf32, #tpu.memory_space<vmem>>, %arg4: memref<512x144xf32, #tpu.memory_space<vmem>>) attributes {dimension_semantics = [#tpu.dimension_semantics<arbitrary>], iteration_bounds = array<i64: 20>, scalar_prefetch = 0 : i64, scratch_operands = 0 : i64, tpu.core_type = #tpu.core_type<tc>, window_params = [{transform_indices = @transform_0, window_bounds = array<i64: 512, 128>}, {pipeline_mode = #tpu.pipeline_mode<synchronous>, transform_indices = @transform_1, window_bounds = array<i64: 128, 128>}, {pipeline_mode = #tpu.pipeline_mode<synchronous>, transform_indices = @transform_2, window_bounds = array<i64: 128, 16>}, {transform_indices = @transform_3, window_bounds = array<i64: 512, 144>}]} {
    %get3A = arith.constant 0 : index
    %get3A_0 = arith.constant 0 : index
    %get3A_1 = vector.load %arg1[%get3A, %get3A_0] : memref<512x128xf32, #tpu.memory_space<vmem>>, vector<512x128xf32>
    %get3A_2 = arith.constant 0 : index
    %get3A_3 = arith.constant 0 : index
    %get3A_4 = vector.load %arg2[%get3A_2, %get3A_3] : memref<128x128xf32, #tpu.memory_space<vmem>>, vector<128x128xf32>
    %dot_general3A = arith.constant dense<0.000000e+00> : vector<512x128xf32>
    %dot_general3A_5 = tpu.matmul %get3A_1, %get3A_4, %dot_general3A {dimension_numbers = #tpu.dot_dimension_numbers<[1], [0], [0], [1], [0, 0, 1, 1], [], []>, transpose_lhs_hint = false} : vector<512x128xf32>, vector<128x128xf32>, vector<512x128xf32> -> vector<512x128xf32>
    %get3A_6 = arith.constant 0 : index
    %get3A_7 = arith.constant 0 : index
    %get3A_8 = vector.load %arg3[%get3A_6, %get3A_7] : memref<128x16xf32, #tpu.memory_space<vmem>>, vector<128x16xf32>
    %dot_general3A_9 = arith.constant dense<0.000000e+00> : vector<512x16xf32>
    %dot_general3A_10 = tpu.matmul %dot_general3A_5, %get3A_8, %dot_general3A_9 {dimension_numbers = #tpu.dot_dimension_numbers<[1], [0], [0], [1], [0, 0, 1, 1], [], []>, transpose_lhs_hint = false} : vector<512x128xf32>, vector<128x16xf32>, vector<512x16xf32> -> vector<512x16xf32>
    %mul3A = arith.constant 512 : i32
    %mul3A_11 = arith.muli %arg0, %mul3A : i32
    %iota3A = tpu.iota {dimensions = array<i32: 0>} : vector<512x1xi32>
    %add3A = vector.broadcast %mul3A_11 : i32 to vector<512x1xi32>
    %add3A_12 = arith.addi %add3A, %iota3A : vector<512x1xi32>
    %lt3A = arith.constant 10000 : i32
    %lt3A_13 = vector.broadcast %lt3A : i32 to vector<512x1xi32>
    %lt3A_14 = arith.cmpi slt, %add3A_12, %lt3A_13 : vector<512x1xi32>
    %jit3A = arith.constant 0.000000e+00 : f32
    %broadcast_in_dim3A = vector.shape_cast %lt3A_14 : vector<512x1xi1> to vector<512x1xi1>
    %broadcast_in_dim3A_15 = vector.broadcast %broadcast_in_dim3A : vector<512x1xi1> to vector<512x128xi1>
    %broadcast_in_dim3A_16 = vector.broadcast %jit3A : f32 to vector<512x128xf32>
    %select_n3A = arith.select %broadcast_in_dim3A_15, %dot_general3A_5, %broadcast_in_dim3A_16 : vector<512x128xi1>, vector<512x128xf32>
    %slice3A = vector.extract_strided_slice %dot_general3A_10 {offsets = [0, 0], sizes = [512, 8], strides = [1, 1]} : vector<512x16xf32> to vector<512x8xf32>
    %jit3A_17 = arith.constant -1.000000e+30 : f32
    %broadcast_in_dim3A_18 = vector.shape_cast %lt3A_14 : vector<512x1xi1> to vector<512x1xi1>
    %broadcast_in_dim3A_19 = vector.broadcast %broadcast_in_dim3A_18 : vector<512x1xi1> to vector<512x8xi1>
    %broadcast_in_dim3A_20 = vector.broadcast %jit3A_17 : f32 to vector<512x8xf32>
    %select_n3A_21 = arith.select %broadcast_in_dim3A_19, %slice3A, %broadcast_in_dim3A_20 : vector<512x8xi1>, vector<512x8xf32>
    %slice3A_22 = vector.extract_strided_slice %dot_general3A_10 {offsets = [0, 8], sizes = [512, 8], strides = [1, 1]} : vector<512x16xf32> to vector<512x8xf32>
    %jit3A_23 = arith.constant 0.000000e+00 : f32
    %broadcast_in_dim3A_24 = vector.shape_cast %lt3A_14 : vector<512x1xi1> to vector<512x1xi1>
    %broadcast_in_dim3A_25 = vector.broadcast %broadcast_in_dim3A_24 : vector<512x1xi1> to vector<512x8xi1>
    %broadcast_in_dim3A_26 = vector.broadcast %jit3A_23 : f32 to vector<512x8xf32>
    %select_n3A_27 = arith.select %broadcast_in_dim3A_25, %slice3A_22, %broadcast_in_dim3A_26 : vector<512x8xi1>, vector<512x8xf32>
    %swap3A = arith.constant 0 : index
    %swap3A_28 = arith.constant 0 : index
    %swap3A_29 = vector.load %arg4[%swap3A, %swap3A_28] : memref<512x144xf32, #tpu.memory_space<vmem>>, vector<512x128xf32>
    tpu.vector_store %arg4[%swap3A, %swap3A_28], %select_n3A {strides = array<i32>} : memref<512x144xf32, #tpu.memory_space<vmem>>, vector<512x128xf32>,
    %concatenate3A = tpu.concatenate %select_n3A_21, %select_n3A_27 in 1 : vector<512x8xf32>, vector<512x8xf32> -> vector<512x16xf32>
    %swap3A_30 = arith.constant 0 : index
    %swap3A_31 = arith.constant 128 : index
    %swap3A_32 = vector.load %arg4[%swap3A_30, %swap3A_31] : memref<512x144xf32, #tpu.memory_space<vmem>>, vector<512x16xf32>
    tpu.vector_store %arg4[%swap3A_30, %swap3A_31], %concatenate3A {strides = array<i32>} : memref<512x144xf32, #tpu.memory_space<vmem>>, vector<512x16xf32>,
    return
  }
  func.func @transform_0(%arg0: i32) -> (i32, i32) {
    %c0_i32 = arith.constant 0 : i32
    %c0_i32_0 = arith.constant 0 : i32
    return %arg0, %c0_i32 : i32, i32
  }
  func.func @transform_1(%arg0: i32) -> (i32, i32) {
    %c0_i32 = arith.constant 0 : i32
    %c0_i32_0 = arith.constant 0 : i32
    %c0_i32_1 = arith.constant 0 : i32
    return %c0_i32, %c0_i32_0 : i32, i32
  }
  func.func @transform_2(%arg0: i32) -> (i32, i32) {
    %c0_i32 = arith.constant 0 : i32
    %c0_i32_0 = arith.constant 0 : i32
    %c0_i32_1 = arith.constant 0 : i32
    return %c0_i32, %c0_i32_0 : i32, i32
  }
  func.func @transform_3(%arg0: i32) -> (i32, i32) {
    %c0_i32 = arith.constant 0 : i32
    %c0_i32_0 = arith.constant 0 : i32
    return %arg0, %c0_i32 : i32, i32
  }
}

module attributes {stable_mosaic.version = 14 : i64} {
  func.func @_shift1_body(%arg0: i32, %arg1: memref<10240x144xf32, #tpu.memory_space<vmem>>, %arg2: memref<10240x32xf32, #tpu.memory_space<vmem>>) attributes {dimension_semantics = [#tpu.dimension_semantics<arbitrary>], iteration_bounds = array<i64: 1>, scalar_prefetch = 0 : i64, scratch_operands = 0 : i64, tpu.core_type = #tpu.core_type<tc>, window_params = [{pipeline_mode = #tpu.pipeline_mode<synchronous>, transform_indices = @transform_0, window_bounds = array<i64: 10240, 144>}, {pipeline_mode = #tpu.pipeline_mode<synchronous>, transform_indices = @transform_1, window_bounds = array<i64: 10240, 32>}]} {
    %get3A = arith.constant 0 : index
    %get3A_0 = arith.constant 128 : index
    %get3A_1 = vector.load %arg1[%get3A, %get3A_0] : memref<10240x144xf32, #tpu.memory_space<vmem>>, vector<10240x16xf32>
    %slice3A = vector.extract_strided_slice %get3A_1 {offsets = [0, 0], sizes = [10240, 8], strides = [1, 1]} : vector<10240x16xf32> to vector<10240x8xf32>
    %slice3A_2 = vector.extract_strided_slice %get3A_1 {offsets = [0, 8], sizes = [10240, 8], strides = [1, 1]} : vector<10240x16xf32> to vector<10240x8xf32>
    %reduce_max3A = arith.constant dense<0xFF800000> : vector<8xf32>
    %reduce_max3A_3 = vector.multi_reduction <maximumf>, %slice3A, %reduce_max3A [0] : vector<10240x8xf32> to vector<8xf32>
    %broadcast_in_dim3A = vector.shape_cast %reduce_max3A_3 : vector<8xf32> to vector<1x8xf32>
    %add3A = vector.broadcast %broadcast_in_dim3A : vector<1x8xf32> to vector<10240x8xf32>
    %add3A_4 = arith.addf %add3A, %slice3A_2 : vector<10240x8xf32>
    %ge3A = arith.constant 0.000000e+00 : f32
    %ge3A_5 = vector.broadcast %ge3A : f32 to vector<10240x8xf32>
    %ge3A_6 = arith.cmpf oge, %add3A_4, %ge3A_5 : vector<10240x8xf32>
    %mul3A = arith.constant 2.000000e-01 : f32
    %mul3A_7 = vector.broadcast %mul3A : f32 to vector<10240x8xf32>
    %mul3A_8 = arith.mulf %mul3A_7, %add3A_4 : vector<10240x8xf32>
    %select_n3A = arith.select %ge3A_6, %add3A_4, %mul3A_8 : vector<10240x8xi1>, vector<10240x8xf32>
    %broadcast_in_dim3A_9 = arith.constant 0.000000e+00 : f32
    %broadcast_in_dim3A_10 = vector.broadcast %broadcast_in_dim3A_9 : f32 to vector<10240x8xf32>
    %concatenate3A = tpu.concatenate %slice3A_2, %broadcast_in_dim3A_10, %select_n3A, %broadcast_in_dim3A_10 in 1 : vector<10240x8xf32>, vector<10240x8xf32>, vector<10240x8xf32>, vector<10240x8xf32> -> vector<10240x32xf32>
    %swap3A = arith.constant 0 : index
    %swap3A_11 = arith.constant 0 : index
    %swap3A_12 = vector.load %arg2[%swap3A, %swap3A_11] : memref<10240x32xf32, #tpu.memory_space<vmem>>, vector<10240x32xf32>
    tpu.vector_store %arg2[%swap3A, %swap3A_11], %concatenate3A {strides = array<i32>} : memref<10240x32xf32, #tpu.memory_space<vmem>>, vector<10240x32xf32>,
    return
  }
  func.func @transform_0(%arg0: i32) -> (i32, i32) {
    %c0_i32 = arith.constant 0 : i32
    %c0_i32_0 = arith.constant 0 : i32
    %c0_i32_1 = arith.constant 0 : i32
    return %c0_i32, %c0_i32_0 : i32, i32
  }
  func.func @transform_1(%arg0: i32) -> (i32, i32) {
    %c0_i32 = arith.constant 0 : i32
    %c0_i32_0 = arith.constant 0 : i32
    %c0_i32_1 = arith.constant 0 : i32
    return %c0_i32, %c0_i32_0 : i32, i32
  }
}

module attributes {stable_mosaic.version = 14 : i64} {
  func.func @_stage2_body(%arg0: i32, %arg1: memref<512x144xf32, #tpu.memory_space<vmem>>, %arg2: memref<512x144xf32, #tpu.memory_space<vmem>>, %arg3: memref<128x64xf32, #tpu.memory_space<vmem>>, %arg4: memref<64x16xf32, #tpu.memory_space<vmem>>, %arg5: memref<8x128xf32, #tpu.memory_space<vmem>>, %arg6: memref<1x128xf32, #tpu.memory_space<vmem>>, %arg7: memref<1x128xf32, #tpu.memory_space<vmem>>, %arg8: memref<1x128xf32, #tpu.memory_space<vmem>>, %arg9: memref<512x80xf32, #tpu.memory_space<vmem>>) attributes {dimension_semantics = [#tpu.dimension_semantics<arbitrary>], iteration_bounds = array<i64: 20>, scalar_prefetch = 0 : i64, scratch_operands = 0 : i64, tpu.core_type = #tpu.core_type<tc>, window_params = [{transform_indices = @transform_0, window_bounds = array<i64: 512, 144>}, {transform_indices = @transform_1, window_bounds = array<i64: 512, 144>}, {pipeline_mode = #tpu.pipeline_mode<synchronous>, transform_indices = @transform_2, window_bounds = array<i64: 128, 64>}, {pipeline_mode = #tpu.pipeline_mode<synchronous>, transform_indices = @transform_3, window_bounds = array<i64: 64, 16>}, {pipeline_mode = #tpu.pipeline_mode<synchronous>, transform_indices = @transform_4, window_bounds = array<i64: 8, 128>}, {pipeline_mode = #tpu.pipeline_mode<synchronous>, transform_indices = @transform_5, window_bounds = array<i64: 1, 128>}, {pipeline_mode = #tpu.pipeline_mode<synchronous>, transform_indices = @transform_6, window_bounds = array<i64: 1, 128>}, {pipeline_mode = #tpu.pipeline_mode<synchronous>, transform_indices = @transform_7, window_bounds = array<i64: 1, 128>}, {transform_indices = @transform_8, window_bounds = array<i64: 512, 80>}]} {
    %get3A = arith.constant 0 : index
    %get3A_0 = arith.constant 0 : index
    %get3A_1 = vector.load %arg1[%get3A, %get3A_0] : memref<512x144xf32, #tpu.memory_space<vmem>>, vector<512x144xf32>
    %get3A_2 = arith.constant 0 : index
    %get3A_3 = arith.constant 0 : index
    %get3A_4 = vector.load %arg2[%get3A_2, %get3A_3] : memref<512x144xf32, #tpu.memory_space<vmem>>, vector<512x144xf32>
    %add3A = arith.addf %get3A_1, %get3A_4 : vector<512x144xf32>
    %slice3A = vector.extract_strided_slice %add3A {offsets = [0, 0], sizes = [512, 128], strides = [1, 1]} : vector<512x144xf32> to vector<512x128xf32>
    %slice3A_5 = vector.extract_strided_slice %add3A {offsets = [0, 128], sizes = [512, 8], strides = [1, 1]} : vector<512x144xf32> to vector<512x8xf32>
    %get3A_6 = arith.constant 0 : index
    %get3A_7 = arith.constant 0 : index
    %get3A_8 = vector.load %arg5[%get3A_6, %get3A_7] : memref<8x128xf32, #tpu.memory_space<vmem>>, vector<8x128xf32>
    %dot_general3A = arith.constant dense<0.000000e+00> : vector<512x128xf32>
    %dot_general3A_9 = tpu.matmul %slice3A_5, %get3A_8, %dot_general3A {dimension_numbers = #tpu.dot_dimension_numbers<[1], [0], [0], [1], [0, 0, 1, 1], [], []>, transpose_lhs_hint = false} : vector<512x8xf32>, vector<8x128xf32>, vector<512x128xf32> -> vector<512x128xf32>
    %add3A_10 = arith.constant 1.000000e-16 : f32
    %add3A_11 = vector.broadcast %add3A_10 : f32 to vector<512x128xf32>
    %add3A_12 = arith.addf %dot_general3A_9, %add3A_11 : vector<512x128xf32>
    %div3A = arith.divf %slice3A, %add3A_12 : vector<512x128xf32>
    %get3A_13 = arith.constant 0 : index
    %get3A_14 = arith.constant 0 : index
    %get3A_15 = vector.load %arg6[%get3A_13, %get3A_14] : memref<1x128xf32, #tpu.memory_space<vmem>>, vector<1x128xf32>
    %add3A_16 = vector.broadcast %get3A_15 : vector<1x128xf32> to vector<512x128xf32>
    %add3A_17 = arith.addf %div3A, %add3A_16 : vector<512x128xf32>
    %get3A_18 = arith.constant 0 : index
    %get3A_19 = arith.constant 0 : index
    %get3A_20 = vector.load %arg7[%get3A_18, %get3A_19] : memref<1x128xf32, #tpu.memory_space<vmem>>, vector<1x128xf32>
    %mul3A = vector.broadcast %get3A_20 : vector<1x128xf32> to vector<512x128xf32>
    %mul3A_21 = arith.mulf %add3A_17, %mul3A : vector<512x128xf32>
    %get3A_22 = arith.constant 0 : index
    %get3A_23 = arith.constant 0 : index
    %get3A_24 = vector.load %arg8[%get3A_22, %get3A_23] : memref<1x128xf32, #tpu.memory_space<vmem>>, vector<1x128xf32>
    %add3A_25 = vector.broadcast %get3A_24 : vector<1x128xf32> to vector<512x128xf32>
    %add3A_26 = arith.addf %mul3A_21, %add3A_25 : vector<512x128xf32>
    %max3A = arith.constant 0.000000e+00 : f32
    %max3A_27 = vector.broadcast %max3A : f32 to vector<512x128xf32>
    %max3A_28 = arith.maximumf %add3A_26, %max3A_27 : vector<512x128xf32>
    %get3A_29 = arith.constant 0 : index
    %get3A_30 = arith.constant 0 : index
    %get3A_31 = vector.load %arg3[%get3A_29, %get3A_30] : memref<128x64xf32, #tpu.memory_space<vmem>>, vector<128x64xf32>
    %dot_general3A_32 = arith.constant dense<0.000000e+00> : vector<512x64xf32>
    %dot_general3A_33 = tpu.matmul %max3A_28, %get3A_31, %dot_general3A_32 {dimension_numbers = #tpu.dot_dimension_numbers<[1], [0], [0], [1], [0, 0, 1, 1], [], []>, transpose_lhs_hint = false} : vector<512x128xf32>, vector<128x64xf32>, vector<512x64xf32> -> vector<512x64xf32>
    %get3A_34 = arith.constant 0 : index
    %get3A_35 = arith.constant 0 : index
    %get3A_36 = vector.load %arg4[%get3A_34, %get3A_35] : memref<64x16xf32, #tpu.memory_space<vmem>>, vector<64x16xf32>
    %dot_general3A_37 = arith.constant dense<0.000000e+00> : vector<512x16xf32>
    %dot_general3A_38 = tpu.matmul %dot_general3A_33, %get3A_36, %dot_general3A_37 {dimension_numbers = #tpu.dot_dimension_numbers<[1], [0], [0], [1], [0, 0, 1, 1], [], []>, transpose_lhs_hint = false} : vector<512x64xf32>, vector<64x16xf32>, vector<512x16xf32> -> vector<512x16xf32>
    %mul3A_39 = arith.constant 512 : i32
    %mul3A_40 = arith.muli %arg0, %mul3A_39 : i32
    %iota3A = tpu.iota {dimensions = array<i32: 0>} : vector<512x1xi32>
    %add3A_41 = vector.broadcast %mul3A_40 : i32 to vector<512x1xi32>
    %add3A_42 = arith.addi %add3A_41, %iota3A : vector<512x1xi32>
    %lt3A = arith.constant 10000 : i32
    %lt3A_43 = vector.broadcast %lt3A : i32 to vector<512x1xi32>
    %lt3A_44 = arith.cmpi slt, %add3A_42, %lt3A_43 : vector<512x1xi32>
    %iota3A_45 = tpu.iota {dimensions = array<i32: 1>} : vector<1x16xi32>
    %eq3A = arith.constant 0 : i32
    %eq3A_46 = vector.broadcast %eq3A : i32 to vector<1x16xi32>
    %eq3A_47 = arith.cmpi eq, %iota3A_45, %eq3A_46 : vector<1x16xi32>
    %jit3A = arith.constant -1.000000e+30 : f32
    %jit3A_48 = arith.constant 0.000000e+00 : f32
    %broadcast_in_dim3A = vector.broadcast %jit3A : f32 to vector<1x16xf32>
    %broadcast_in_dim3A_49 = vector.broadcast %jit3A_48 : f32 to vector<1x16xf32>
    %select_n3A = arith.select %eq3A_47, %broadcast_in_dim3A, %broadcast_in_dim3A_49 : vector<1x16xi1>, vector<1x16xf32>
    %jit3A_50 = arith.constant 0.000000e+00 : f32
    %broadcast_in_dim3A_51 = vector.shape_cast %lt3A_44 : vector<512x1xi1> to vector<512x1xi1>
    %broadcast_in_dim3A_52 = vector.broadcast %broadcast_in_dim3A_51 : vector<512x1xi1> to vector<512x64xi1>
    %broadcast_in_dim3A_53 = vector.broadcast %jit3A_50 : f32 to vector<512x64xf32>
    %select_n3A_54 = arith.select %broadcast_in_dim3A_52, %dot_general3A_33, %broadcast_in_dim3A_53 : vector<512x64xi1>, vector<512x64xf32>
    %swap3A = arith.constant 0 : index
    %swap3A_55 = arith.constant 0 : index
    %swap3A_56 = vector.load %arg9[%swap3A, %swap3A_55] : memref<512x80xf32, #tpu.memory_space<vmem>>, vector<512x64xf32>
    tpu.vector_store %arg9[%swap3A, %swap3A_55], %select_n3A_54 {strides = array<i32>} : memref<512x80xf32, #tpu.memory_space<vmem>>, vector<512x64xf32>,
    %broadcast_in_dim3A_57 = vector.shape_cast %lt3A_44 : vector<512x1xi1> to vector<512x1xi1>
    %broadcast_in_dim3A_58 = vector.broadcast %broadcast_in_dim3A_57 : vector<512x1xi1> to vector<512x16xi1>
    %broadcast_in_dim3A_59 = vector.shape_cast %select_n3A : vector<1x16xf32> to vector<1x16xf32>
    %broadcast_in_dim3A_60 = vector.broadcast %broadcast_in_dim3A_59 : vector<1x16xf32> to vector<512x16xf32>
    %select_n3A_61 = arith.select %broadcast_in_dim3A_58, %dot_general3A_38, %broadcast_in_dim3A_60 : vector<512x16xi1>, vector<512x16xf32>
    %swap3A_62 = arith.constant 0 : index
    %swap3A_63 = arith.constant 64 : index
    %swap3A_64 = vector.load %arg9[%swap3A_62, %swap3A_63] : memref<512x80xf32, #tpu.memory_space<vmem>>, vector<512x16xf32>
    tpu.vector_store %arg9[%swap3A_62, %swap3A_63], %select_n3A_61 {strides = array<i32>} : memref<512x80xf32, #tpu.memory_space<vmem>>, vector<512x16xf32>,
    return
  }
  func.func @transform_0(%arg0: i32) -> (i32, i32) {
    %c0_i32 = arith.constant 0 : i32
    %c0_i32_0 = arith.constant 0 : i32
    return %arg0, %c0_i32 : i32, i32
  }
  func.func @transform_1(%arg0: i32) -> (i32, i32) {
    %c0_i32 = arith.constant 0 : i32
    %c0_i32_0 = arith.constant 0 : i32
    return %arg0, %c0_i32 : i32, i32
  }
  func.func @transform_2(%arg0: i32) -> (i32, i32) {
    %c0_i32 = arith.constant 0 : i32
    %c0_i32_0 = arith.constant 0 : i32
    %c0_i32_1 = arith.constant 0 : i32
    return %c0_i32, %c0_i32_0 : i32, i32
  }
  func.func @transform_3(%arg0: i32) -> (i32, i32) {
    %c0_i32 = arith.constant 0 : i32
    %c0_i32_0 = arith.constant 0 : i32
    %c0_i32_1 = arith.constant 0 : i32
    return %c0_i32, %c0_i32_0 : i32, i32
  }
  func.func @transform_4(%arg0: i32) -> (i32, i32) {
    %c0_i32 = arith.constant 0 : i32
    %c0_i32_0 = arith.constant 0 : i32
    %c0_i32_1 = arith.constant 0 : i32
    return %c0_i32, %c0_i32_0 : i32, i32
  }
  func.func @transform_5(%arg0: i32) -> (i32, i32) {
    %c0_i32 = arith.constant 0 : i32
    %c0_i32_0 = arith.constant 0 : i32
    %c0_i32_1 = arith.constant 0 : i32
    return %c0_i32, %c0_i32_0 : i32, i32
  }
  func.func @transform_6(%arg0: i32) -> (i32, i32) {
    %c0_i32 = arith.constant 0 : i32
    %c0_i32_0 = arith.constant 0 : i32
    %c0_i32_1 = arith.constant 0 : i32
    return %c0_i32, %c0_i32_0 : i32, i32
  }
  func.func @transform_7(%arg0: i32) -> (i32, i32) {
    %c0_i32 = arith.constant 0 : i32
    %c0_i32_0 = arith.constant 0 : i32
    %c0_i32_1 = arith.constant 0 : i32
    return %c0_i32, %c0_i32_0 : i32, i32
  }
  func.func @transform_8(%arg0: i32) -> (i32, i32) {
    %c0_i32 = arith.constant 0 : i32
    %c0_i32_0 = arith.constant 0 : i32
    return %arg0, %c0_i32 : i32, i32
  }
}

module attributes {stable_mosaic.version = 14 : i64} {
  func.func @_shift2_body(%arg0: i32, %arg1: memref<10240x80xf32, #tpu.memory_space<vmem>>, %arg2: memref<10240x32xf32, #tpu.memory_space<vmem>>) attributes {dimension_semantics = [#tpu.dimension_semantics<arbitrary>], iteration_bounds = array<i64: 1>, scalar_prefetch = 0 : i64, scratch_operands = 0 : i64, tpu.core_type = #tpu.core_type<tc>, window_params = [{pipeline_mode = #tpu.pipeline_mode<synchronous>, transform_indices = @transform_0, window_bounds = array<i64: 10240, 80>}, {pipeline_mode = #tpu.pipeline_mode<synchronous>, transform_indices = @transform_1, window_bounds = array<i64: 10240, 32>}]} {
    %get3A = arith.constant 0 : index
    %get3A_0 = arith.constant 64 : index
    %get3A_1 = vector.load %arg1[%get3A, %get3A_0] : memref<10240x80xf32, #tpu.memory_space<vmem>>, vector<10240x16xf32>
    %slice3A = vector.extract_strided_slice %get3A_1 {offsets = [0, 0], sizes = [10240, 1], strides = [1, 1]} : vector<10240x16xf32> to vector<10240x1xf32>
    %slice3A_2 = vector.extract_strided_slice %get3A_1 {offsets = [0, 1], sizes = [10240, 1], strides = [1, 1]} : vector<10240x16xf32> to vector<10240x1xf32>
    %reduce_max3A = arith.constant dense<0xFF800000> : vector<1xf32>
    %reduce_max3A_3 = vector.multi_reduction <maximumf>, %slice3A, %reduce_max3A [0] : vector<10240x1xf32> to vector<1xf32>
    %broadcast_in_dim3A = vector.shape_cast %reduce_max3A_3 : vector<1xf32> to vector<1x1xf32>
    %add3A = vector.broadcast %broadcast_in_dim3A : vector<1x1xf32> to vector<10240x1xf32>
    %add3A_4 = arith.addf %add3A, %slice3A_2 : vector<10240x1xf32>
    %ge3A = arith.constant 0.000000e+00 : f32
    %ge3A_5 = vector.broadcast %ge3A : f32 to vector<10240x1xf32>
    %ge3A_6 = arith.cmpf oge, %add3A_4, %ge3A_5 : vector<10240x1xf32>
    %mul3A = arith.constant 2.000000e-01 : f32
    %mul3A_7 = vector.broadcast %mul3A : f32 to vector<10240x1xf32>
    %mul3A_8 = arith.mulf %mul3A_7, %add3A_4 : vector<10240x1xf32>
    %select_n3A = arith.select %ge3A_6, %add3A_4, %mul3A_8 : vector<10240x1xi1>, vector<10240x1xf32>
    %broadcast_in_dim3A_9 = arith.constant 0.000000e+00 : f32
    %broadcast_in_dim3A_10 = vector.broadcast %broadcast_in_dim3A_9 : f32 to vector<10240x15xf32>
    %concatenate3A = tpu.concatenate %slice3A_2, %broadcast_in_dim3A_10, %select_n3A, %broadcast_in_dim3A_10 in 1 : vector<10240x1xf32>, vector<10240x15xf32>, vector<10240x1xf32>, vector<10240x15xf32> -> vector<10240x32xf32>
    %swap3A = arith.constant 0 : index
    %swap3A_11 = arith.constant 0 : index
    %swap3A_12 = vector.load %arg2[%swap3A, %swap3A_11] : memref<10240x32xf32, #tpu.memory_space<vmem>>, vector<10240x32xf32>
    tpu.vector_store %arg2[%swap3A, %swap3A_11], %concatenate3A {strides = array<i32>} : memref<10240x32xf32, #tpu.memory_space<vmem>>, vector<10240x32xf32>,
    return
  }
  func.func @transform_0(%arg0: i32) -> (i32, i32) {
    %c0_i32 = arith.constant 0 : i32
    %c0_i32_0 = arith.constant 0 : i32
    %c0_i32_1 = arith.constant 0 : i32
    return %c0_i32, %c0_i32_0 : i32, i32
  }
  func.func @transform_1(%arg0: i32) -> (i32, i32) {
    %c0_i32 = arith.constant 0 : i32
    %c0_i32_0 = arith.constant 0 : i32
    %c0_i32_1 = arith.constant 0 : i32
    return %c0_i32, %c0_i32_0 : i32, i32
  }
}

module attributes {stable_mosaic.version = 14 : i64} {
  func.func @_stage3_body(%arg0: i32, %arg1: memref<512x80xf32, #tpu.memory_space<vmem>>, %arg2: memref<512x80xf32, #tpu.memory_space<vmem>>, %arg3: memref<1x64xf32, #tpu.memory_space<vmem>>, %arg4: memref<512x64xf32, #tpu.memory_space<vmem>>) attributes {dimension_semantics = [#tpu.dimension_semantics<arbitrary>], iteration_bounds = array<i64: 20>, scalar_prefetch = 0 : i64, scratch_operands = 0 : i64, tpu.core_type = #tpu.core_type<tc>, window_params = [{transform_indices = @transform_0, window_bounds = array<i64: 512, 80>}, {transform_indices = @transform_1, window_bounds = array<i64: 512, 80>}, {pipeline_mode = #tpu.pipeline_mode<synchronous>, transform_indices = @transform_2, window_bounds = array<i64: 1, 64>}, {transform_indices = @transform_3, window_bounds = array<i64: 512, 64>}]} {
    %get3A = arith.constant 0 : index
    %get3A_0 = arith.constant 0 : index
    %get3A_1 = vector.load %arg1[%get3A, %get3A_0] : memref<512x80xf32, #tpu.memory_space<vmem>>, vector<512x80xf32>
    %get3A_2 = arith.constant 0 : index
    %get3A_3 = arith.constant 0 : index
    %get3A_4 = vector.load %arg2[%get3A_2, %get3A_3] : memref<512x80xf32, #tpu.memory_space<vmem>>, vector<512x80xf32>
    %add3A = arith.addf %get3A_1, %get3A_4 : vector<512x80xf32>
    %slice3A = vector.extract_strided_slice %add3A {offsets = [0, 0], sizes = [512, 64], strides = [1, 1]} : vector<512x80xf32> to vector<512x64xf32>
    %slice3A_5 = vector.extract_strided_slice %add3A {offsets = [0, 64], sizes = [512, 1], strides = [1, 1]} : vector<512x80xf32> to vector<512x1xf32>
    %add3A_6 = arith.constant 1.000000e-16 : f32
    %add3A_7 = vector.broadcast %add3A_6 : f32 to vector<512x1xf32>
    %add3A_8 = arith.addf %slice3A_5, %add3A_7 : vector<512x1xf32>
    %div3A = vector.broadcast %add3A_8 : vector<512x1xf32> to vector<512x64xf32>
    %div3A_9 = arith.divf %slice3A, %div3A : vector<512x64xf32>
    %get3A_10 = arith.constant 0 : index
    %get3A_11 = arith.constant 0 : index
    %get3A_12 = vector.load %arg3[%get3A_10, %get3A_11] : memref<1x64xf32, #tpu.memory_space<vmem>>, vector<1x64xf32>
    %add3A_13 = vector.broadcast %get3A_12 : vector<1x64xf32> to vector<512x64xf32>
    %add3A_14 = arith.addf %div3A_9, %add3A_13 : vector<512x64xf32>
    %reduce_max3A = arith.constant dense<0xFF800000> : vector<512xf32>
    %reduce_max3A_15 = vector.multi_reduction <maximumf>, %add3A_14, %reduce_max3A [1] : vector<512x64xf32> to vector<512xf32>
    %broadcast_in_dim3A = vector.shape_cast %reduce_max3A_15 : vector<512xf32> to vector<512x1xf32>
    %sub3A = vector.broadcast %broadcast_in_dim3A : vector<512x1xf32> to vector<512x64xf32>
    %sub3A_16 = arith.subf %add3A_14, %sub3A : vector<512x64xf32>
    %exp3A = math.exp %sub3A_16 : vector<512x64xf32>
    %reduce_sum3A = arith.constant dense<0.000000e+00> : vector<512xf32>
    %reduce_sum3A_17 = vector.multi_reduction <add>, %exp3A, %reduce_sum3A [1] : vector<512x64xf32> to vector<512xf32>
    %broadcast_in_dim3A_18 = vector.shape_cast %reduce_sum3A_17 : vector<512xf32> to vector<512x1xf32>
    %log3A = math.log %broadcast_in_dim3A_18 : vector<512x1xf32>
    %sub3A_19 = vector.broadcast %log3A : vector<512x1xf32> to vector<512x64xf32>
    %sub3A_20 = arith.subf %sub3A_16, %sub3A_19 : vector<512x64xf32>
    %swap3A = arith.constant 0 : index
    %swap3A_21 = arith.constant 0 : index
    %swap3A_22 = vector.load %arg4[%swap3A, %swap3A_21] : memref<512x64xf32, #tpu.memory_space<vmem>>, vector<512x64xf32>
    tpu.vector_store %arg4[%swap3A, %swap3A_21], %sub3A_20 {strides = array<i32>} : memref<512x64xf32, #tpu.memory_space<vmem>>, vector<512x64xf32>,
    return
  }
  func.func @transform_0(%arg0: i32) -> (i32, i32) {
    %c0_i32 = arith.constant 0 : i32
    %c0_i32_0 = arith.constant 0 : i32
    return %arg0, %c0_i32 : i32, i32
  }
  func.func @transform_1(%arg0: i32) -> (i32, i32) {
    %c0_i32 = arith.constant 0 : i32
    %c0_i32_0 = arith.constant 0 : i32
    return %arg0, %c0_i32 : i32, i32
  }
  func.func @transform_2(%arg0: i32) -> (i32, i32) {
    %c0_i32 = arith.constant 0 : i32
    %c0_i32_0 = arith.constant 0 : i32
    %c0_i32_1 = arith.constant 0 : i32
    return %c0_i32, %c0_i32_0 : i32, i32
  }
  func.func @transform_3(%arg0: i32) -> (i32, i32) {
    %c0_i32 = arith.constant 0 : i32
    %c0_i32_0 = arith.constant 0 : i32
    return %arg0, %c0_i32 : i32, i32
  }
}

</mosaic_0001>

<sc_bundles>
// kernel: kernel.12.cloned.1.call-start
scs
__scs_entry_jumppad:
0x0: {  	(pc) =	sbr.rel $0x88, $3  }
0x1: {  	(tag) =	ssettag $0x0;
	lr =	simm.s32 $0x1  }
0x2: {  	[smem:$0x3F93] =	sst lr;
	_ =	strace $0xD0000000  }
0x3: {  	_ = 	snop  }
0x4: {  	_ = 	snop  }
0x5: {  	_ = 	snop  }
0x6: {  	_ = 	snop  }
0x7: {  	_ = 	snop  }
__scs_overlays_trampoline_lowered:
0x8: {  	[smem:$0x3FA2] =	sst s0  }
0x9: {  	[smem:$0x3FA3] =	sst s1  }
0xa: {  	[smem:$0x3FA4] =	sst s2  }
0xb: {  	[smem:$0x3FA5] =	sst s3  }
0xc: {  	[smem:$0x3FA6] =	sst s4  }
0xd: {  	[smem:$0x3FA7] =	sst s5  }
0xe: {  	[smem:$0x3FA8] =	sst s6  }
0xf: {  	[smem:$0x3FA9] =	sst s7  }
0x10: {  	[smem:$0x3FAA] =	sst s8  }
0x11: {  	[smem:$0x3FAB] =	sst s9;
	s0 =	simm.s32 @!p0 $0x0  }
0x12: {  	s1 =	sld [smem:$0x3F91];
	s0 =	simm.s32 @p0 $0x1  }
0x13: {  	[smem:$0x3FAC] =	sst s0;
	s0 =	simm.s32 @!p1 $0x0  }
0x14: {  	s2 =	sld [smem:$0x3F90];
	s0 =	simm.s32 @p1 $0x1  }
0x15: {  	[smem:$0x3FAD] =	sst s0;
	s0 =	simm.s32 @!p2 $0x0  }
0x16: {  	s3 =	sld [smem:$0x3FDB];
	s0 =	simm.s32 @p2 $0x1  }
0x17: {  	s4 =	simm.s32 $0x1BF5;
	[smem:$0x3FAF] =	sst s0  }
0x18: {  	s0 =	sld [smem:$0x3F92];
	_ =	swait.ge [sflag:s4], $0x0  }
0x19: {  	s7 =	sld [smem:$0x3F93]  }
0x1a: {  	s8 =	sadd.s32 $0xFFFFE003, lr  }
0x1b: {  	s9 =	sadd.s32 $0xFFFFFEF7, lr;
	s5 =	simm.s32 $0xFFFFFFFF;
	p2 =	slt.u32 s8, $0xFFFFF086  }
0x1c: {  	p1 =	slt.u32 s9, $0xF7A;
	s5 =	simm.s32 @!p2 $0x0  }
0x1d: {  	s5 =	simm.s32 @p1 $0x1;
	p0 =	seq.s32 s7, s2  }
0x1e: {  	s7 =	smul.u32 @!p0 $0xF7A, s2;
	p2 =	seq.s32 @!p0 s5, $0x0  }
0x1f: {  	s9 =	smul.u32 $0xF7A, s1;
	s8 =	simm.s32 @!p0 $0x1BF5;
	p2 =	por !p2, p0  }
0x20: {  	[sflag:s8] =	ssyncset.s32 @!p0 $0xFFFFF086;
	s6 =	sadd.s32 @!p0 s3, s7;
	s7 =	simm.s32 @!p0 $0x108  }
0x21: {  	s3 =	sadd.s32 s3, s9;
	s6 =	sadd.s32 @!p0 $0x88, s6;
	s7 =	simm.s32 @p2 $0x1082  }
0x22: {  	[simem:s7], [sflag:s8] =	dma.local @!p0 [hbm:s6], $0xF7A  }
0x23: {  	s9 =	sor.u32 $0xD0000000, s2;
	s6 =	simm.s32 $0x108;
	_ =	swait.ge @!p0 [sflag:s8], $0x0  }
0x24: {  	s3 =	sadd.s32 $0x88, s3;
	s6 =	simm.s32 @!p1 $0x1082;
	[sflag:s4] =	ssyncset.s32 $0xFFFFF086  }
0x25: {  	[simem:s6], [sflag:s4] =	dma.local [hbm:s3], $0xF7A  }
0x26: {  	[smem:$0x3F93] =	sst s1;
	(tag) =	ssettag s2;
	_ =	strace s9  }
0x27: {  	s1 =	sld [smem:$0x3FA3]  }
0x28: {  	s2 =	sld [smem:$0x3FA4]  }
0x29: {  	s4 =	sld [smem:$0x3FA6]  }
0x2a: {  	p0 =	seq.s32 s5, $0x0;
	s5 =	sld [smem:$0x3FA7]  }
0x2b: {  	s6 =	sld [smem:$0x3FA8]  }
0x2c: {  	s7 =	sld [smem:$0x3FA9]  }
0x2d: {  	s3 =	simm.s32 $0x108;
	s8 =	sld [smem:$0x3FAA]  }
0x2e: {  	s3 =	simm.s32 @!p0 $0x1082;
	s9 =	sld [smem:$0x3FAB]  }
0x2f: {  	lr =	sadd.s32 s0, s3;
	s0 =	sld [smem:$0x3FA2]  }
0x30: {  	s3 =	sld [smem:$0x3FA5]  }
0x31: {  	[smem:$0x3FAE] =	sst s10  }
0x32: {  	s10 =	sld [smem:$0x3FAC];
	_ =	sdelay $0x3  }
0x33: {  	p0 =	seq.s32 s10, $0x1;
	s10 =	sld [smem:$0x3FAE];
	_ =	sdelay $0x3  }
0x34: {  	[smem:$0x3FAE] =	sst s10  }
0x35: {  	s10 =	sld [smem:$0x3FAD];
	_ =	sdelay $0x3  }
0x36: {  	p1 =	seq.s32 s10, $0x1;
	s10 =	sld [smem:$0x3FAE];
	_ =	sdelay $0x3  }
0x37: {  	[smem:$0x3FAE] =	sst s10  }
0x38: {  	s10 =	sld [smem:$0x3FAF]  }
0x39: {  	_ = 	snop;
	(pc) =	sbr.ind lr, $3  }
0x3a: {  	_ = 	snop  }
0x3b: {  	_ = 	snop  }
0x3c: {  	p2 =	seq.s32 s10, $0x1;
	s10 =	sld [smem:$0x3FAE]  }
0x3d: {  	_ =	shalt  }
0x3e: {  	_ =	shalt  }
0x3f: {  	_ =	shalt  }
0x40: {  	_ =	shalt  }
0x41: {  	_ =	shalt  }
0x42: {  	_ =	shalt  }
0x43: {  	_ =	shalt  }
0x44: {  	_ =	shalt  }
0x45: {  	_ =	shalt  }
0x46: {  	_ =	shalt  }
0x47: {  	_ =	shalt  }
0x48: {  	_ =	shalt  }
0x49: {  	_ =	shalt  }
0x4a: {  	_ =	shalt  }
0x4b: {  	_ =	shalt  }
0x4c: {  	_ =	shalt  }
0x4d: {  	_ =	shalt  }
0x4e: {  	_ =	shalt  }
0x4f: {  	_ =	shalt  }
0x50: {  	_ =	shalt  }
0x51: {  	_ =	shalt  }
0x52: {  	_ =	shalt  }
0x53: {  	_ =	shalt  }
0x54: {  	_ =	shalt  }
0x55: {  	_ =	shalt  }
0x56: {  	_ =	shalt  }
0x57: {  	_ =	shalt  }
0x58: {  	_ =	shalt  }
0x59: {  	_ =	shalt  }
0x5a: {  	_ =	shalt  }
0x5b: {  	_ =	shalt  }
0x5c: {  	_ =	shalt  }
0x5d: {  	_ =	shalt  }
0x5e: {  	_ =	shalt  }
0x5f: {  	_ =	shalt  }
0x60: {  	_ =	shalt  }
0x61: {  	_ =	shalt  }
0x62: {  	_ =	shalt  }
0x63: {  	_ =	shalt  }
0x64: {  	_ =	shalt  }
0x65: {  	_ =	shalt  }
0x66: {  	_ =	shalt  }
0x67: {  	_ =	shalt  }
0x68: {  	_ =	shalt  }
0x69: {  	_ =	shalt  }
0x6a: {  	_ =	shalt  }
0x6b: {  	_ =	shalt  }
0x6c: {  	_ =	shalt  }
0x6d: {  	_ =	shalt  }
0x6e: {  	_ =	shalt  }
0x6f: {  	_ =	shalt  }
0x70: {  	_ =	shalt  }
0x71: {  	_ =	shalt  }
0x72: {  	_ =	shalt  }
0x73: {  	_ =	shalt  }
0x74: {  	_ =	shalt  }
0x75: {  	_ =	shalt  }
0x76: {  	_ =	shalt  }
0x77: {  	_ =	shalt  }
0x78: {  	_ =	shalt  }
0x79: {  	_ =	shalt  }
0x7a: {  	_ =	shalt  }
0x7b: {  	_ =	shalt  }
0x7c: {  	_ =	shalt  }
0x7d: {  	_ =	shalt  }
0x7e: {  	_ =	shalt  }
0x7f: {  	_ =	shalt  }
0x80: {  	_ =	shalt  }
0x81: {  	_ =	shalt  }
0x82: {  	_ =	shalt  }
0x83: {  	_ =	shalt  }
0x84: {  	_ =	shalt  }
0x85: {  	_ =	shalt  }
0x86: {  	_ =	shalt  }
0x87: {  	_ =	shalt  }
.Lfunc_end0:
.L_simem_size_0:
called_computation.1_lowered:
.L_overlay_start_0:
0x88: {  	s2 =	sld [smem:$0x3FD9]  }
0x89: {  	s3 =	sld [smem:$0x3FFE];
	_ =	sdelay $0x1  }
0x8a: {  	s1 =	srdreg.scid  }
0x8b: {  	s0 =	sand.u32 $0x1, s1  }
0x8c: {  	s17 =	sshll.u32 s0, $0xA;
	s2 =	sadd.s32 s3, s2  }
0x8d: {  	s2 =	sadd.s32 s2, s17  }
0x8e: {  	[smem:$0x3FBA] =	sst s2  }
0x8f: {  	_ = 	snop  }
0x90: {  	s2 =	sld [smem:$0x3FD0];
	(tm) =	ssettm $0x1  }
0x91: {  	s18 =	sld [smem:$0x3FFB];
	_ =	sdelay $0x3  }
0x92: {  	_ =	strace s18  }
0x93: {  	s3 =	sld [smem:$0x3FFC];
	_ =	sdelay $0x3  }
0x94: {  	_ =	strace s3  }
0x95: {  	s3 =	sld [smem:$0x3FFD];
	_ =	sdelay $0x3  }
0x96: {  	_ =	strace s3  }
0x97: {  	_ =	strace $0x8FFFFFFF  }
0x98: {  	s19 =	sld [smem:$0x3FDB];
	_ =	sdelay $0x1  }
0x99: {  	s4 =	simm.s32 $_scs_section_size  }
0x9a: {  	s5 =	simm.s32 $_size__tile_overlayer_lowered;
	s6 =	simm.s32 $_tile_overlayer_lowered  }
0x9b: {  	s22 =	simm.s32 $0x1BFF;
	s21 =	sshll.u32 s6, $0x1;
	s3 =	sadd.s32 s4, s19  }
0x9c: {  	s7 =	simm.s32 $0x0;
	s20 =	sshll.u32 s5, $0x1;
	s5 =	sadd.s32 s21, s3  }
0x9d: {  	[timem:s7], [sflag:s22] =	dma.local [hbm:s5], s20  }
0x9e: {  	_ =	swait.ge [sflag:s22], s20  }
0x9f: {  	s4 =	ssub.s32 $0x0, s20;
	[sflag:s22] =	ssyncset.done $0x0  }
0xa0: {  	[sflag:s22] =	ssyncadd.s32 s4;
	_ =	sdelay $0x1  }
0xa1: {  	s23 =	simm.s32 $0x1B8B  }
0xa2: {  	_ =	swait.ge [sflag:s23], $0x1  }
0xa3: {  	[sflag:s23] =	ssyncset.done $0x0  }
0xa4: {  	s25 =	simm.s32 $0x1B8E;
	s24 =	sld [smem:$0x3FFE];
	[sflag:s23] =	ssyncadd.s32 $0xFFFFFFFF  }
0xa5: {  	s26 =	simm.s32 $execute0_lowered;
	[smem:$0x3FD2] =	sst s25  }
0xa6: {  	s5 =	sshll.u32 s26, $0x1;
	_ =	strace $0x80000049;
	[dreg:$0x1] =	wrdreg $0xFFFFFFFF  }
0xa7: {  	s28 =	simm.s32 $_size_execute0_lowered;
	s3 =	sadd.s32 s3, s5;
	[dreg:$0x0] =	wrdreg $0x0  }
0xa8: {  	s5 =	sshll.u32 s28, $0x1;
	[dreg:$0x2] =	wrdreg s3  }
0xa9: {  	[dreg:$0x3] =	wrdreg s5  }
0xaa: {  	[dreg:$0x4] =	wrdreg $0xC0  }
0xab: {  	_ =	task [dreg:s7], $0x5FFFF  }
0xac: {  	[dreg:$0x1] =	wrdreg $0xFFFFFFFF  }
0xad: {  	[dreg:$0x0] =	wrdreg $0x60  }
0xae: {  	[dreg:$0x2] =	wrdreg s24  }
0xaf: {  	[dreg:$0x3] =	wrdreg s2  }
0xb0: {  	[dreg:$0x4] =	wrdreg $0x53000  }
0xb1: {  	[dreg:$0x5] =	wrdreg $0x9  }
0xb2: {  	_ =	task.clear_ibuf [dreg:s7], $0x6FFFF;
	_ =	strace $0x90000049  }
0xb3: {  	s29 =	simm.s32 $0x9;
	_ =	strace $0x8000004B  }
0xb4: {  	_ =	swait.ge [sflag:s29], $0x1  }
0xb5: {  	[sflag:s29] =	ssyncadd.s32 $0xFFFFFFFF  }
0xb6: {  	_ =	strace $0x9000004B  }
0xb7: {  	_ =	sfence  }
0xb8: {  	s30 =	sld [smem:$0x0];
	_ =	sdelay $0x2  }
0xb9: {  	s31 =	sshll.u32 s1, $0xD;
	s1 =	sshrl.u32 s1, $0x2  }
0xba: {  	s3 =	sand.u32 $0x4000, s31;
	s1 =	sadd.s32 s1, s30  }
0xbb: {  	s0 =	sor.u32 s3, s0;
	s1 =	sshll.u32 s1, $0x11  }
0xbc: {  	s0 =	sor.u32 s1, s0  }
0xbd: {  	s0 =	sadd.s32 $0x8F2B, s0  }
0xbe: {  	[sflag:s0] =	ssyncadd.remote.s32 $0x1  }
0xbf: {  	_ =	sfence.sel $0xFFFF  }
0xc0: {  	[dreg:$0x0] =	wrdreg $0xFFFFFFFF;
	(pc) =	sbr.abs _section_cstart, $3  }
0xc1: {  	[dreg:$0x1] =	wrdreg $0xFFFFFFFF  }
0xc2: {  	_ =	task.clear_ibuf [dreg:s7], $0x2FFFF;
	_ =	strace $0x9FFFFFFF  }
0xc3: {  	(tm) =	ssettm $0x7FFFFFFF  }
tec
execute0_lowered:
.L_overlay_start_1:
0x0: {  	(tag) =	ssettag $0x1  }
0x1: {  	s7 =	rddreg [dreg:$0x0];
	s0 =	srdreg.scid  }
0x2: {  	s17 =	stileid.u32;
	s1 =	simm.s32 $0x0;
	s28 =	simm.s32 $0x5  }
0x3: {  	s29 =	simm.s32 $0x6;
	s30 =	simm.s32 $0x0;
	s4 =	smul.u32 $0x280, s17  }
0x4: {  	s2 =	sand.u32 $0x1, s0;
	s0 =	smul.u32 $0xC800, s17;
	s8 =	sshll.u32 s17, $0x1  }
0x5: {  	s9 =	smul.u32 $0xC8000, s2;
	s5 =	ssub.s32 $0x2, s2;
	s2 =	sor.u32 s2, s8  }
0x6: {  	[smem:$0x7FF] =	sst s1;
	s10 =	sor.u32 $0x40, s4;
	s2 =	smul.u32 $0xA2, s2  }
0x7: {  	s6 =	sshrl.u32 s5, $0x1;
	s15 =	sadd.s32 $0x80, s4;
	s3 =	smul.u32 $0x50, s10  }
0x8: {  	s12 =	sadd.s32 $0x42600, s7;
	s14 =	ssub.s32 s5, s6;
	s4 =	smul.u32 $0x50, s15  }
0x9: {  	s18 =	sadd.s32 s9, s0;
	s6 =	sadd.s32 $0x5000, s0;
	s10 =	smul.u32 $0x140, s10  }
0xa: {  	s5 =	sshrl.u32 s18, $0x3;
	s13 =	sadd.s32 s9, s6;
	s14 =	smax.u32 s14, $0x1  }
0xb: {  	s19 =	sadd.s32 s9, s3;
	s5 =	sadd.s32 s12, s5;
	s22 =	sadd.s32 s9, s4  }
0xc: {  	s24 =	sshrl.u32 s13, $0x3;
	s13 =	rddreg [dreg:$0x2];
	s10 =	sshrl.u32 s10, $0x2  }
0xd: {  	s20 =	sshrl.u32 s19, $0x3;
	[dreg:$0x4] =	wrdreg s5;
	s5 =	sadd.s32 $0x3C00, s0  }
0xe: {  	s8 =	sshrl.u32 s22, $0x3;
	s25 =	sadd.s32 s12, s24;
	s19 =	sadd.s32 $0x7800, s0  }
0xf: {  	s10 =	sadd.s32 s10, s13;
	s3 =	sadd.s32 s3, s13;
	s4 =	sadd.s32 s4, s13  }
0x10: {  	s6 =	sadd.s32 s6, s13;
	s21 =	sadd.s32 s12, s20;
	s11 =	sadd.s32 s9, s5  }
0x11: {  	s8 =	sadd.s32 s12, s8;
	[dreg:$0x8] =	wrdreg s25;
	s20 =	sadd.s32 $0x8C00, s0  }
0x12: {  	s31 =	sadd.s32 s9, s19;
	s25 =	smul.u32 $0x140, s15;
	[dreg:$0x5] =	wrdreg s21  }
0x13: {  	s5 =	sadd.s32 s5, s13;
	[dreg:$0x6] =	wrdreg s8;
	s23 =	sshrl.u32 s11, $0x3  }
0x14: {  	s16 =	sadd.s32 s9, s20;
	s18 =	sshrl.u32 s31, $0x3;
	s8 =	sadd.s32 s12, s23  }
0x15: {  	s21 =	sshrl.u32 s16, $0x3;
	[dreg:$0x7] =	wrdreg s8;
	s8 =	sadd.s32 $0x6400, s0  }
0x16: {  	s22 =	sadd.s32 s12, s21;
	s21 =	sadd.s32 $0xA000, s0;
	s26 =	sadd.s32 s9, s8  }
0x17: {  	[dreg:$0xb] =	wrdreg s22;
	s23 =	sadd.s32 s9, s21;
	s11 =	sshrl.u32 s26, $0x3  }
0x18: {  	s22 =	sadd.s32 $0xB400, s0;
	s24 =	sshrl.u32 s23, $0x3;
	s11 =	sadd.s32 s12, s11  }
0x19: {  	s9 =	sadd.s32 s9, s22;
	s16 =	sadd.s32 s12, s24;
	[dreg:$0x9] =	wrdreg s11  }
0x1a: {  	s9 =	sshrl.u32 s9, $0x3;
	s11 =	sadd.s32 s12, s18;
	[dreg:$0xc] =	wrdreg s16  }
0x1b: {  	s0 =	sadd.s32 s0, s13;
	s9 =	sadd.s32 s12, s9;
	[dreg:$0xa] =	wrdreg s11  }
0x1c: {  	s16 =	sadd.s32 $0x1400, s7;
	s18 =	sadd.s32 $0x38400, s7;
	s11 =	rddreg [dreg:$0x1]  }
0x1d: {  	[dreg:$0xd] =	wrdreg s9;
	s9 =	smul.u32 $0x32000, s17;
	s17 =	sadd.s32 $0x1A400, s7  }
0x1e: {  	s7 =	sshrl.u32 s25, $0x2;
	_ =	strace $0x8000004A;
	[dreg:$0xe] =	wrdreg s14  }
0x1f: {  	s0 =	sshrl.u32 s0, $0x3;
	[dreg:$0x10] =	wrdreg s10;
	s7 =	sadd.s32 s7, s13  }
0x20: {  	[dreg:$0x19] =	wrdreg s0;
	s26 =	sshrl.u32 s9, $0x2;
	s31 =	sadd.s32 $0xF000, s9  }
0x21: {  	[dreg:$0x11] =	wrdreg s7;
	s14 =	sadd.s32 $0x19000, s9;
	s12 =	sadd.s32 s26, s13  }
0x22: {  	s15 =	sadd.s32 $0x1E000, s9;
	[dreg:$0xf] =	wrdreg s12;
	s12 =	sshrl.u32 s31, $0x2  }
0x23: {  	s25 =	sadd.s32 $0x23000, s9;
	s26 =	sadd.s32 $0x28000, s9;
	s10 =	sadd.s32 s12, s13  }
0x24: {  	s12 =	sadd.s32 $0x14000, s9;
	s9 =	sadd.s32 $0x2D000, s9;
	[dreg:$0x12] =	wrdreg s10  }
0x25: {  	s7 =	sshrl.u32 s12, $0x2;
	s10 =	sshrl.u32 s14, $0x2;
	s12 =	sshrl.u32 s15, $0x2  }
0x26: {  	s9 =	sshrl.u32 s9, $0x2;
	s14 =	sadd.s32 s19, s13;
	s15 =	sadd.s32 s20, s13  }
0x27: {  	s19 =	sadd.s32 s21, s13;
	s20 =	sadd.s32 s22, s13;
	s21 =	sshrl.u32 s3, $0x3  }
0x28: {  	s22 =	sshrl.u32 s4, $0x3;
	s7 =	sadd.s32 s7, s13;
	s23 =	sadd.s32 s10, s13  }
0x29: {  	s24 =	sadd.s32 s12, s13;
	s10 =	sshrl.u32 s26, $0x2;
	[dreg:$0x1a] =	wrdreg s21  }
0x2a: {  	s12 =	sadd.s32 s8, s13;
	[dreg:$0x1b] =	wrdreg s22;
	s26 =	sshrl.u32 s14, $0x3  }
0x2b: {  	s8 =	sshrl.u32 s19, $0x3;
	s14 =	simm.s32 $0x7;
	[dreg:$0x13] =	wrdreg s7  }
0x2c: {  	s19 =	simm.s32 $0x40;
	s21 =	simm.s32 $0x2F00;
	[dreg:$0x14] =	wrdreg s23  }
0x2d: {  	s22 =	simm.s32 $0x4B00;
	[dreg:$0x15] =	wrdreg s24;
	s7 =	sshrl.u32 s25, $0x2  }
0x2e: {  	s31 =	sadd.s32 s10, s13;
	s10 =	sadd.s32 s9, s13;
	[dreg:$0x1f] =	wrdreg s26  }
0x2f: {  	s23 =	sshrl.u32 s5, $0x3;
	s24 =	sshrl.u32 s6, $0x3;
	[dreg:$0x17] =	wrdreg s31  }
0x30: {  	s25 =	sshrl.u32 s12, $0x3;
	s9 =	sshrl.u32 s20, $0x3;
	[dreg:$0x18] =	wrdreg s10  }
.Ltmp0:
0x31: {  	s20 =	simm.s32 $0x4300;
	[dreg:$0x1c] =	wrdreg s23;
	(pc) =	sbr.rel .LBB2_1-.Ltmp0, $4  }
0x32: {  	s26 =	simm.s32 $0x4;
	s7 =	sadd.s32 s7, s13;
	[dreg:$0x1d] =	wrdreg s24  }
0x33: {  	[dreg:$0x1e] =	wrdreg s25;
	s31 =	sshrl.u32 s15, $0x3;
	s10 =	simm.s32 $0x1B00  }
0x34: {  	s15 =	simm.s32 $0xD80;
	s23 =	simm.s32 $0x1;
	[dreg:$0x16] =	wrdreg s7  }
0x35: {  	v0 =	vimm.f32 $0.0e+00;
	v1 =	vimm.s32 $0x0;
	vm0 =	vmmov $0x1;
	s24 =	simm.s32 $0x3;
	s25 =	simm.s32 $0x2;
	[smem:$0x7FD] =	sst s31  }
.LBB2_12:
0x36: {  	s0 =	stileid.u32;
	[bflag:$0x0] =	sbarrier.arrive $0xFFFF  }
0x37: {  	s0 =	sshll.u32 s0, $0x6;
	s3 =	rddreg [dreg:$0x4]  }
0x38: {  	s4 =	rddreg [dreg:$0x19];
	s0 =	sor.u32 $0x1C07, s0  }
0x39: {  	[hbm:s3], [sflag:s0] =	dma.local [spmem:s4], $0x280  }
0x3a: {  	_ =	swait.ge [sflag:s14], $0x280  }
0x3b: {  	[sflag:s14] =	ssyncset.done $0x0;
	s4 =	rddreg [dreg:$0x5]  }
0x3c: {  	s5 =	rddreg [dreg:$0x1a];
	[sflag:s14] =	ssyncadd.s32 $0xFFFFFD80  }
0x3d: {  	[hbm:s4], [sflag:s0] =	dma.local [spmem:s5], $0x280  }
0x3e: {  	_ =	swait.ge [sflag:s14], $0x280  }
0x3f: {  	[sflag:s14] =	ssyncset.done $0x0;
	s6 =	rddreg [dreg:$0x6]  }
0x40: {  	s7 =	rddreg [dreg:$0x1b];
	[sflag:s14] =	ssyncadd.s32 $0xFFFFFD80  }
0x41: {  	[hbm:s6], [sflag:s0] =	dma.local [spmem:s7], $0x280  }
0x42: {  	_ =	swait.ge [sflag:s14], $0x280  }
0x43: {  	[sflag:s14] =	ssyncset.done $0x0;
	s12 =	rddreg [dreg:$0x7]  }
0x44: {  	s31 =	rddreg [dreg:$0x1c];
	[sflag:s14] =	ssyncadd.s32 $0xFFFFFD80  }
0x45: {  	[hbm:s12], [sflag:s0] =	dma.local [spmem:s31], $0x280  }
0x46: {  	_ =	swait.ge [sflag:s14], $0x280  }
0x47: {  	[sflag:s14] =	ssyncset.done $0x0;
	s4 =	rddreg [dreg:$0x8]  }
0x48: {  	s5 =	rddreg [dreg:$0x1d];
	[sflag:s14] =	ssyncadd.s32 $0xFFFFFD80  }
0x49: {  	[hbm:s4], [sflag:s0] =	dma.local [spmem:s5], $0x280  }
0x4a: {  	_ =	swait.ge [sflag:s14], $0x280  }
0x4b: {  	[sflag:s14] =	ssyncset.done $0x0;
	s6 =	rddreg [dreg:$0x9]  }
0x4c: {  	s7 =	rddreg [dreg:$0x1e];
	[sflag:s14] =	ssyncadd.s32 $0xFFFFFD80  }
0x4d: {  	[hbm:s6], [sflag:s0] =	dma.local [spmem:s7], $0x280  }
0x4e: {  	_ =	swait.ge [sflag:s14], $0x280  }
0x4f: {  	[sflag:s14] =	ssyncset.done $0x0;
	s12 =	rddreg [dreg:$0xa]  }
0x50: {  	s31 =	rddreg [dreg:$0x1f];
	[sflag:s14] =	ssyncadd.s32 $0xFFFFFD80  }
0x51: {  	[hbm:s12], [sflag:s0] =	dma.local [spmem:s31], $0x280  }
0x52: {  	_ =	swait.ge [sflag:s14], $0x280  }
0x53: {  	s6 =	sld [smem:$0x7FD]  }
0x54: {  	[sflag:s14] =	ssyncset.done $0x0  }
0x55: {  	s5 =	rddreg [dreg:$0xb];
	[sflag:s14] =	ssyncadd.s32 $0xFFFFFD80  }
0x56: {  	[hbm:s5], [sflag:s0] =	dma.local [spmem:s6], $0x280  }
0x57: {  	_ =	swait.ge [sflag:s14], $0x280  }
0x58: {  	[sflag:s14] =	ssyncset.done $0x0  }
0x59: {  	s7 =	rddreg [dreg:$0xc];
	[sflag:s14] =	ssyncadd.s32 $0xFFFFFD80  }
0x5a: {  	[hbm:s7], [sflag:s0] =	dma.local [spmem:s8], $0x280  }
0x5b: {  	_ =	swait.ge [sflag:s14], $0x280  }
0x5c: {  	[sflag:s14] =	ssyncset.done $0x0  }
0x5d: {  	s12 =	rddreg [dreg:$0xd];
	[sflag:s14] =	ssyncadd.s32 $0xFFFFFD80  }
0x5e: {  	[hbm:s12], [sflag:s0] =	dma.local [spmem:s9], $0x280  }
0x5f: {  	_ =	swait.ge [sflag:s14], $0x280  }
0x60: {  	s1 =	sadd.s32 $0x1, s1;
	s31 =	rddreg [dreg:$0xe]  }
0x61: {  	p0 =	sne.s32 s1, s31  }
.Ltmp1:
0x62: {  	_ = 	snop;
	(pc) =	sbr.rel @!p0 .LBB2_13-.Ltmp1, $3  }
0x63: {  	_ =	sdelay $0x1  }
0x64: {  	[sflag:s14] =	ssyncset.done $0x0  }
0x65: {  	[sflag:s14] =	ssyncadd.s32 $0xFFFFFD80  }
.LBB2_1:
0x66: {  	s3 =	simm.s32 $0x140;
	s0 =	simm.s32 $0x0  }
.LBB2_2:
0x67: {  	p0 =	sne.s32 s3, $0x4EC0;
	[tilespmem:s0+$0x1B40] =	vst v0;
	s4 =	smov.u32 s3;
	s3 =	sadd.s32 $0x140, s3  }
.Ltmp2:
0x68: {  	[tilespmem:s0+$0x1B30] =	vst v0;
	(pc) =	sbr.rel @p0 .LBB2_2-.Ltmp2, $4  }
0x69: {  	[tilespmem:s0+$0x1B20] =	vst v0  }
0x6a: {  	[tilespmem:s0+$0x1B00] =	vst v0  }
0x6b: {  	[tilespmem:s0+$0x1B10] =	vst v0  }
0x6c: {  	s0 =	sshra.s32 s4, $0x2  }
0x6d: {  	[tilespmem:s0+$0x1B40] =	vst v0  }
0x6e: {  	[tilespmem:s0+$0x1B30] =	vst v0  }
0x6f: {  	[tilespmem:s0+$0x1B20] =	vst v0  }
0x70: {  	[tilespmem:s0+$0x1B00] =	vst v0  }
0x71: {  	[tilespmem:s0+$0x1B10] =	vst v0;
	s5 =	rddreg [dreg:$0xf]  }
0x72: {  	[spmem:s5] =	stream.linear.scatter [tilespmem:s10], [sflag:$0x7], $0x1400, $0x38;
	[tilespmem:$0x11B00] =	vst v63  }
0x73: {  	_ =	swait.ge [sflag:s14], $0x1400  }
0x74: {  	[sflag:s14] =	ssyncset.done $0x0  }
0x75: {  	s6 =	rddreg [dreg:$0x10];
	[sflag:s14] =	ssyncadd.s32 $0xFFFFEC00  }
0x76: {  	[spmem:s6] =	stream.linear.scatter [tilespmem:s10], [sflag:$0x7], $0x1400, $0x38;
	[tilespmem:$0x11B00] =	vst v63  }
0x77: {  	_ =	swait.ge [sflag:s14], $0x1400  }
0x78: {  	[sflag:s14] =	ssyncset.done $0x0  }
0x79: {  	s7 =	rddreg [dreg:$0x11];
	[sflag:s14] =	ssyncadd.s32 $0xFFFFEC00  }
0x7a: {  	[spmem:s7] =	stream.linear.scatter [tilespmem:s10], [sflag:$0x7], $0x1400, $0x38;
	[tilespmem:$0x11B00] =	vst v63  }
0x7b: {  	_ =	swait.ge [sflag:s14], $0x1400  }
0x7c: {  	[sflag:s14] =	ssyncset.done $0x0  }
0x7d: {  	s12 =	rddreg [dreg:$0x12];
	[sflag:s14] =	ssyncadd.s32 $0xFFFFEC00  }
0x7e: {  	[spmem:s12] =	stream.linear.scatter [tilespmem:s10], [sflag:$0x7], $0x1400, $0x38;
	[tilespmem:$0x11B00] =	vst v63  }
0x7f: {  	_ =	swait.ge [sflag:s14], $0x1400  }
0x80: {  	[sflag:s14] =	ssyncset.done $0x0  }
0x81: {  	s3 =	rddreg [dreg:$0x13];
	[sflag:s14] =	ssyncadd.s32 $0xFFFFEC00  }
0x82: {  	[spmem:s3] =	stream.linear.scatter [tilespmem:s10], [sflag:$0x7], $0x1400, $0x38;
	[tilespmem:$0x11B00] =	vst v63  }
0x83: {  	_ =	swait.ge [sflag:s14], $0x1400  }
0x84: {  	[sflag:s14] =	ssyncset.done $0x0  }
0x85: {  	s4 =	rddreg [dreg:$0x14];
	[sflag:s14] =	ssyncadd.s32 $0xFFFFEC00  }
0x86: {  	[spmem:s4] =	stream.linear.scatter [tilespmem:s10], [sflag:$0x7], $0x1400, $0x38;
	[tilespmem:$0x11B00] =	vst v63  }
0x87: {  	_ =	swait.ge [sflag:s14], $0x1400  }
0x88: {  	[sflag:s14] =	ssyncset.done $0x0  }
0x89: {  	s5 =	rddreg [dreg:$0x15];
	[sflag:s14] =	ssyncadd.s32 $0xFFFFEC00  }
0x8a: {  	[spmem:s5] =	stream.linear.scatter [tilespmem:s10], [sflag:$0x7], $0x1400, $0x38;
	[tilespmem:$0x11B00] =	vst v63  }
0x8b: {  	_ =	swait.ge [sflag:s14], $0x1400  }
0x8c: {  	[sflag:s14] =	ssyncset.done $0x0  }
0x8d: {  	s6 =	rddreg [dreg:$0x16];
	[sflag:s14] =	ssyncadd.s32 $0xFFFFEC00  }
0x8e: {  	[spmem:s6] =	stream.linear.scatter [tilespmem:s10], [sflag:$0x7], $0x1400, $0x38;
	[tilespmem:$0x11B00] =	vst v63  }
0x8f: {  	_ =	swait.ge [sflag:s14], $0x1400  }
0x90: {  	[sflag:s14] =	ssyncset.done $0x0  }
0x91: {  	s7 =	rddreg [dreg:$0x17];
	[sflag:s14] =	ssyncadd.s32 $0xFFFFEC00  }
0x92: {  	[spmem:s7] =	stream.linear.scatter [tilespmem:s10], [sflag:$0x7], $0x1400, $0x38;
	[tilespmem:$0x11B00] =	vst v63  }
0x93: {  	_ =	swait.ge [sflag:s14], $0x1400  }
0x94: {  	[sflag:s14] =	ssyncset.done $0x0  }
0x95: {  	s12 =	rddreg [dreg:$0x18];
	[sflag:s14] =	ssyncadd.s32 $0xFFFFEC00  }
0x96: {  	[spmem:s12] =	stream.linear.scatter [tilespmem:s10], [sflag:$0x7], $0x1400, $0x38;
	[tilespmem:$0x11B00] =	vst v63  }
.Ltmp3:
0x97: {  	_ =	swait.ge [sflag:s14], $0x1400;
	(pc) =	sbr.rel .LBB2_4-.Ltmp3, $4  }
0x98: {  	[sflag:s14] =	ssyncset.done $0x0  }
0x99: {  	[sflag:s14] =	ssyncadd.s32 $0xFFFFEC00  }
0x9a: {  	[bflag:$0x0] =	sbarrier.arrive $0xFFFF  }
0x9b: {  	s31 =	simm.s32 $0x0  }
.LBB2_11:
0x9c: {  	s31 =	sadd.s32 $0x1, s31  }
0x9d: {  	p0 =	sne.s32 s31, $0x3  }
.Ltmp4:
0x9e: {  	_ = 	snop;
	(pc) =	sbr.rel @!p0 .LBB2_12-.Ltmp4, $4  }
0x9f: {  	[spmem:s13] =	stream.indirect.scatter.add.f32 [tilespmem:s21], [sflag:$0x6], $0x50, s3, s19, $0xb8;
	[tilespmem:$0x11B00] =	vst v63  }
0xa0: {  	_ =	swait.ge [sflag:s29], $0x1400  }
0xa1: {  	[sflag:s29] =	ssyncset.done $0x0  }
0xa2: {  	[sflag:s29] =	ssyncadd.s32 $0xFFFFEC00  }
.LBB2_4:
0xa3: {  	s0 =	smul.u32 $0x36, s31;
	_ =	sdelay $0x1  }
0xa4: {  	s0 =	sadd.s32 s2, s0  }
0xa5: {  	s0 =	sshll.u32 s0, $0x3  }
0xa6: {  	s3 =	sadd.s32 s11, s0  }
0xa7: {  	[tilespmem:s30], [sflag:$0x7] =	stream.linear.gather [hbm4b:s3+s30], $0xD80, $0x38;
	[tilespmem:$0x11B00] =	vst v63  }
0xa8: {  	_ =	swait.ge [sflag:s14], $0xD80  }
0xa9: {  	[sflag:s14] =	ssyncset.done $0x0  }
0xaa: {  	s0 =	sadd.s32 s18, s0;
	[sflag:s14] =	ssyncadd.s32 $0xFFFFF280  }
0xab: {  	[tilespmem:s15], [sflag:$0x7] =	stream.linear.gather [hbm4b:s0+s30], $0xD80, $0x38;
	[tilespmem:$0x11B00] =	vst v63  }
0xac: {  	_ =	swait.ge [sflag:s14], $0xD80  }
0xad: {  	[sflag:s14] =	ssyncset.done $0x0  }
0xae: {  	[sflag:s14] =	ssyncadd.s32 $0xFFFFF280  }
0xaf: {  	[tilespmem:s10], [sflag:$0x1] =	stream.indirect.gather [hbm4b:s16+s19], $0x50, s30, s19, $0xb8;
	[tilespmem:$0x11B00] =	vst v63  }
0xb0: {  	s12 =	simm.s32 $0x0  }
0xb1: {  	[tilespmem:s20], [sflag:$0x3] =	stream.indirect.gather [hbm4b:s17+s19], $0x20, s15, s19, $0xb8;
	[tilespmem:$0x11B00] =	vst v63  }
.LBB2_5:
0xb2: {  	p0 =	seq.s32 s12, $0x0  }
0xb3: {  	s3 =	simm.s32 @!p0 $0x6  }
0xb4: {  	_ =	swait.ge @!p0 [sflag:s3], $0x1400  }
0xb5: {  	s0 =	sshll.u32 s12, $0x7;
	[sflag:s3] =	ssyncset.done @!p0 $0x0  }
0xb6: {  	s7 =	sor.u32 $0x40, s0;
	[sflag:s3] =	ssyncadd.s32 @!p0 $0xFFFFEC00  }
0xb7: {  	[tilespmem:s21], [sflag:$0x2] =	stream.indirect.gather [hbm4b:s16+s19], $0x50, s7, s19, $0xb8;
	[tilespmem:$0x11B00] =	vst v63  }
0xb8: {  	s3 =	sadd.s32 $0xDC0, s0  }
0xb9: {  	[tilespmem:s22], [sflag:$0x4] =	stream.indirect.gather [hbm4b:s17+s19], $0x20, s3, s19, $0xb8;
	[tilespmem:$0x11B00] =	vst v63  }
0xba: {  	_ =	swait.ge [sflag:s23], $0x1400  }
0xbb: {  	[sflag:s23] =	ssyncset.done $0x0  }
0xbc: {  	[sflag:s23] =	ssyncadd.s32 $0xFFFFEC00  }
0xbd: {  	_ =	swait.ge [sflag:s24], $0x800  }
0xbe: {  	[sflag:s24] =	ssyncset.done $0x0  }
0xbf: {  	s4 =	simm.s32 $0x1BA0;
	[sflag:s24] =	ssyncadd.s32 $0xFFFFF800  }
0xc0: {  	s5 =	simm.s32 $0x4340;
	v2 =	vld [tilespmem:s4+$0x90]  }
0xc1: {  	v3 =	vld [tilespmem:s5+$0x20];
	_ =	sdelay $0x2  }
0xc2: {  	v6 =	vld [tilespmem:s5+$0xFFFFFFC0]  }
0xc3: {  	v7 =	vld [tilespmem:s4+$0xFFFFFFF0]  }
0xc4: {  	v4 =	vld [tilespmem:s5+$0x30];
	v2 =	vadd.f32 v3, v2  }
0xc5: {  	v8 =	vld [tilespmem:s5+$0xFFFFFFE0]  }
0xc6: {  	v9 =	vld [tilespmem:s4+$0x40];
	v3 =	vmul.f32 $2.000000030e-01, v2  }
0xc7: {  	v10 =	vld [tilespmem:s5+$0x0];
	vm1 =	vge.f32 v2, $0.0e+00  }
0xc8: {  	v11 =	vld [tilespmem:s4+$0xFFFFFFA0];
	v2 =	vsel vm1, v2, v3  }
0xc9: {  	v15 =	vld [tilespmem:s5+$0xFFFFFFD0];
	v4 =	vsub.f32 v2, v4  }
0xca: {  	v16 =	vld [tilespmem:s5+$0xFFFFFFF0]  }
0xcb: {  	v17 =	vld [tilespmem:s5+$0x10];
	v7 =	vadd.f32 v8, v7;
	v12 =	vmul.f32 $1.442695020e+00, v4  }
0xcc: {  	v5 =	vld [tilespmem:s4+$0xFFFFFF90];
	v8 =	vadd.f32 v10, v9  }
0xcd: {  	v13 =	vld [tilespmem:s4+$0xFFFFFFB0];
	v9 =	vadd.f32 v6, v11;
	v10 =	vmul.f32 $2.000000030e-01, v7;
	(erf) = vpow2.f32 v12  }
0xce: {  	v14 =	vld [tilespmem:s4+$0xFFFFFFC0];
	v11 =	vmul.f32 $2.000000030e-01, v8;
	vm1 =	vge.f32 v7, $0.0e+00  }
0xcf: {  	v6 =	vld [tilespmem:s4+$0xFFFFFFE0];
	v18 =	vmul.f32 $2.000000030e-01, v9;
	v10 =	vsel vm1, v7, v10;
	vm1 =	vge.f32 v8, $0.0e+00  }
0xd0: {  	vm2 =	vge.f32 v9, $0.0e+00;
	v3 =	vld [tilespmem:s4+$0xFFFFFF70];
	v10 =	vsub.f32 v10, v16;
	v11 =	vsel vm1, v8, v11  }
0xd1: {  	v9 =	vsel vm2, v9, v18;
	v18 =	vld [tilespmem:s4+$0x80];
	v11 =	vsub.f32 v11, v17  }
0xd2: {  	v2 =	vld [tilespmem:s4+$0xFFFFFF60];
	v9 =	vsub.f32 v9, v15;
	v15 =	vmul.f32 $1.442695020e+00, v10  }
0xd3: {  	v7 =	vld [tilespmem:s4+$0x0];
	v11 =	vmul.f32 $1.442695020e+00, v11  }
0xd4: {  	v8 =	vld [tilespmem:s4+$0x10];
	v19 =	vmul.f32 $1.442695020e+00, v9;
	(erf) = vpow2.f32 v15  }
0xd5: {  	v4 =	vld [tilespmem:s4+$0xFFFFFF80];
	(erf) = vpow2.f32 v11  }
0xd6: {  	v17 =	vld [tilespmem:s4+$0x50];
	v16 =	vpop (erf);
	(erf) = vpow2.f32 v19  }
0xd7: {  	v10 =	vld [tilespmem:s4+$0x20]  }
0xd8: {  	v12 =	vld [tilespmem:s4+$0xFFFFFFD0]  }
0xd9: {  	v11 =	vld [tilespmem:s4+$0x30];
	v9 =	vperm.xlane v16, v1  }
0xda: {  	v15 =	vnsel vm0, $0x0, v16;
	v16 =	vld [tilespmem:s4+$0x60]  }
0xdb: {  	s6 =	simm.s32 $0x0;
	s7 =	simm.s32 $0x1CE0;
	[tilespmem:s4+$0x90] =	vst v15;
	v15 =	vld [tilespmem:s4+$0x70];
	v18 =	vmul.f32 v18, v9  }
.LBB2_6:
0xdc: {  	v19 =	vld [tilespmem:s7+$0x90];
	s5 =	sadd.s32 $0x80, s5  }
0xdd: {  	s6 =	sadd.s32 $0x4, s6;
	v20 =	vld [tilespmem:s5+$0x20];
	[tilespmem:s4+$0x80] =	vst v18;
	v18 =	vpop (erf)  }
0xde: {  	p0 =	slt.u32 s6, $0x3C;
	v21 =	vld [tilespmem:s5+$0xFFFFFFC0];
	v22 =	vperm.xlane v18, v1;
	v18 =	vnsel vm0, $0x0, v18;
	v17 =	vmul.f32 v17, v9;
	v23 =	vpop (erf)  }
0xdf: {  	v24 =	vld [tilespmem:s7+$0xFFFFFFF0];
	[tilespmem:s4+$0xFFFFFFF0] =	vst v18;
	v18 =	vperm.xlane v23, v1;
	v23 =	vnsel vm0, $0x0, v23;
	v16 =	vmul.f32 v16, v9;
	v25 =	vpop (erf)  }
0xe0: {  	v26 =	vld [tilespmem:s5+$0xFFFFFFE0];
	v27 =	vperm.xlane v25, v1;
	v25 =	vnsel vm0, $0x0, v25;
	v13 =	vmul.f32 v13, v22;
	[tilespmem:s4+$0x50] =	vst v17  }
0xe1: {  	v14 =	vmul.f32 v14, v22;
	v12 =	vmul.f32 v12, v22;
	v17 =	vld [tilespmem:s7+$0x40];
	[tilespmem:s4+$0x60] =	vst v16  }
0xe2: {  	v16 =	vld [tilespmem:s5+$0x30];
	v19 =	vadd.f32 v20, v19;
	v2 =	vmul.f32 v2, v27;
	v3 =	vmul.f32 v3, v27;
	[tilespmem:s4+$0xFFFFFFB0] =	vst v13  }
0xe3: {  	v4 =	vmul.f32 v4, v27;
	v5 =	vmul.f32 v5, v27;
	v13 =	vld [tilespmem:s5+$0x0];
	[tilespmem:s4+$0xFFFFFFC0] =	vst v14  }
0xe4: {  	v6 =	vmul.f32 v6, v22;
	v14 =	vld [tilespmem:s7+$0xFFFFFFA0];
	v20 =	vmul.f32 $2.000000030e-01, v19;
	[tilespmem:s4+$0xFFFFFF60] =	vst v2  }
0xe5: {  	v7 =	vmul.f32 v7, v18;
	vm1 =	vge.f32 v19, $0.0e+00;
	v22 =	vld [tilespmem:s5+$0xFFFFFFD0];
	v24 =	vadd.f32 v26, v24;
	[tilespmem:s4+$0xFFFFFF70] =	vst v3  }
0xe6: {  	v8 =	vmul.f32 v8, v18;
	v10 =	vmul.f32 v10, v18;
	v26 =	vld [tilespmem:s5+$0xFFFFFFF0];
	v2 =	vsel vm1, v19, v20;
	[tilespmem:s4+$0xFFFFFF80] =	vst v4  }
0xe7: {  	vm1 =	vge.f32 v24, $0.0e+00;
	v4 =	vmul.f32 $2.000000030e-01, v24;
	v19 =	vld [tilespmem:s5+$0x10];
	v16 =	vsub.f32 v2, v16;
	[tilespmem:s4+$0xFFFFFF90] =	vst v5  }
0xe8: {  	v9 =	vmul.f32 v15, v9;
	v11 =	vmul.f32 v11, v18;
	v2 =	vld [tilespmem:s7+$0xFFFFFF60];
	v17 =	vadd.f32 v13, v17;
	[tilespmem:s4+$0xFFFFFFD0] =	vst v12  }
0xe9: {  	v12 =	vadd.f32 v21, v14;
	v3 =	vld [tilespmem:s7+$0xFFFFFF70];
	v13 =	vsel vm1, v24, v4;
	v14 =	vmul.f32 $1.442695020e+00, v16;
	[tilespmem:s4+$0xFFFFFFE0] =	vst v6  }
0xea: {  	v4 =	vld [tilespmem:s7+$0xFFFFFF80];
	vm1 =	vge.f32 v17, $0.0e+00;
	v6 =	vmul.f32 $2.000000030e-01, v17;
	[tilespmem:s4+$0x0] =	vst v7  }
0xeb: {  	vm2 =	vge.f32 v12, $0.0e+00;
	v7 =	vmul.f32 $2.000000030e-01, v12;
	v5 =	vld [tilespmem:s7+$0xFFFFFF90];
	(erf) = vpow2.f32 v14;
	[tilespmem:s4+$0x10] =	vst v8  }
0xec: {  	v8 =	vsub.f32 v13, v26;
	v13 =	vld [tilespmem:s7+$0xFFFFFFB0];
	v6 =	vsel vm1, v17, v6;
	[tilespmem:s4+$0x20] =	vst v10  }
0xed: {  	v7 =	vsel vm2, v12, v7;
	v14 =	vld [tilespmem:s7+$0xFFFFFFC0];
	v10 =	vsub.f32 v6, v19;
	[tilespmem:s4+$0x30] =	vst v11  }
0xee: {  	v8 =	vmul.f32 $1.442695020e+00, v8;
	v7 =	vsub.f32 v7, v22;
	v12 =	vld [tilespmem:s7+$0xFFFFFFD0];
	[tilespmem:s4+$0x70] =	vst v9  }
0xef: {  	v6 =	vld [tilespmem:s7+$0xFFFFFFE0];
	v9 =	vmul.f32 $1.442695020e+00, v10;
	[tilespmem:s4+$0xFFFFFFA0] =	vst v25  }
0xf0: {  	v10 =	vmul.f32 $1.442695020e+00, v7;
	v7 =	vld [tilespmem:s7+$0x0];
	(erf) = vpow2.f32 v8;
	[tilespmem:s4+$0x40] =	vst v23;
	s4 =	smov.u32 s7  }
0xf1: {  	v8 =	vld [tilespmem:s7+$0x10];
	(erf) = vpow2.f32 v9  }
0xf2: {  	v18 =	vld [tilespmem:s7+$0x80];
	(erf) = vpow2.f32 v10  }
.Ltmp5:
0xf3: {  	v10 =	vld [tilespmem:s7+$0x20];
	(pc) =	sbr.rel @p0 .LBB2_6-.Ltmp5, $4  }
0xf4: {  	v11 =	vld [tilespmem:s7+$0x30];
	v15 =	vpop (erf)  }
0xf5: {  	v9 =	vperm.xlane v15, v1;
	v17 =	vld [tilespmem:s7+$0x50];
	v15 =	vnsel vm0, $0x0, v15  }
0xf6: {  	v16 =	vld [tilespmem:s7+$0x60];
	[tilespmem:s7+$0x90] =	vst v15  }
0xf7: {  	s7 =	sadd.s32 $0x140, s7;
	v15 =	vld [tilespmem:s4+$0x70];
	v18 =	vmul.f32 v18, v9  }
0xf8: {  	_ = 	snop  }
0xf9: {  	v19 =	vpop (erf)  }
0xfa: {  	[tilespmem:s4+$0x80] =	vst v18;
	v18 =	vperm.xlane v19, v1;
	v19 =	vnsel vm0, $0x0, v19;
	_ =	sdelay $0x1  }
0xfb: {  	v17 =	vmul.f32 v17, v9;
	v20 =	vpop (erf)  }
0xfc: {  	[tilespmem:s4+$0xFFFFFFF0] =	vst v19;
	v16 =	vmul.f32 v16, v9;
	v19 =	vpop (erf)  }
0xfd: {  	v13 =	vmul.f32 v13, v18;
	[tilespmem:s4+$0x50] =	vst v17;
	v21 =	vperm.xlane v19, v1  }
0xfe: {  	v14 =	vmul.f32 v14, v18;
	[tilespmem:s4+$0x60] =	vst v16  }
0xff: {  	[tilespmem:s4+$0xFFFFFFB0] =	vst v13;
	v2 =	vmul.f32 v2, v21  }
0x100: {  	[tilespmem:s4+$0xFFFFFFC0] =	vst v14;
	v3 =	vmul.f32 v3, v21  }
0x101: {  	v4 =	vmul.f32 v4, v21;
	[tilespmem:s4+$0xFFFFFF60] =	vst v2  }
0x102: {  	v2 =	vmul.f32 v5, v21;
	[tilespmem:s4+$0xFFFFFF70] =	vst v3  }
0x103: {  	v3 =	vperm.xlane v20, v1;
	v5 =	vmul.f32 v12, v18;
	[tilespmem:s4+$0xFFFFFF80] =	vst v4  }
0x104: {  	v4 =	vmul.f32 v6, v18;
	[tilespmem:s4+$0xFFFFFF90] =	vst v2  }
0x105: {  	v2 =	vmul.f32 v7, v3;
	[tilespmem:s4+$0xFFFFFFD0] =	vst v5  }
0x106: {  	v5 =	vmul.f32 v8, v3;
	[tilespmem:s4+$0xFFFFFFE0] =	vst v4  }
0x107: {  	v4 =	vmul.f32 v10, v3;
	[tilespmem:s4+$0x0] =	vst v2  }
0x108: {  	v2 =	vmul.f32 v11, v3;
	[tilespmem:s4+$0x10] =	vst v5  }
0x109: {  	v3 =	vmul.f32 v15, v9;
	[tilespmem:s4+$0x20] =	vst v4  }
0x10a: {  	[tilespmem:s4+$0x30] =	vst v2  }
0x10b: {  	v2 =	vnsel vm0, $0x0, v19;
	[tilespmem:s4+$0x70] =	vst v3  }
0x10c: {  	s5 =	sand.u32 $0x3FFFFF80, s0;
	v3 =	vnsel vm0, $0x0, v20;
	[tilespmem:s4+$0xFFFFFFA0] =	vst v2  }
0x10d: {  	s7 =	sadd.s32 $0xD80, s5;
	[tilespmem:s4+$0x40] =	vst v3  }
0x10e: {  	[spmem:s13] =	stream.indirect.scatter.add.f32 [tilespmem:s10], [sflag:$0x5], $0x50, s7, s19, $0xb8;
	[tilespmem:$0x11B00] =	vst v63  }
0x10f: {  	_ =	swait.ge [sflag:s25], $0x1400  }
0x110: {  	[sflag:s25] =	ssyncset.done $0x0  }
0x111: {  	[sflag:s25] =	ssyncadd.s32 $0xFFFFEC00  }
0x112: {  	_ =	swait.ge [sflag:s26], $0x800  }
0x113: {  	[sflag:s26] =	ssyncset.done $0x0  }
0x114: {  	s4 =	simm.s32 $0x2FA0;
	[sflag:s26] =	ssyncadd.s32 $0xFFFFF800  }
0x115: {  	s5 =	simm.s32 $0x4B40;
	v2 =	vld [tilespmem:s4+$0x90]  }
0x116: {  	v3 =	vld [tilespmem:s5+$0x20];
	_ =	sdelay $0x4  }
0x117: {  	v4 =	vld [tilespmem:s5+$0x30];
	v2 =	vadd.f32 v3, v2  }
0x118: {  	v7 =	vld [tilespmem:s4+$0xFFFFFFF0]  }
0x119: {  	v8 =	vld [tilespmem:s5+$0xFFFFFFE0];
	v3 =	vmul.f32 $2.000000030e-01, v2  }
0x11a: {  	v9 =	vld [tilespmem:s4+$0x40];
	vm1 =	vge.f32 v2, $0.0e+00  }
0x11b: {  	v10 =	vld [tilespmem:s5+$0x0];
	v2 =	vsel vm1, v2, v3  }
0x11c: {  	v6 =	vld [tilespmem:s5+$0xFFFFFFC0];
	v4 =	vsub.f32 v2, v4  }
0x11d: {  	v11 =	vld [tilespmem:s4+$0xFFFFFFA0]  }
0x11e: {  	v15 =	vld [tilespmem:s5+$0xFFFFFFD0];
	v12 =	vmul.f32 $1.442695020e+00, v4  }
0x11f: {  	v16 =	vld [tilespmem:s5+$0xFFFFFFF0];
	v7 =	vadd.f32 v8, v7  }
0x120: {  	v17 =	vld [tilespmem:s5+$0x10];
	v8 =	vadd.f32 v10, v9;
	(erf) = vpow2.f32 v12  }
0x121: {  	v5 =	vld [tilespmem:s4+$0xFFFFFF90];
	v10 =	vmul.f32 $2.000000030e-01, v7  }
0x122: {  	v13 =	vld [tilespmem:s4+$0xFFFFFFB0];
	v9 =	vadd.f32 v6, v11;
	v11 =	vmul.f32 $2.000000030e-01, v8;
	vm1 =	vge.f32 v7, $0.0e+00  }
0x123: {  	v14 =	vld [tilespmem:s4+$0xFFFFFFC0];
	v10 =	vsel vm1, v7, v10;
	vm1 =	vge.f32 v8, $0.0e+00  }
0x124: {  	v6 =	vld [tilespmem:s4+$0xFFFFFFE0];
	v18 =	vmul.f32 $2.000000030e-01, v9;
	v11 =	vsel vm1, v8, v11  }
0x125: {  	vm2 =	vge.f32 v9, $0.0e+00;
	v3 =	vld [tilespmem:s4+$0xFFFFFF70];
	v10 =	vsub.f32 v10, v16;
	v16 =	vsub.f32 v11, v17  }
0x126: {  	v9 =	vsel vm2, v9, v18;
	v18 =	vld [tilespmem:s4+$0x80]  }
0x127: {  	v2 =	vld [tilespmem:s4+$0xFFFFFF60];
	v9 =	vsub.f32 v9, v15;
	v10 =	vmul.f32 $1.442695020e+00, v10  }
0x128: {  	v7 =	vld [tilespmem:s4+$0x0];
	v15 =	vmul.f32 $1.442695020e+00, v16  }
0x129: {  	v8 =	vld [tilespmem:s4+$0x10];
	v19 =	vmul.f32 $1.442695020e+00, v9;
	v16 =	vpop (erf);
	(erf) = vpow2.f32 v10  }
0x12a: {  	v4 =	vld [tilespmem:s4+$0xFFFFFF80];
	(erf) = vpow2.f32 v15  }
0x12b: {  	v11 =	vld [tilespmem:s4+$0x20];
	(erf) = vpow2.f32 v19  }
0x12c: {  	v17 =	vld [tilespmem:s4+$0x50]  }
0x12d: {  	v12 =	vld [tilespmem:s4+$0xFFFFFFD0]  }
0x12e: {  	v10 =	vld [tilespmem:s4+$0x30];
	v9 =	vperm.xlane v16, v1  }
0x12f: {  	v20 =	vnsel vm0, $0x0, v16;
	v16 =	vld [tilespmem:s4+$0x60]  }
0x130: {  	s6 =	simm.s32 $0x0;
	s7 =	simm.s32 $0x30E0;
	v15 =	vld [tilespmem:s4+$0x70];
	[tilespmem:s4+$0x90] =	vst v20;
	v18 =	vmul.f32 v18, v9  }
.LBB2_8:
0x131: {  	v19 =	vld [tilespmem:s7+$0x90];
	s5 =	sadd.s32 $0x80, s5  }
0x132: {  	s6 =	sadd.s32 $0x4, s6;
	v20 =	vld [tilespmem:s5+$0x20];
	[tilespmem:s4+$0x80] =	vst v18;
	v18 =	vpop (erf)  }
0x133: {  	p0 =	slt.u32 s6, $0x3C;
	v21 =	vld [tilespmem:s5+$0xFFFFFFC0];
	v22 =	vperm.xlane v18, v1;
	v18 =	vnsel vm0, $0x0, v18;
	v17 =	vmul.f32 v17, v9;
	v23 =	vpop (erf)  }
0x134: {  	v24 =	vld [tilespmem:s7+$0xFFFFFFF0];
	[tilespmem:s4+$0xFFFFFFF0] =	vst v18;
	v18 =	vperm.xlane v23, v1;
	v23 =	vnsel vm0, $0x0, v23;
	v16 =	vmul.f32 v16, v9;
	v25 =	vpop (erf)  }
0x135: {  	v26 =	vld [tilespmem:s5+$0xFFFFFFE0];
	v27 =	vperm.xlane v25, v1;
	v25 =	vnsel vm0, $0x0, v25;
	v13 =	vmul.f32 v13, v22;
	[tilespmem:s4+$0x50] =	vst v17  }
0x136: {  	v14 =	vmul.f32 v14, v22;
	v12 =	vmul.f32 v12, v22;
	v17 =	vld [tilespmem:s7+$0x40];
	[tilespmem:s4+$0x60] =	vst v16  }
0x137: {  	v16 =	vld [tilespmem:s5+$0x30];
	v19 =	vadd.f32 v20, v19;
	v2 =	vmul.f32 v2, v27;
	v3 =	vmul.f32 v3, v27;
	[tilespmem:s4+$0xFFFFFFB0] =	vst v13  }
0x138: {  	v4 =	vmul.f32 v4, v27;
	v5 =	vmul.f32 v5, v27;
	v13 =	vld [tilespmem:s5+$0x0];
	[tilespmem:s4+$0xFFFFFFC0] =	vst v14  }
0x139: {  	v6 =	vmul.f32 v6, v22;
	v14 =	vld [tilespmem:s7+$0xFFFFFFA0];
	v20 =	vmul.f32 $2.000000030e-01, v19;
	[tilespmem:s4+$0xFFFFFF60] =	vst v2  }
0x13a: {  	v7 =	vmul.f32 v7, v18;
	vm1 =	vge.f32 v19, $0.0e+00;
	v22 =	vld [tilespmem:s5+$0xFFFFFFD0];
	v24 =	vadd.f32 v26, v24;
	[tilespmem:s4+$0xFFFFFF70] =	vst v3  }
0x13b: {  	v8 =	vmul.f32 v8, v18;
	v11 =	vmul.f32 v11, v18;
	v26 =	vld [tilespmem:s5+$0xFFFFFFF0];
	v2 =	vsel vm1, v19, v20;
	[tilespmem:s4+$0xFFFFFF80] =	vst v4  }
0x13c: {  	vm1 =	vge.f32 v24, $0.0e+00;
	v4 =	vmul.f32 $2.000000030e-01, v24;
	v19 =	vld [tilespmem:s5+$0x10];
	v16 =	vsub.f32 v2, v16;
	[tilespmem:s4+$0xFFFFFF90] =	vst v5  }
0x13d: {  	v9 =	vmul.f32 v15, v9;
	v10 =	vmul.f32 v10, v18;
	v2 =	vld [tilespmem:s7+$0xFFFFFF60];
	v17 =	vadd.f32 v13, v17;
	[tilespmem:s4+$0xFFFFFFD0] =	vst v12  }
0x13e: {  	v12 =	vadd.f32 v21, v14;
	v3 =	vld [tilespmem:s7+$0xFFFFFF70];
	v13 =	vsel vm1, v24, v4;
	v14 =	vmul.f32 $1.442695020e+00, v16;
	[tilespmem:s4+$0xFFFFFFE0] =	vst v6  }
0x13f: {  	v4 =	vld [tilespmem:s7+$0xFFFFFF80];
	vm1 =	vge.f32 v17, $0.0e+00;
	v6 =	vmul.f32 $2.000000030e-01, v17;
	[tilespmem:s4+$0x0] =	vst v7  }
0x140: {  	vm2 =	vge.f32 v12, $0.0e+00;
	v7 =	vmul.f32 $2.000000030e-01, v12;
	v5 =	vld [tilespmem:s7+$0xFFFFFF90];
	(erf) = vpow2.f32 v14;
	[tilespmem:s4+$0x10] =	vst v8  }
0x141: {  	v8 =	vsub.f32 v13, v26;
	v13 =	vld [tilespmem:s7+$0xFFFFFFB0];
	v6 =	vsel vm1, v17, v6;
	[tilespmem:s4+$0x20] =	vst v11  }
0x142: {  	v7 =	vsel vm2, v12, v7;
	v14 =	vld [tilespmem:s7+$0xFFFFFFC0];
	v11 =	vsub.f32 v6, v19;
	[tilespmem:s4+$0x30] =	vst v10  }
0x143: {  	v8 =	vmul.f32 $1.442695020e+00, v8;
	v7 =	vsub.f32 v7, v22;
	v12 =	vld [tilespmem:s7+$0xFFFFFFD0];
	[tilespmem:s4+$0x70] =	vst v9  }
0x144: {  	v6 =	vld [tilespmem:s7+$0xFFFFFFE0];
	v9 =	vmul.f32 $1.442695020e+00, v11;
	[tilespmem:s4+$0xFFFFFFA0] =	vst v25  }
0x145: {  	v10 =	vmul.f32 $1.442695020e+00, v7;
	v7 =	vld [tilespmem:s7+$0x0];
	(erf) = vpow2.f32 v8;
	[tilespmem:s4+$0x40] =	vst v23;
	s4 =	smov.u32 s7  }
0x146: {  	v8 =	vld [tilespmem:s7+$0x10];
	(erf) = vpow2.f32 v9  }
0x147: {  	v18 =	vld [tilespmem:s7+$0x80];
	(erf) = vpow2.f32 v10  }
.Ltmp6:
0x148: {  	v11 =	vld [tilespmem:s7+$0x20];
	(pc) =	sbr.rel @p0 .LBB2_8-.Ltmp6, $4  }
0x149: {  	v10 =	vld [tilespmem:s7+$0x30];
	v15 =	vpop (erf)  }
0x14a: {  	v9 =	vperm.xlane v15, v1;
	v17 =	vld [tilespmem:s7+$0x50];
	v15 =	vnsel vm0, $0x0, v15  }
0x14b: {  	v16 =	vld [tilespmem:s7+$0x60];
	[tilespmem:s7+$0x90] =	vst v15  }
0x14c: {  	s7 =	sadd.s32 $0x140, s7;
	v15 =	vld [tilespmem:s4+$0x70];
	v18 =	vmul.f32 v18, v9  }
0x14d: {  	_ = 	snop  }
0x14e: {  	v19 =	vpop (erf)  }
0x14f: {  	[tilespmem:s4+$0x80] =	vst v18;
	v58 =	vperm.xlane v19, v1;
	v19 =	vnsel vm0, $0x0, v19;
	v17 =	vmul.f32 v17, v9  }
0x150: {  	v20 =	vpop (erf);
	[tilespmem:s4+$0xFFFFFFF0] =	vst v19;
	v16 =	vmul.f32 v16, v9  }
0x151: {  	v59 =	vpop (erf);
	v13 =	vmul.f32 v13, v58;
	[tilespmem:s4+$0x50] =	vst v17  }
0x152: {  	v21 =	vperm.xlane v59, v1;
	v14 =	vmul.f32 v14, v58;
	[tilespmem:s4+$0x60] =	vst v16  }
0x153: {  	v60 =	vmul.f32 v12, v58;
	[tilespmem:s4+$0xFFFFFFB0] =	vst v13  }
0x154: {  	v2 =	vmul.f32 v2, v21;
	[tilespmem:s4+$0xFFFFFFC0] =	vst v14  }
0x155: {  	v3 =	vmul.f32 v3, v21;
	[tilespmem:s4+$0xFFFFFFD0] =	vst v60  }
0x156: {  	v61 =	vmul.f32 v6, v58;
	[tilespmem:s4+$0xFFFFFF60] =	vst v2  }
0x157: {  	v2 =	vmul.f32 v5, v21;
	[tilespmem:s4+$0xFFFFFF70] =	vst v3;
	v3 =	vperm.xlane v20, v1  }
0x158: {  	v4 =	vmul.f32 v4, v21;
	[tilespmem:s4+$0xFFFFFFE0] =	vst v61  }
0x159: {  	[tilespmem:s4+$0xFFFFFF90] =	vst v2;
	v2 =	vmul.f32 v7, v3  }
0x15a: {  	[tilespmem:s4+$0xFFFFFF80] =	vst v4;
	v62 =	vmul.f32 v8, v3  }
0x15b: {  	v63 =	vmul.f32 v11, v3;
	[tilespmem:s4+$0x0] =	vst v2  }
0x15c: {  	v2 =	vmul.f32 v10, v3;
	[tilespmem:s4+$0x10] =	vst v62  }
0x15d: {  	v3 =	vmul.f32 v15, v9;
	[tilespmem:s4+$0x20] =	vst v63  }
0x15e: {  	[tilespmem:s4+$0x30] =	vst v2  }
0x15f: {  	p0 =	seq.s32 s12, $0x1A;
	v2 =	vnsel vm0, $0x0, v59;
	[tilespmem:s4+$0x70] =	vst v3  }
.Ltmp7:
0x160: {  	v3 =	vnsel vm0, $0x0, v20;
	[tilespmem:s4+$0xFFFFFFA0] =	vst v2;
	(pc) =	sbr.rel @p0 .LBB2_11-.Ltmp7, $4  }
0x161: {  	[tilespmem:s4+$0x40] =	vst v3  }
0x162: {  	_ =	swait.ge [sflag:s28], $0x1400  }
0x163: {  	[sflag:s28] =	ssyncset.done $0x0  }
0x164: {  	[sflag:s28] =	ssyncadd.s32 $0xFFFFEC00  }
0x165: {  	s4 =	sadd.s32 $0x80, s0  }
0x166: {  	[tilespmem:s10], [sflag:$0x1] =	stream.indirect.gather [hbm4b:s16+s19], $0x50, s4, s19, $0xb8;
	[tilespmem:$0x11B00] =	vst v63  }
.Ltmp8:
0x167: {  	_ = 	snop;
	(pc) =	sbr.rel .LBB2_5-.Ltmp8, $4  }
0x168: {  	s7 =	sadd.s32 $0xE00, s0  }
0x169: {  	[tilespmem:s20], [sflag:$0x3] =	stream.indirect.gather [hbm4b:s17+s19], $0x20, s7, s19, $0xb8;
	[tilespmem:$0x11B00] =	vst v63  }
0x16a: {  	s12 =	sadd.s32 $0x1, s12  }
0x16b: {  	[spmem:s13] =	stream.indirect.scatter.add.f32 [tilespmem:s21], [sflag:$0x6], $0x50, s3, s19, $0xb8;
	[tilespmem:$0x11B00] =	vst v63  }
.LBB2_13:
0x16c: {  	_ =	sfence.sel $0x180000  }
0x16d: {  	[bflag:$0x0] =	sbarrier.arrive $0xFFFF  }
0x16e: {  	_ =	strace $0x9000004A  }
0x16f: {  	s0 =	stileid.u32;
	[bflag:$0x2] =	sbarrier.arrive $0xFFFF  }
0x170: {  	p0 =	sne.s32 s0, $0x0;
	s0 =	rddreg [dreg:$0x3]  }
0x171: {  	s0 =	sadd.s32 @!p0 $0x100000, s0  }
0x172: {  	[sflag:s0] =	ssyncadd.tile.s32 @!p0 $0x1;
	_ =	shalt  }
.Lfunc_end2:
_tile_overlayer_lowered:
.L_overlay_start_2:
0x173: {  	(tag) =	ssettag $0x2  }
0x174: {  	s0 =	rddreg [dreg:$0x0];
	s2 =	stileid.u32  }
0x175: {  	s1 =	rddreg [dreg:$0x1];
	p0 =	sne.s32 s2, $0x0  }
0x176: {  	s3 =	rddreg [dreg:$0x2];
	[bflag:$0x3] =	sbarrier.arrive $0xFFFF;
	s2 =	simm.s32 @!p0 $0x1C07  }
0x177: {  	[timem:s3], [sflag:s2] =	dma.local @!p0 [hbm:s0], s1  }
0x178: {  	s0 =	simm.s32 @!p0 $0x7  }
0x179: {  	_ =	swait.ge @!p0 [sflag:s0], s1  }
0x17a: {  	s1 =	ssub.s32 @!p0 $0x0, s1;
	[sflag:s0] =	ssyncset.done @!p0 $0x0  }
0x17b: {  	[sflag:s0] =	ssyncadd.s32 @!p0 s1  }
0x17c: {  	[bflag:$0x3] =	sbarrier.arrive $0xFFFF  }
0x17d: {  	_ =	shalt  }

// kernel: kernel.9.cloned.1.call-start
scs
__scs_entry_jumppad:
0x0: {  	(pc) =	sbr.rel $0x88, $3  }
0x1: {  	(tag) =	ssettag $0x0;
	lr =	simm.s32 $0x1  }
0x2: {  	[smem:$0x3F93] =	sst lr;
	_ =	strace $0xD0000000  }
0x3: {  	_ = 	snop  }
0x4: {  	_ = 	snop  }
0x5: {  	_ = 	snop  }
0x6: {  	_ = 	snop  }
0x7: {  	_ = 	snop  }
__scs_overlays_trampoline_lowered:
0x8: {  	[smem:$0x3FA2] =	sst s0  }
0x9: {  	[smem:$0x3FA3] =	sst s1  }
0xa: {  	[smem:$0x3FA4] =	sst s2  }
0xb: {  	[smem:$0x3FA5] =	sst s3  }
0xc: {  	[smem:$0x3FA6] =	sst s4  }
0xd: {  	[smem:$0x3FA7] =	sst s5  }
0xe: {  	[smem:$0x3FA8] =	sst s6  }
0xf: {  	[smem:$0x3FA9] =	sst s7  }
0x10: {  	[smem:$0x3FAA] =	sst s8  }
0x11: {  	[smem:$0x3FAB] =	sst s9;
	s0 =	simm.s32 @!p0 $0x0  }
0x12: {  	s1 =	sld [smem:$0x3F91];
	s0 =	simm.s32 @p0 $0x1  }
0x13: {  	[smem:$0x3FAC] =	sst s0;
	s0 =	simm.s32 @!p1 $0x0  }
0x14: {  	s2 =	sld [smem:$0x3F90];
	s0 =	simm.s32 @p1 $0x1  }
0x15: {  	[smem:$0x3FAD] =	sst s0;
	s0 =	simm.s32 @!p2 $0x0  }
0x16: {  	s3 =	sld [smem:$0x3FDB];
	s0 =	simm.s32 @p2 $0x1  }
0x17: {  	s4 =	simm.s32 $0x1BF5;
	[smem:$0x3FAF] =	sst s0  }
0x18: {  	s0 =	sld [smem:$0x3F92];
	_ =	swait.ge [sflag:s4], $0x0  }
0x19: {  	s7 =	sld [smem:$0x3F93]  }
0x1a: {  	s8 =	sadd.s32 $0xFFFFE003, lr  }
0x1b: {  	s9 =	sadd.s32 $0xFFFFFEF7, lr;
	s5 =	simm.s32 $0xFFFFFFFF;
	p2 =	slt.u32 s8, $0xFFFFF086  }
0x1c: {  	p1 =	slt.u32 s9, $0xF7A;
	s5 =	simm.s32 @!p2 $0x0  }
0x1d: {  	s5 =	simm.s32 @p1 $0x1;
	p0 =	seq.s32 s7, s2  }
0x1e: {  	s7 =	smul.u32 @!p0 $0xF7A, s2;
	p2 =	seq.s32 @!p0 s5, $0x0  }
0x1f: {  	s9 =	smul.u32 $0xF7A, s1;
	s8 =	simm.s32 @!p0 $0x1BF5;
	p2 =	por !p2, p0  }
0x20: {  	[sflag:s8] =	ssyncset.s32 @!p0 $0xFFFFF086;
	s6 =	sadd.s32 @!p0 s3, s7;
	s7 =	simm.s32 @!p0 $0x108  }
0x21: {  	s3 =	sadd.s32 s3, s9;
	s6 =	sadd.s32 @!p0 $0x88, s6;
	s7 =	simm.s32 @p2 $0x1082  }
0x22: {  	[simem:s7], [sflag:s8] =	dma.local @!p0 [hbm:s6], $0xF7A  }
0x23: {  	s9 =	sor.u32 $0xD0000000, s2;
	s6 =	simm.s32 $0x108;
	_ =	swait.ge @!p0 [sflag:s8], $0x0  }
0x24: {  	s3 =	sadd.s32 $0x88, s3;
	s6 =	simm.s32 @!p1 $0x1082;
	[sflag:s4] =	ssyncset.s32 $0xFFFFF086  }
0x25: {  	[simem:s6], [sflag:s4] =	dma.local [hbm:s3], $0xF7A  }
0x26: {  	[smem:$0x3F93] =	sst s1;
	(tag) =	ssettag s2;
	_ =	strace s9  }
0x27: {  	s1 =	sld [smem:$0x3FA3]  }
0x28: {  	s2 =	sld [smem:$0x3FA4]  }
0x29: {  	s4 =	sld [smem:$0x3FA6]  }
0x2a: {  	p0 =	seq.s32 s5, $0x0;
	s5 =	sld [smem:$0x3FA7]  }
0x2b: {  	s6 =	sld [smem:$0x3FA8]  }
0x2c: {  	s7 =	sld [smem:$0x3FA9]  }
0x2d: {  	s3 =	simm.s32 $0x108;
	s8 =	sld [smem:$0x3FAA]  }
0x2e: {  	s3 =	simm.s32 @!p0 $0x1082;
	s9 =	sld [smem:$0x3FAB]  }
0x2f: {  	lr =	sadd.s32 s0, s3;
	s0 =	sld [smem:$0x3FA2]  }
0x30: {  	s3 =	sld [smem:$0x3FA5]  }
0x31: {  	[smem:$0x3FAE] =	sst s10  }
0x32: {  	s10 =	sld [smem:$0x3FAC];
	_ =	sdelay $0x3  }
0x33: {  	p0 =	seq.s32 s10, $0x1;
	s10 =	sld [smem:$0x3FAE];
	_ =	sdelay $0x3  }
0x34: {  	[smem:$0x3FAE] =	sst s10  }
0x35: {  	s10 =	sld [smem:$0x3FAD];
	_ =	sdelay $0x3  }
0x36: {  	p1 =	seq.s32 s10, $0x1;
	s10 =	sld [smem:$0x3FAE];
	_ =	sdelay $0x3  }
0x37: {  	[smem:$0x3FAE] =	sst s10  }
0x38: {  	s10 =	sld [smem:$0x3FAF]  }
0x39: {  	_ = 	snop;
	(pc) =	sbr.ind lr, $3  }
0x3a: {  	_ = 	snop  }
0x3b: {  	_ = 	snop  }
0x3c: {  	p2 =	seq.s32 s10, $0x1;
	s10 =	sld [smem:$0x3FAE]  }
0x3d: {  	_ =	shalt  }
0x3e: {  	_ =	shalt  }
0x3f: {  	_ =	shalt  }
0x40: {  	_ =	shalt  }
0x41: {  	_ =	shalt  }
0x42: {  	_ =	shalt  }
0x43: {  	_ =	shalt  }
0x44: {  	_ =	shalt  }
0x45: {  	_ =	shalt  }
0x46: {  	_ =	shalt  }
0x47: {  	_ =	shalt  }
0x48: {  	_ =	shalt  }
0x49: {  	_ =	shalt  }
0x4a: {  	_ =	shalt  }
0x4b: {  	_ =	shalt  }
0x4c: {  	_ =	shalt  }
0x4d: {  	_ =	shalt  }
0x4e: {  	_ =	shalt  }
0x4f: {  	_ =	shalt  }
0x50: {  	_ =	shalt  }
0x51: {  	_ =	shalt  }
0x52: {  	_ =	shalt  }
0x53: {  	_ =	shalt  }
0x54: {  	_ =	shalt  }
0x55: {  	_ =	shalt  }
0x56: {  	_ =	shalt  }
0x57: {  	_ =	shalt  }
0x58: {  	_ =	shalt  }
0x59: {  	_ =	shalt  }
0x5a: {  	_ =	shalt  }
0x5b: {  	_ =	shalt  }
0x5c: {  	_ =	shalt  }
0x5d: {  	_ =	shalt  }
0x5e: {  	_ =	shalt  }
0x5f: {  	_ =	shalt  }
0x60: {  	_ =	shalt  }
0x61: {  	_ =	shalt  }
0x62: {  	_ =	shalt  }
0x63: {  	_ =	shalt  }
0x64: {  	_ =	shalt  }
0x65: {  	_ =	shalt  }
0x66: {  	_ =	shalt  }
0x67: {  	_ =	shalt  }
0x68: {  	_ =	shalt  }
0x69: {  	_ =	shalt  }
0x6a: {  	_ =	shalt  }
0x6b: {  	_ =	shalt  }
0x6c: {  	_ =	shalt  }
0x6d: {  	_ =	shalt  }
0x6e: {  	_ =	shalt  }
0x6f: {  	_ =	shalt  }
0x70: {  	_ =	shalt  }
0x71: {  	_ =	shalt  }
0x72: {  	_ =	shalt  }
0x73: {  	_ =	shalt  }
0x74: {  	_ =	shalt  }
0x75: {  	_ =	shalt  }
0x76: {  	_ =	shalt  }
0x77: {  	_ =	shalt  }
0x78: {  	_ =	shalt  }
0x79: {  	_ =	shalt  }
0x7a: {  	_ =	shalt  }
0x7b: {  	_ =	shalt  }
0x7c: {  	_ =	shalt  }
0x7d: {  	_ =	shalt  }
0x7e: {  	_ =	shalt  }
0x7f: {  	_ =	shalt  }
0x80: {  	_ =	shalt  }
0x81: {  	_ =	shalt  }
0x82: {  	_ =	shalt  }
0x83: {  	_ =	shalt  }
0x84: {  	_ =	shalt  }
0x85: {  	_ =	shalt  }
0x86: {  	_ =	shalt  }
0x87: {  	_ =	shalt  }
.Lfunc_end0:
.L_simem_size_0:
called_computation_lowered:
.L_overlay_start_0:
0x88: {  	s2 =	sld [smem:$0x3FD9]  }
0x89: {  	s3 =	sld [smem:$0x3FFE];
	_ =	sdelay $0x1  }
0x8a: {  	s1 =	srdreg.scid  }
0x8b: {  	s0 =	sand.u32 $0x1, s1  }
0x8c: {  	s17 =	sshll.u32 s0, $0xA;
	s2 =	sadd.s32 s3, s2  }
0x8d: {  	s2 =	sadd.s32 s2, s17  }
0x8e: {  	[smem:$0x3FBA] =	sst s2  }
0x8f: {  	_ = 	snop  }
0x90: {  	s2 =	sld [smem:$0x3FD0];
	(tm) =	ssettm $0x1  }
0x91: {  	s18 =	sld [smem:$0x3FFB];
	_ =	sdelay $0x3  }
0x92: {  	_ =	strace s18  }
0x93: {  	s3 =	sld [smem:$0x3FFC];
	_ =	sdelay $0x3  }
0x94: {  	_ =	strace s3  }
0x95: {  	s3 =	sld [smem:$0x3FFD];
	_ =	sdelay $0x3  }
0x96: {  	_ =	strace s3  }
0x97: {  	_ =	strace $0x8FFFFFFF  }
0x98: {  	s19 =	sld [smem:$0x3FDB];
	_ =	sdelay $0x1  }
0x99: {  	s4 =	simm.s32 $_scs_section_size  }
0x9a: {  	s5 =	simm.s32 $_size__tile_overlayer_lowered;
	s6 =	simm.s32 $_tile_overlayer_lowered  }
0x9b: {  	s22 =	simm.s32 $0x1BFF;
	s21 =	sshll.u32 s6, $0x1;
	s3 =	sadd.s32 s4, s19  }
0x9c: {  	s7 =	simm.s32 $0x0;
	s20 =	sshll.u32 s5, $0x1;
	s5 =	sadd.s32 s21, s3  }
0x9d: {  	[timem:s7], [sflag:s22] =	dma.local [hbm:s5], s20  }
0x9e: {  	_ =	swait.ge [sflag:s22], s20  }
0x9f: {  	s4 =	ssub.s32 $0x0, s20;
	[sflag:s22] =	ssyncset.done $0x0  }
0xa0: {  	[sflag:s22] =	ssyncadd.s32 s4;
	_ =	sdelay $0x1  }
0xa1: {  	s23 =	simm.s32 $0x1B8B  }
0xa2: {  	_ =	swait.ge [sflag:s23], $0x1  }
0xa3: {  	[sflag:s23] =	ssyncset.done $0x0  }
0xa4: {  	s25 =	simm.s32 $0x1B8E;
	s24 =	sld [smem:$0x3FFE];
	[sflag:s23] =	ssyncadd.s32 $0xFFFFFFFF  }
0xa5: {  	s26 =	simm.s32 $execute0_lowered;
	[smem:$0x3FD2] =	sst s25  }
0xa6: {  	s5 =	sshll.u32 s26, $0x1;
	_ =	strace $0x80000046;
	[dreg:$0x1] =	wrdreg $0xFFFFFFFF  }
0xa7: {  	s28 =	simm.s32 $_size_execute0_lowered;
	s3 =	sadd.s32 s3, s5;
	[dreg:$0x0] =	wrdreg $0x0  }
0xa8: {  	s5 =	sshll.u32 s28, $0x1;
	[dreg:$0x2] =	wrdreg s3  }
0xa9: {  	[dreg:$0x3] =	wrdreg s5  }
0xaa: {  	[dreg:$0x4] =	wrdreg $0xC0  }
0xab: {  	_ =	task [dreg:s7], $0x5FFFF  }
0xac: {  	[dreg:$0x1] =	wrdreg $0xFFFFFFFF  }
0xad: {  	[dreg:$0x0] =	wrdreg $0x60  }
0xae: {  	[dreg:$0x2] =	wrdreg s24  }
0xaf: {  	[dreg:$0x3] =	wrdreg s2  }
0xb0: {  	[dreg:$0x4] =	wrdreg $0x73000  }
0xb1: {  	[dreg:$0x5] =	wrdreg $0x9  }
0xb2: {  	_ =	task.clear_ibuf [dreg:s7], $0x6FFFF;
	_ =	strace $0x90000046  }
0xb3: {  	s29 =	simm.s32 $0x9;
	_ =	strace $0x80000048  }
0xb4: {  	_ =	swait.ge [sflag:s29], $0x1  }
0xb5: {  	[sflag:s29] =	ssyncadd.s32 $0xFFFFFFFF  }
0xb6: {  	_ =	strace $0x90000048  }
0xb7: {  	_ =	sfence  }
0xb8: {  	s30 =	sld [smem:$0x0];
	_ =	sdelay $0x2  }
0xb9: {  	s31 =	sshll.u32 s1, $0xD;
	s1 =	sshrl.u32 s1, $0x2  }
0xba: {  	s3 =	sand.u32 $0x4000, s31;
	s1 =	sadd.s32 s1, s30  }
0xbb: {  	s0 =	sor.u32 s3, s0;
	s1 =	sshll.u32 s1, $0x11  }
0xbc: {  	s0 =	sor.u32 s1, s0  }
0xbd: {  	s0 =	sadd.s32 $0x8F2B, s0  }
0xbe: {  	[sflag:s0] =	ssyncadd.remote.s32 $0x1  }
0xbf: {  	_ =	sfence.sel $0xFFFF  }
0xc0: {  	[dreg:$0x0] =	wrdreg $0xFFFFFFFF;
	(pc) =	sbr.abs _section_cstart, $3  }
0xc1: {  	[dreg:$0x1] =	wrdreg $0xFFFFFFFF  }
0xc2: {  	_ =	task.clear_ibuf [dreg:s7], $0x2FFFF;
	_ =	strace $0x9FFFFFFF  }
0xc3: {  	(tm) =	ssettm $0x7FFFFFFF  }
tec
execute0_lowered:
.L_overlay_start_1:
0x0: {  	(tag) =	ssettag $0x1  }
0x1: {  	s7 =	rddreg [dreg:$0x0];
	s0 =	srdreg.scid  }
0x2: {  	s17 =	stileid.u32;
	s1 =	simm.s32 $0x0;
	s28 =	simm.s32 $0x5  }
0x3: {  	s29 =	simm.s32 $0x6;
	s30 =	simm.s32 $0x0;
	s4 =	smul.u32 $0x280, s17  }
0x4: {  	s2 =	sand.u32 $0x1, s0;
	s0 =	smul.u32 $0x16800, s17;
	s8 =	sshll.u32 s17, $0x1  }
0x5: {  	s9 =	smul.u32 $0x168000, s2;
	s5 =	ssub.s32 $0x2, s2;
	s2 =	sor.u32 s2, s8  }
0x6: {  	[smem:$0x7FF] =	sst s1;
	s10 =	sor.u32 $0x40, s4;
	s2 =	smul.u32 $0xA2, s2  }
0x7: {  	s6 =	sshrl.u32 s5, $0x1;
	s15 =	sadd.s32 $0x80, s4;
	s3 =	smul.u32 $0x90, s10  }
0x8: {  	s12 =	sadd.s32 $0x42600, s7;
	s14 =	ssub.s32 s5, s6;
	s4 =	smul.u32 $0x90, s15  }
0x9: {  	s18 =	sadd.s32 s9, s0;
	s6 =	sadd.s32 $0x9000, s0;
	s10 =	smul.u32 $0x240, s10  }
0xa: {  	s5 =	sshrl.u32 s18, $0x3;
	s13 =	sadd.s32 s9, s6;
	s14 =	smax.u32 s14, $0x1  }
0xb: {  	s19 =	sadd.s32 s9, s3;
	s5 =	sadd.s32 s12, s5;
	s22 =	sadd.s32 s9, s4  }
0xc: {  	s24 =	sshrl.u32 s13, $0x3;
	s13 =	rddreg [dreg:$0x2];
	s10 =	sshrl.u32 s10, $0x2  }
0xd: {  	s20 =	sshrl.u32 s19, $0x3;
	[dreg:$0x4] =	wrdreg s5;
	s5 =	sadd.s32 $0x6C00, s0  }
0xe: {  	s8 =	sshrl.u32 s22, $0x3;
	s25 =	sadd.s32 s12, s24;
	s19 =	sadd.s32 $0xD800, s0  }
0xf: {  	s10 =	sadd.s32 s10, s13;
	s3 =	sadd.s32 s3, s13;
	s4 =	sadd.s32 s4, s13  }
0x10: {  	s6 =	sadd.s32 s6, s13;
	s21 =	sadd.s32 s12, s20;
	s11 =	sadd.s32 s9, s5  }
0x11: {  	s8 =	sadd.s32 s12, s8;
	[dreg:$0x8] =	wrdreg s25;
	s20 =	sadd.s32 $0xFC00, s0  }
0x12: {  	s31 =	sadd.s32 s9, s19;
	s25 =	smul.u32 $0x240, s15;
	[dreg:$0x5] =	wrdreg s21  }
0x13: {  	s5 =	sadd.s32 s5, s13;
	[dreg:$0x6] =	wrdreg s8;
	s23 =	sshrl.u32 s11, $0x3  }
0x14: {  	s16 =	sadd.s32 s9, s20;
	s18 =	sshrl.u32 s31, $0x3;
	s8 =	sadd.s32 s12, s23  }
0x15: {  	s21 =	sshrl.u32 s16, $0x3;
	[dreg:$0x7] =	wrdreg s8;
	s8 =	sadd.s32 $0xB400, s0  }
0x16: {  	s22 =	sadd.s32 s12, s21;
	s21 =	sadd.s32 $0x12000, s0;
	s26 =	sadd.s32 s9, s8  }
0x17: {  	[dreg:$0xb] =	wrdreg s22;
	s23 =	sadd.s32 s9, s21;
	s11 =	sshrl.u32 s26, $0x3  }
0x18: {  	s22 =	sadd.s32 $0x14400, s0;
	s24 =	sshrl.u32 s23, $0x3;
	s11 =	sadd.s32 s12, s11  }
0x19: {  	s9 =	sadd.s32 s9, s22;
	s16 =	sadd.s32 s12, s24;
	[dreg:$0x9] =	wrdreg s11  }
0x1a: {  	s9 =	sshrl.u32 s9, $0x3;
	s11 =	sadd.s32 s12, s18;
	[dreg:$0xc] =	wrdreg s16  }
0x1b: {  	s0 =	sadd.s32 s0, s13;
	s9 =	sadd.s32 s12, s9;
	[dreg:$0xa] =	wrdreg s11  }
0x1c: {  	s16 =	sadd.s32 $0x1400, s7;
	s18 =	sadd.s32 $0x38400, s7;
	s11 =	rddreg [dreg:$0x1]  }
0x1d: {  	[dreg:$0xd] =	wrdreg s9;
	s9 =	smul.u32 $0x5A000, s17;
	s17 =	sadd.s32 $0x2E400, s7  }
0x1e: {  	s7 =	sshrl.u32 s25, $0x2;
	_ =	strace $0x80000047;
	[dreg:$0xe] =	wrdreg s14  }
0x1f: {  	s0 =	sshrl.u32 s0, $0x3;
	[dreg:$0x10] =	wrdreg s10;
	s7 =	sadd.s32 s7, s13  }
0x20: {  	[dreg:$0x19] =	wrdreg s0;
	s26 =	sshrl.u32 s9, $0x2;
	s31 =	sadd.s32 $0x1B000, s9  }
0x21: {  	[dreg:$0x11] =	wrdreg s7;
	s14 =	sadd.s32 $0x2D000, s9;
	s12 =	sadd.s32 s26, s13  }
0x22: {  	s15 =	sadd.s32 $0x36000, s9;
	[dreg:$0xf] =	wrdreg s12;
	s12 =	sshrl.u32 s31, $0x2  }
0x23: {  	s25 =	sadd.s32 $0x3F000, s9;
	s26 =	sadd.s32 $0x48000, s9;
	s10 =	sadd.s32 s12, s13  }
0x24: {  	s12 =	sadd.s32 $0x24000, s9;
	s9 =	sadd.s32 $0x51000, s9;
	[dreg:$0x12] =	wrdreg s10  }
0x25: {  	s7 =	sshrl.u32 s12, $0x2;
	s10 =	sshrl.u32 s14, $0x2;
	s12 =	sshrl.u32 s15, $0x2  }
0x26: {  	s9 =	sshrl.u32 s9, $0x2;
	s14 =	sadd.s32 s19, s13;
	s15 =	sadd.s32 s20, s13  }
0x27: {  	s19 =	sadd.s32 s21, s13;
	s20 =	sadd.s32 s22, s13;
	s21 =	sshrl.u32 s3, $0x3  }
0x28: {  	s22 =	sshrl.u32 s4, $0x3;
	s7 =	sadd.s32 s7, s13;
	s23 =	sadd.s32 s10, s13  }
0x29: {  	s24 =	sadd.s32 s12, s13;
	s10 =	sshrl.u32 s26, $0x2;
	[dreg:$0x1a] =	wrdreg s21  }
0x2a: {  	s12 =	sadd.s32 s8, s13;
	[dreg:$0x1b] =	wrdreg s22;
	s26 =	sshrl.u32 s14, $0x3  }
0x2b: {  	s8 =	sshrl.u32 s19, $0x3;
	s14 =	simm.s32 $0x7;
	[dreg:$0x13] =	wrdreg s7  }
0x2c: {  	s19 =	simm.s32 $0x40;
	s21 =	simm.s32 $0x3F00;
	[dreg:$0x14] =	wrdreg s23  }
0x2d: {  	s22 =	simm.s32 $0x6B00;
	[dreg:$0x15] =	wrdreg s24;
	s7 =	sshrl.u32 s25, $0x2  }
0x2e: {  	s31 =	sadd.s32 s10, s13;
	s10 =	sadd.s32 s9, s13;
	[dreg:$0x1f] =	wrdreg s26  }
0x2f: {  	s23 =	sshrl.u32 s5, $0x3;
	s24 =	sshrl.u32 s6, $0x3;
	[dreg:$0x17] =	wrdreg s31  }
0x30: {  	s25 =	sshrl.u32 s12, $0x3;
	s9 =	sshrl.u32 s20, $0x3;
	[dreg:$0x18] =	wrdreg s10  }
.Ltmp0:
0x31: {  	s20 =	simm.s32 $0x6300;
	[dreg:$0x1c] =	wrdreg s23;
	(pc) =	sbr.rel .LBB2_1-.Ltmp0, $4  }
0x32: {  	s26 =	simm.s32 $0x4;
	s7 =	sadd.s32 s7, s13;
	[dreg:$0x1d] =	wrdreg s24  }
0x33: {  	[dreg:$0x1e] =	wrdreg s25;
	s31 =	sshrl.u32 s15, $0x3;
	s10 =	simm.s32 $0x1B00  }
0x34: {  	v1 =	vlaneseq.u32;
	s15 =	simm.s32 $0xD80;
	s23 =	simm.s32 $0x1;
	[dreg:$0x16] =	wrdreg s7  }
0x35: {  	v0 =	vimm.f32 $0.0e+00;
	vm0 =	vmmov $0xff;
	v1 =	vand.u32 $0x7, v1;
	s24 =	simm.s32 $0x3;
	s25 =	simm.s32 $0x2;
	[smem:$0x7FD] =	sst s31  }
.LBB2_12:
0x36: {  	s0 =	stileid.u32;
	[bflag:$0x0] =	sbarrier.arrive $0xFFFF  }
0x37: {  	s0 =	sshll.u32 s0, $0x6;
	s3 =	rddreg [dreg:$0x4]  }
0x38: {  	s4 =	rddreg [dreg:$0x19];
	s0 =	sor.u32 $0x1C07, s0  }
0x39: {  	[hbm:s3], [sflag:s0] =	dma.local [spmem:s4], $0x480  }
0x3a: {  	_ =	swait.ge [sflag:s14], $0x480  }
0x3b: {  	[sflag:s14] =	ssyncset.done $0x0;
	s4 =	rddreg [dreg:$0x5]  }
0x3c: {  	s5 =	rddreg [dreg:$0x1a];
	[sflag:s14] =	ssyncadd.s32 $0xFFFFFB80  }
0x3d: {  	[hbm:s4], [sflag:s0] =	dma.local [spmem:s5], $0x480  }
0x3e: {  	_ =	swait.ge [sflag:s14], $0x480  }
0x3f: {  	[sflag:s14] =	ssyncset.done $0x0;
	s6 =	rddreg [dreg:$0x6]  }
0x40: {  	s7 =	rddreg [dreg:$0x1b];
	[sflag:s14] =	ssyncadd.s32 $0xFFFFFB80  }
0x41: {  	[hbm:s6], [sflag:s0] =	dma.local [spmem:s7], $0x480  }
0x42: {  	_ =	swait.ge [sflag:s14], $0x480  }
0x43: {  	[sflag:s14] =	ssyncset.done $0x0;
	s12 =	rddreg [dreg:$0x7]  }
0x44: {  	s31 =	rddreg [dreg:$0x1c];
	[sflag:s14] =	ssyncadd.s32 $0xFFFFFB80  }
0x45: {  	[hbm:s12], [sflag:s0] =	dma.local [spmem:s31], $0x480  }
0x46: {  	_ =	swait.ge [sflag:s14], $0x480  }
0x47: {  	[sflag:s14] =	ssyncset.done $0x0;
	s4 =	rddreg [dreg:$0x8]  }
0x48: {  	s5 =	rddreg [dreg:$0x1d];
	[sflag:s14] =	ssyncadd.s32 $0xFFFFFB80  }
0x49: {  	[hbm:s4], [sflag:s0] =	dma.local [spmem:s5], $0x480  }
0x4a: {  	_ =	swait.ge [sflag:s14], $0x480  }
0x4b: {  	[sflag:s14] =	ssyncset.done $0x0;
	s6 =	rddreg [dreg:$0x9]  }
0x4c: {  	s7 =	rddreg [dreg:$0x1e];
	[sflag:s14] =	ssyncadd.s32 $0xFFFFFB80  }
0x4d: {  	[hbm:s6], [sflag:s0] =	dma.local [spmem:s7], $0x480  }
0x4e: {  	_ =	swait.ge [sflag:s14], $0x480  }
0x4f: {  	[sflag:s14] =	ssyncset.done $0x0;
	s12 =	rddreg [dreg:$0xa]  }
0x50: {  	s31 =	rddreg [dreg:$0x1f];
	[sflag:s14] =	ssyncadd.s32 $0xFFFFFB80  }
0x51: {  	[hbm:s12], [sflag:s0] =	dma.local [spmem:s31], $0x480  }
0x52: {  	_ =	swait.ge [sflag:s14], $0x480  }
0x53: {  	s6 =	sld [smem:$0x7FD]  }
0x54: {  	[sflag:s14] =	ssyncset.done $0x0  }
0x55: {  	s5 =	rddreg [dreg:$0xb];
	[sflag:s14] =	ssyncadd.s32 $0xFFFFFB80  }
0x56: {  	[hbm:s5], [sflag:s0] =	dma.local [spmem:s6], $0x480  }
0x57: {  	_ =	swait.ge [sflag:s14], $0x480  }
0x58: {  	[sflag:s14] =	ssyncset.done $0x0  }
0x59: {  	s7 =	rddreg [dreg:$0xc];
	[sflag:s14] =	ssyncadd.s32 $0xFFFFFB80  }
0x5a: {  	[hbm:s7], [sflag:s0] =	dma.local [spmem:s8], $0x480  }
0x5b: {  	_ =	swait.ge [sflag:s14], $0x480  }
0x5c: {  	[sflag:s14] =	ssyncset.done $0x0  }
0x5d: {  	s12 =	rddreg [dreg:$0xd];
	[sflag:s14] =	ssyncadd.s32 $0xFFFFFB80  }
0x5e: {  	[hbm:s12], [sflag:s0] =	dma.local [spmem:s9], $0x480  }
0x5f: {  	_ =	swait.ge [sflag:s14], $0x480  }
0x60: {  	s1 =	sadd.s32 $0x1, s1;
	s31 =	rddreg [dreg:$0xe]  }
0x61: {  	p0 =	sne.s32 s1, s31  }
.Ltmp1:
0x62: {  	_ = 	snop;
	(pc) =	sbr.rel @!p0 .LBB2_13-.Ltmp1, $3  }
0x63: {  	_ =	sdelay $0x1  }
0x64: {  	[sflag:s14] =	ssyncset.done $0x0  }
0x65: {  	[sflag:s14] =	ssyncadd.s32 $0xFFFFFB80  }
.LBB2_1:
0x66: {  	s0 =	simm.s32 $0x0;
	s3 =	simm.s32 $0x240  }
.LBB2_2:
0x67: {  	p0 =	sne.s32 s3, $0x8DC0;
	[tilespmem:s0+$0x1B80] =	vst v0  }
0x68: {  	[tilespmem:s0+$0x1B00] =	vst v0  }
0x69: {  	[tilespmem:s0+$0x1B10] =	vst v0  }
0x6a: {  	[tilespmem:s0+$0x1B20] =	vst v0  }
.Ltmp2:
0x6b: {  	[tilespmem:s0+$0x1B30] =	vst v0;
	(pc) =	sbr.rel @p0 .LBB2_2-.Ltmp2, $4  }
0x6c: {  	[tilespmem:s0+$0x1B40] =	vst v0  }
0x6d: {  	[tilespmem:s0+$0x1B50] =	vst v0  }
0x6e: {  	[tilespmem:s0+$0x1B60] =	vst v0  }
0x6f: {  	[tilespmem:s0+$0x1B70] =	vst v0;
	s0 =	sshra.s32 s3, $0x2;
	s3 =	sadd.s32 $0x240, s3  }
0x70: {  	[tilespmem:s0+$0x1B80] =	vst v0  }
0x71: {  	[tilespmem:s0+$0x1B00] =	vst v0  }
0x72: {  	[tilespmem:s0+$0x1B10] =	vst v0  }
0x73: {  	[tilespmem:s0+$0x1B20] =	vst v0  }
0x74: {  	[tilespmem:s0+$0x1B30] =	vst v0  }
0x75: {  	[tilespmem:s0+$0x1B40] =	vst v0  }
0x76: {  	[tilespmem:s0+$0x1B50] =	vst v0  }
0x77: {  	[tilespmem:s0+$0x1B60] =	vst v0  }
0x78: {  	[tilespmem:s0+$0x1B70] =	vst v0;
	s5 =	rddreg [dreg:$0xf]  }
0x79: {  	[spmem:s5] =	stream.linear.scatter [tilespmem:s10], [sflag:$0x7], $0x2400, $0x38;
	[tilespmem:$0x1DB00] =	vst v63  }
0x7a: {  	_ =	swait.ge [sflag:s14], $0x2400  }
0x7b: {  	[sflag:s14] =	ssyncset.done $0x0  }
0x7c: {  	s6 =	rddreg [dreg:$0x10];
	[sflag:s14] =	ssyncadd.s32 $0xFFFFDC00  }
0x7d: {  	[spmem:s6] =	stream.linear.scatter [tilespmem:s10], [sflag:$0x7], $0x2400, $0x38;
	[tilespmem:$0x1DB00] =	vst v63  }
0x7e: {  	_ =	swait.ge [sflag:s14], $0x2400  }
0x7f: {  	[sflag:s14] =	ssyncset.done $0x0  }
0x80: {  	s7 =	rddreg [dreg:$0x11];
	[sflag:s14] =	ssyncadd.s32 $0xFFFFDC00  }
0x81: {  	[spmem:s7] =	stream.linear.scatter [tilespmem:s10], [sflag:$0x7], $0x2400, $0x38;
	[tilespmem:$0x1DB00] =	vst v63  }
0x82: {  	_ =	swait.ge [sflag:s14], $0x2400  }
0x83: {  	[sflag:s14] =	ssyncset.done $0x0  }
0x84: {  	s12 =	rddreg [dreg:$0x12];
	[sflag:s14] =	ssyncadd.s32 $0xFFFFDC00  }
0x85: {  	[spmem:s12] =	stream.linear.scatter [tilespmem:s10], [sflag:$0x7], $0x2400, $0x38;
	[tilespmem:$0x1DB00] =	vst v63  }
0x86: {  	_ =	swait.ge [sflag:s14], $0x2400  }
0x87: {  	[sflag:s14] =	ssyncset.done $0x0  }
0x88: {  	s3 =	rddreg [dreg:$0x13];
	[sflag:s14] =	ssyncadd.s32 $0xFFFFDC00  }
0x89: {  	[spmem:s3] =	stream.linear.scatter [tilespmem:s10], [sflag:$0x7], $0x2400, $0x38;
	[tilespmem:$0x1DB00] =	vst v63  }
0x8a: {  	_ =	swait.ge [sflag:s14], $0x2400  }
0x8b: {  	[sflag:s14] =	ssyncset.done $0x0  }
0x8c: {  	s4 =	rddreg [dreg:$0x14];
	[sflag:s14] =	ssyncadd.s32 $0xFFFFDC00  }
0x8d: {  	[spmem:s4] =	stream.linear.scatter [tilespmem:s10], [sflag:$0x7], $0x2400, $0x38;
	[tilespmem:$0x1DB00] =	vst v63  }
0x8e: {  	_ =	swait.ge [sflag:s14], $0x2400  }
0x8f: {  	[sflag:s14] =	ssyncset.done $0x0  }
0x90: {  	s5 =	rddreg [dreg:$0x15];
	[sflag:s14] =	ssyncadd.s32 $0xFFFFDC00  }
0x91: {  	[spmem:s5] =	stream.linear.scatter [tilespmem:s10], [sflag:$0x7], $0x2400, $0x38;
	[tilespmem:$0x1DB00] =	vst v63  }
0x92: {  	_ =	swait.ge [sflag:s14], $0x2400  }
0x93: {  	[sflag:s14] =	ssyncset.done $0x0  }
0x94: {  	s6 =	rddreg [dreg:$0x16];
	[sflag:s14] =	ssyncadd.s32 $0xFFFFDC00  }
0x95: {  	[spmem:s6] =	stream.linear.scatter [tilespmem:s10], [sflag:$0x7], $0x2400, $0x38;
	[tilespmem:$0x1DB00] =	vst v63  }
0x96: {  	_ =	swait.ge [sflag:s14], $0x2400  }
0x97: {  	[sflag:s14] =	ssyncset.done $0x0  }
0x98: {  	s7 =	rddreg [dreg:$0x17];
	[sflag:s14] =	ssyncadd.s32 $0xFFFFDC00  }
0x99: {  	[spmem:s7] =	stream.linear.scatter [tilespmem:s10], [sflag:$0x7], $0x2400, $0x38;
	[tilespmem:$0x1DB00] =	vst v63  }
0x9a: {  	_ =	swait.ge [sflag:s14], $0x2400  }
0x9b: {  	[sflag:s14] =	ssyncset.done $0x0  }
0x9c: {  	s12 =	rddreg [dreg:$0x18];
	[sflag:s14] =	ssyncadd.s32 $0xFFFFDC00  }
0x9d: {  	[spmem:s12] =	stream.linear.scatter [tilespmem:s10], [sflag:$0x7], $0x2400, $0x38;
	[tilespmem:$0x1DB00] =	vst v63  }
.Ltmp3:
0x9e: {  	_ =	swait.ge [sflag:s14], $0x2400;
	(pc) =	sbr.rel .LBB2_4-.Ltmp3, $4  }
0x9f: {  	[sflag:s14] =	ssyncset.done $0x0  }
0xa0: {  	[sflag:s14] =	ssyncadd.s32 $0xFFFFDC00  }
0xa1: {  	[bflag:$0x0] =	sbarrier.arrive $0xFFFF  }
0xa2: {  	s31 =	simm.s32 $0x0  }
.LBB2_11:
0xa3: {  	s31 =	sadd.s32 $0x1, s31  }
0xa4: {  	p0 =	sne.s32 s31, $0x3  }
.Ltmp4:
0xa5: {  	_ = 	snop;
	(pc) =	sbr.rel @!p0 .LBB2_12-.Ltmp4, $4  }
0xa6: {  	[spmem:s13] =	stream.indirect.scatter.add.f32 [tilespmem:s21], [sflag:$0x6], $0x90, s3, s19, $0xb8;
	[tilespmem:$0x1DB00] =	vst v63  }
0xa7: {  	_ =	swait.ge [sflag:s29], $0x2400  }
0xa8: {  	[sflag:s29] =	ssyncset.done $0x0  }
0xa9: {  	[sflag:s29] =	ssyncadd.s32 $0xFFFFDC00  }
.LBB2_4:
0xaa: {  	s0 =	smul.u32 $0x36, s31;
	_ =	sdelay $0x1  }
0xab: {  	s0 =	sadd.s32 s2, s0  }
0xac: {  	s0 =	sshll.u32 s0, $0x3  }
0xad: {  	s3 =	sadd.s32 s11, s0  }
0xae: {  	[tilespmem:s30], [sflag:$0x7] =	stream.linear.gather [hbm4b:s3+s30], $0xD80, $0x38;
	[tilespmem:$0x1DB00] =	vst v63  }
0xaf: {  	_ =	swait.ge [sflag:s14], $0xD80  }
0xb0: {  	[sflag:s14] =	ssyncset.done $0x0  }
0xb1: {  	s0 =	sadd.s32 s18, s0;
	[sflag:s14] =	ssyncadd.s32 $0xFFFFF280  }
0xb2: {  	[tilespmem:s15], [sflag:$0x7] =	stream.linear.gather [hbm4b:s0+s30], $0xD80, $0x38;
	[tilespmem:$0x1DB00] =	vst v63  }
0xb3: {  	_ =	swait.ge [sflag:s14], $0xD80  }
0xb4: {  	[sflag:s14] =	ssyncset.done $0x0  }
0xb5: {  	[sflag:s14] =	ssyncadd.s32 $0xFFFFF280  }
0xb6: {  	[tilespmem:s10], [sflag:$0x1] =	stream.indirect.gather [hbm4b:s16+s19], $0x90, s30, s19, $0xb8;
	[tilespmem:$0x1DB00] =	vst v63  }
0xb7: {  	s12 =	simm.s32 $0x0  }
0xb8: {  	[tilespmem:s20], [sflag:$0x3] =	stream.indirect.gather [hbm4b:s17+s19], $0x20, s15, s19, $0xb8;
	[tilespmem:$0x1DB00] =	vst v63  }
.LBB2_5:
0xb9: {  	p0 =	seq.s32 s12, $0x0  }
0xba: {  	s3 =	simm.s32 @!p0 $0x6  }
0xbb: {  	_ =	swait.ge @!p0 [sflag:s3], $0x2400  }
0xbc: {  	s0 =	sshll.u32 s12, $0x7;
	[sflag:s3] =	ssyncset.done @!p0 $0x0  }
0xbd: {  	s7 =	sor.u32 $0x40, s0;
	[sflag:s3] =	ssyncadd.s32 @!p0 $0xFFFFDC00  }
0xbe: {  	[tilespmem:s21], [sflag:$0x2] =	stream.indirect.gather [hbm4b:s16+s19], $0x90, s7, s19, $0xb8;
	[tilespmem:$0x1DB00] =	vst v63  }
0xbf: {  	s3 =	sadd.s32 $0xDC0, s0  }
0xc0: {  	[tilespmem:s22], [sflag:$0x4] =	stream.indirect.gather [hbm4b:s17+s19], $0x20, s3, s19, $0xb8;
	[tilespmem:$0x1DB00] =	vst v63  }
0xc1: {  	_ =	swait.ge [sflag:s23], $0x2400  }
0xc2: {  	[sflag:s23] =	ssyncset.done $0x0  }
0xc3: {  	[sflag:s23] =	ssyncadd.s32 $0xFFFFDC00  }
0xc4: {  	_ =	swait.ge [sflag:s24], $0x800  }
0xc5: {  	[sflag:s24] =	ssyncset.done $0x0  }
0xc6: {  	s4 =	simm.s32 $0x1C20;
	[sflag:s24] =	ssyncadd.s32 $0xFFFFF800  }
0xc7: {  	s5 =	simm.s32 $0x6340;
	v2 =	vld [tilespmem:s4+$0x110]  }
0xc8: {  	v3 =	vld [tilespmem:s5+$0x20]  }
0xc9: {  	v4 =	vld [tilespmem:s5+$0xFFFFFFC0]  }
0xca: {  	v5 =	vld [tilespmem:s4+$0xFFFFFFF0]  }
0xcb: {  	v6 =	vld [tilespmem:s5+$0xFFFFFFE0]  }
0xcc: {  	v7 =	vld [tilespmem:s4+$0x80]  }
0xcd: {  	v8 =	vld [tilespmem:s5+$0x30]  }
0xce: {  	v2 =	vadd.f32 v3, v2;
	v3 =	vld [tilespmem:s5+$0x0]  }
0xcf: {  	v9 =	vld [tilespmem:s4+$0xFFFFFF60]  }
0xd0: {  	v11 =	vld [tilespmem:s5+$0xFFFFFFD0];
	v10 =	vmul.f32 $2.000000030e-01, v2  }
0xd1: {  	v14 =	vld [tilespmem:s4+$0xFFFFFF10];
	v5 =	vadd.f32 v6, v5;
	vm1 =	vge.f32 v2, $0.0e+00  }
0xd2: {  	v6 =	vld [tilespmem:s5+$0xFFFFFFF0];
	v2 =	vsel vm1, v2, v10  }
0xd3: {  	v12 =	vmul.f32 $2.000000030e-01, v5;
	v10 =	vld [tilespmem:s5+$0x10];
	v2 =	vsub.f32 v2, v8;
	v3 =	vadd.f32 v3, v7  }
0xd4: {  	v15 =	vld [tilespmem:s4+$0xFFFFFF20];
	v4 =	vadd.f32 v4, v9;
	vm1 =	vge.f32 v5, $0.0e+00  }
0xd5: {  	v17 =	vld [tilespmem:s4+$0xFFFFFFC0];
	v5 =	vsel vm1, v5, v12;
	v2 =	vmul.f32 $1.442695020e+00, v2;
	v12 =	vmul.f32 $2.000000030e-01, v3  }
0xd6: {  	v18 =	vld [tilespmem:s4+$0xFFFFFFD0];
	vm2 =	vge.f32 v4, $0.0e+00;
	v13 =	vmul.f32 $2.000000030e-01, v4;
	vm1 =	vge.f32 v3, $0.0e+00  }
0xd7: {  	v20 =	vld [tilespmem:s4+$0xFFFFFFE0];
	(erf) = vpow2.f32 v2;
	v2 =	vsub.f32 v5, v6;
	v3 =	vsel vm1, v3, v12  }
0xd8: {  	v22 =	vld [tilespmem:s4+$0x0];
	v4 =	vsel vm2, v4, v13;
	v3 =	vsub.f32 v3, v10  }
0xd9: {  	v23 =	vld [tilespmem:s4+$0x10];
	v4 =	vsub.f32 v4, v11;
	v2 =	vmul.f32 $1.442695020e+00, v2  }
0xda: {  	v25 =	vld [tilespmem:s4+$0x20];
	v3 =	vmul.f32 $1.442695020e+00, v3  }
0xdb: {  	v26 =	vld [tilespmem:s4+$0x30];
	v4 =	vmul.f32 $1.442695020e+00, v4;
	(erf) = vpow2.f32 v2  }
0xdc: {  	v21 =	vld [tilespmem:s4+$0xFFFFFF50];
	(erf) = vpow2.f32 v3  }
0xdd: {  	v28 =	vld [tilespmem:s4+$0x40];
	(erf) = vpow2.f32 v4  }
0xde: {  	v3 =	vld [tilespmem:s4+$0x100]  }
0xdf: {  	v29 =	vld [tilespmem:s4+$0x60]  }
0xe0: {  	v9 =	vld [tilespmem:s4+$0xFFFFFF00];
	v16 =	vpop (erf)  }
0xe1: {  	v11 =	vld [tilespmem:s4+$0xFFFFFF80];
	v2 =	vperm.xlane v16, v1;
	v16 =	vnsel vm0, $0x0, v16  }
0xe2: {  	v10 =	vld [tilespmem:s4+$0xFFFFFF70]  }
0xe3: {  	v4 =	vld [tilespmem:s4+$0xFFFFFF90];
	v3 =	vmul.f32 v3, v2  }
0xe4: {  	v8 =	vld [tilespmem:s4+$0xFFFFFEE0];
	[tilespmem:s4+$0x110] =	vst v16;
	v16 =	vpop (erf)  }
0xe5: {  	v7 =	vld [tilespmem:s4+$0xFFFFFEF0];
	[tilespmem:s4+$0x100] =	vst v3;
	v24 =	vperm.xlane v16, v1;
	v3 =	vnsel vm0, $0x0, v16;
	v16 =	vpop (erf)  }
0xe6: {  	v13 =	vld [tilespmem:s4+$0xFFFFFFB0];
	[tilespmem:s4+$0xFFFFFFF0] =	vst v3;
	v3 =	vperm.xlane v16, v1;
	v16 =	vnsel vm0, $0x0, v16;
	v19 =	vpop (erf)  }
0xe7: {  	v5 =	vld [tilespmem:s4+$0xFFFFFF30];
	v27 =	vperm.xlane v19, v1;
	v19 =	vnsel vm0, $0x0, v19;
	v10 =	vmul.f32 v10, v24;
	[tilespmem:s4+$0x80] =	vst v16  }
0xe8: {  	v6 =	vld [tilespmem:s4+$0xFFFFFF40];
	v11 =	vmul.f32 v11, v24;
	v4 =	vmul.f32 v4, v24;
	[tilespmem:s4+$0xFFFFFF60] =	vst v19  }
0xe9: {  	v12 =	vld [tilespmem:s4+$0xFFFFFFA0];
	v19 =	vmul.f32 v17, v24;
	v8 =	vmul.f32 v8, v27;
	[tilespmem:s4+$0xFFFFFF70] =	vst v10  }
0xea: {  	v17 =	vmul.f32 v20, v24;
	v20 =	vld [tilespmem:s4+$0xC0];
	v7 =	vmul.f32 v7, v27;
	[tilespmem:s4+$0xFFFFFF80] =	vst v11  }
0xeb: {  	v16 =	vmul.f32 v13, v24;
	v10 =	vld [tilespmem:s4+$0x50];
	v9 =	vmul.f32 v9, v27;
	[tilespmem:s4+$0xFFFFFEE0] =	vst v8  }
0xec: {  	v14 =	vmul.f32 v14, v27;
	v30 =	vmul.f32 v5, v27;
	v5 =	vld [tilespmem:s4+$0x70];
	[tilespmem:s4+$0xFFFFFEF0] =	vst v7  }
0xed: {  	v13 =	vmul.f32 v18, v24;
	v11 =	vmul.f32 v15, v27;
	v15 =	vld [tilespmem:s4+$0xB0];
	[tilespmem:s4+$0xFFFFFF00] =	vst v9  }
0xee: {  	v18 =	vmul.f32 v23, v3;
	v6 =	vmul.f32 v6, v27;
	v7 =	vld [tilespmem:s4+$0x90];
	[tilespmem:s4+$0xFFFFFF10] =	vst v14  }
0xef: {  	v27 =	vmul.f32 v21, v27;
	v21 =	vmul.f32 v12, v24;
	v8 =	vld [tilespmem:s4+$0xA0];
	[tilespmem:s4+$0xFFFFFF20] =	vst v11  }
0xf0: {  	v12 =	vmul.f32 v25, v3;
	v11 =	vmul.f32 v22, v3;
	[tilespmem:s4+$0xFFFFFF30] =	vst v30;
	v22 =	vld [tilespmem:s4+$0xD0]  }
0xf1: {  	v23 =	vld [tilespmem:s4+$0xE0];
	[tilespmem:s4+$0xFFFFFF40] =	vst v6;
	v14 =	vmul.f32 v26, v3;
	v9 =	vmul.f32 v28, v3  }
0xf2: {  	s6 =	simm.s32 $0x0;
	s7 =	simm.s32 $0x1E60;
	v24 =	vld [tilespmem:s4+$0xF0];
	[tilespmem:s4+$0xFFFFFF50] =	vst v27;
	v6 =	vmul.f32 v29, v3;
	v10 =	vmul.f32 v10, v3  }
.LBB2_6:
0xf3: {  	v25 =	vld [tilespmem:s7+$0x110];
	[tilespmem:s4+$0xFFFFFF90] =	vst v4;
	v3 =	vmul.f32 v5, v3;
	v4 =	vmul.f32 v7, v2;
	s5 =	sadd.s32 $0x80, s5  }
0xf4: {  	s6 =	sadd.s32 $0x4, s6;
	v7 =	vmul.f32 v8, v2;
	v8 =	vmul.f32 v15, v2;
	v5 =	vld [tilespmem:s5+$0x20];
	[tilespmem:s4+$0xFFFFFFA0] =	vst v21  }
0xf5: {  	p0 =	slt.u32 s6, $0x3C;
	v15 =	vld [tilespmem:s5+$0xFFFFFFC0];
	[tilespmem:s4+$0xFFFFFFB0] =	vst v16;
	v16 =	vmul.f32 v20, v2;
	v20 =	vmul.f32 v22, v2  }
0xf6: {  	v21 =	vld [tilespmem:s7+$0xFFFFFFF0];
	[tilespmem:s4+$0xFFFFFFC0] =	vst v19;
	v19 =	vmul.f32 v23, v2  }
0xf7: {  	v22 =	vld [tilespmem:s5+$0xFFFFFFE0];
	[tilespmem:s4+$0xFFFFFFD0] =	vst v13;
	v2 =	vmul.f32 v24, v2  }
0xf8: {  	v13 =	vld [tilespmem:s7+$0x80];
	[tilespmem:s4+$0xFFFFFFE0] =	vst v17  }
0xf9: {  	v17 =	vld [tilespmem:s5+$0x30];
	v5 =	vadd.f32 v5, v25;
	[tilespmem:s4+$0x0] =	vst v11  }
0xfa: {  	v11 =	vld [tilespmem:s5+$0x0];
	[tilespmem:s4+$0x10] =	vst v18  }
0xfb: {  	v18 =	vld [tilespmem:s7+$0xFFFFFF60];
	v23 =	vmul.f32 $2.000000030e-01, v5;
	[tilespmem:s4+$0x20] =	vst v12  }
0xfc: {  	vm1 =	vge.f32 v5, $0.0e+00;
	v12 =	vld [tilespmem:s5+$0xFFFFFFD0];
	v21 =	vadd.f32 v22, v21;
	[tilespmem:s4+$0x30] =	vst v14  }
0xfd: {  	v14 =	vld [tilespmem:s5+$0xFFFFFFF0];
	v5 =	vsel vm1, v5, v23;
	[tilespmem:s4+$0x40] =	vst v9  }
0xfe: {  	vm1 =	vge.f32 v21, $0.0e+00;
	v9 =	vmul.f32 $2.000000030e-01, v21;
	v22 =	vld [tilespmem:s5+$0x10];
	v5 =	vsub.f32 v5, v17;
	[tilespmem:s4+$0x50] =	vst v10  }
0xff: {  	v10 =	vld [tilespmem:s7+$0xFFFFFEE0];
	v11 =	vadd.f32 v11, v13;
	[tilespmem:s4+$0x60] =	vst v6  }
0x100: {  	v6 =	vadd.f32 v15, v18;
	v13 =	vld [tilespmem:s7+$0xFFFFFEF0];
	v9 =	vsel vm1, v21, v9;
	v5 =	vmul.f32 $1.442695020e+00, v5;
	[tilespmem:s4+$0x70] =	vst v3  }
0x101: {  	v15 =	vld [tilespmem:s7+$0xFFFFFF00];
	vm1 =	vge.f32 v11, $0.0e+00;
	v3 =	vmul.f32 $2.000000030e-01, v11;
	[tilespmem:s4+$0x90] =	vst v4  }
0x102: {  	vm2 =	vge.f32 v6, $0.0e+00;
	v4 =	vmul.f32 $2.000000030e-01, v6;
	v17 =	vld [tilespmem:s7+$0xFFFFFF10];
	(erf) = vpow2.f32 v5;
	[tilespmem:s4+$0xA0] =	vst v7  }
0x103: {  	v7 =	vsub.f32 v9, v14;
	v5 =	vld [tilespmem:s7+$0xFFFFFF20];
	v3 =	vsel vm1, v11, v3;
	[tilespmem:s4+$0xB0] =	vst v8  }
0x104: {  	v4 =	vsel vm2, v6, v4;
	v6 =	vld [tilespmem:s7+$0xFFFFFF30];
	v3 =	vsub.f32 v3, v22;
	[tilespmem:s4+$0xC0] =	vst v16  }
0x105: {  	v7 =	vmul.f32 $1.442695020e+00, v7;
	v4 =	vsub.f32 v4, v12;
	v8 =	vld [tilespmem:s7+$0xFFFFFF40];
	[tilespmem:s4+$0xD0] =	vst v20  }
0x106: {  	v9 =	vld [tilespmem:s7+$0xFFFFFF50];
	v3 =	vmul.f32 $1.442695020e+00, v3;
	[tilespmem:s4+$0xE0] =	vst v19  }
0x107: {  	v4 =	vmul.f32 $1.442695020e+00, v4;
	v11 =	vld [tilespmem:s7+$0xFFFFFF70];
	(erf) = vpow2.f32 v7;
	[tilespmem:s4+$0xF0] =	vst v2;
	s4 =	smov.u32 s7  }
0x108: {  	v7 =	vld [tilespmem:s7+$0xFFFFFF80];
	(erf) = vpow2.f32 v3  }
0x109: {  	v3 =	vld [tilespmem:s7+$0x100];
	(erf) = vpow2.f32 v4  }
0x10a: {  	v4 =	vld [tilespmem:s7+$0xFFFFFF90]  }
0x10b: {  	v12 =	vld [tilespmem:s7+$0xFFFFFFA0];
	v14 =	vpop (erf)  }
0x10c: {  	v16 =	vld [tilespmem:s7+$0xFFFFFFB0];
	v2 =	vperm.xlane v14, v1;
	v14 =	vnsel vm0, $0x0, v14  }
0x10d: {  	v18 =	vld [tilespmem:s7+$0xFFFFFFC0];
	[tilespmem:s7+$0x110] =	vst v14  }
0x10e: {  	v14 =	vld [tilespmem:s7+$0xFFFFFFD0];
	v21 =	vmul.f32 v3, v2  }
0x10f: {  	v20 =	vld [tilespmem:s7+$0xFFFFFFE0]  }
0x110: {  	v22 =	vld [tilespmem:s7+$0x0];
	[tilespmem:s7+$0x100] =	vst v21;
	v3 =	vpop (erf)  }
0x111: {  	v23 =	vperm.xlane v3, v1;
	v3 =	vnsel vm0, $0x0, v3;
	v24 =	vld [tilespmem:s7+$0x10];
	v19 =	vpop (erf)  }
0x112: {  	[tilespmem:s7+$0xFFFFFFF0] =	vst v3;
	v3 =	vperm.xlane v19, v1;
	v25 =	vld [tilespmem:s7+$0x20];
	v19 =	vnsel vm0, $0x0, v19;
	v21 =	vpop (erf)  }
0x113: {  	v26 =	vperm.xlane v21, v1;
	v21 =	vnsel vm0, $0x0, v21;
	v11 =	vmul.f32 v11, v23;
	v27 =	vld [tilespmem:s7+$0x30];
	[tilespmem:s7+$0x80] =	vst v19  }
0x114: {  	v7 =	vmul.f32 v7, v23;
	v4 =	vmul.f32 v4, v23;
	[tilespmem:s7+$0xFFFFFF60] =	vst v21;
	v28 =	vld [tilespmem:s7+$0x40]  }
0x115: {  	v10 =	vmul.f32 v10, v26;
	v13 =	vmul.f32 v13, v26;
	[tilespmem:s7+$0xFFFFFF70] =	vst v11;
	v29 =	vld [tilespmem:s7+$0x50]  }
0x116: {  	v11 =	vmul.f32 v15, v26;
	v15 =	vmul.f32 v17, v26;
	[tilespmem:s7+$0xFFFFFF80] =	vst v7;
	v30 =	vld [tilespmem:s7+$0x60]  }
0x117: {  	v6 =	vmul.f32 v6, v26;
	[tilespmem:s7+$0xFFFFFEE0] =	vst v10;
	v10 =	vmul.f32 v5, v26;
	v5 =	vld [tilespmem:s7+$0x70]  }
0x118: {  	v31 =	vmul.f32 v8, v26;
	v26 =	vmul.f32 v9, v26;
	[tilespmem:s7+$0xFFFFFEF0] =	vst v13;
	v7 =	vld [tilespmem:s7+$0x90]  }
0x119: {  	v16 =	vmul.f32 v16, v23;
	v21 =	vmul.f32 v12, v23;
	[tilespmem:s7+$0xFFFFFF00] =	vst v11;
	v8 =	vld [tilespmem:s7+$0xA0]  }
.Ltmp5:
0x11a: {  	v19 =	vmul.f32 v18, v23;
	v13 =	vmul.f32 v14, v23;
	[tilespmem:s7+$0xFFFFFF10] =	vst v15;
	v15 =	vld [tilespmem:s7+$0xB0];
	(pc) =	sbr.rel @p0 .LBB2_6-.Ltmp5, $4  }
0x11b: {  	v17 =	vmul.f32 v20, v23;
	v11 =	vmul.f32 v22, v3;
	[tilespmem:s7+$0xFFFFFF20] =	vst v10;
	v20 =	vld [tilespmem:s7+$0xC0]  }
0x11c: {  	v18 =	vmul.f32 v24, v3;
	v12 =	vmul.f32 v25, v3;
	[tilespmem:s7+$0xFFFFFF30] =	vst v6;
	v22 =	vld [tilespmem:s7+$0xD0]  }
0x11d: {  	v14 =	vmul.f32 v27, v3;
	v9 =	vmul.f32 v28, v3;
	[tilespmem:s7+$0xFFFFFF40] =	vst v31;
	v23 =	vld [tilespmem:s7+$0xE0]  }
0x11e: {  	v10 =	vmul.f32 v29, v3;
	v6 =	vmul.f32 v30, v3;
	s7 =	sadd.s32 $0x240, s7;
	[tilespmem:s4+$0xFFFFFF50] =	vst v26;
	v24 =	vld [tilespmem:s4+$0xF0]  }
0x11f: {  	[tilespmem:s4+$0xFFFFFF90] =	vst v4  }
0x120: {  	[tilespmem:s4+$0xFFFFFFA0] =	vst v21  }
0x121: {  	[tilespmem:s4+$0xFFFFFFB0] =	vst v16  }
0x122: {  	[tilespmem:s4+$0xFFFFFFC0] =	vst v19  }
0x123: {  	[tilespmem:s4+$0xFFFFFFD0] =	vst v13  }
0x124: {  	[tilespmem:s4+$0xFFFFFFE0] =	vst v17  }
0x125: {  	[tilespmem:s4+$0x0] =	vst v11  }
0x126: {  	[tilespmem:s4+$0x10] =	vst v18  }
0x127: {  	[tilespmem:s4+$0x20] =	vst v12  }
0x128: {  	[tilespmem:s4+$0x30] =	vst v14  }
0x129: {  	[tilespmem:s4+$0x40] =	vst v9  }
0x12a: {  	v3 =	vmul.f32 v5, v3;
	[tilespmem:s4+$0x50] =	vst v10  }
0x12b: {  	v4 =	vmul.f32 v7, v2;
	[tilespmem:s4+$0x60] =	vst v6  }
0x12c: {  	v5 =	vmul.f32 v8, v2;
	[tilespmem:s4+$0x70] =	vst v3  }
0x12d: {  	v3 =	vmul.f32 v15, v2;
	[tilespmem:s4+$0x90] =	vst v4  }
0x12e: {  	v4 =	vmul.f32 v20, v2;
	[tilespmem:s4+$0xA0] =	vst v5  }
0x12f: {  	v5 =	vmul.f32 v22, v2;
	[tilespmem:s4+$0xB0] =	vst v3  }
0x130: {  	v3 =	vmul.f32 v23, v2;
	[tilespmem:s4+$0xC0] =	vst v4  }
0x131: {  	v2 =	vmul.f32 v24, v2;
	[tilespmem:s4+$0xD0] =	vst v5  }
0x132: {  	s5 =	sand.u32 $0x3FFFFF80, s0;
	[tilespmem:s4+$0xE0] =	vst v3  }
0x133: {  	s7 =	sadd.s32 $0xD80, s5;
	[tilespmem:s4+$0xF0] =	vst v2  }
0x134: {  	[spmem:s13] =	stream.indirect.scatter.add.f32 [tilespmem:s10], [sflag:$0x5], $0x90, s7, s19, $0xb8;
	[tilespmem:$0x1DB00] =	vst v63  }
0x135: {  	_ =	swait.ge [sflag:s25], $0x2400  }
0x136: {  	[sflag:s25] =	ssyncset.done $0x0  }
0x137: {  	[sflag:s25] =	ssyncadd.s32 $0xFFFFDC00  }
0x138: {  	_ =	swait.ge [sflag:s26], $0x800  }
0x139: {  	[sflag:s26] =	ssyncset.done $0x0  }
0x13a: {  	s4 =	simm.s32 $0x4020;
	[sflag:s26] =	ssyncadd.s32 $0xFFFFF800  }
0x13b: {  	s5 =	simm.s32 $0x6B40;
	v2 =	vld [tilespmem:s4+$0x110]  }
0x13c: {  	v3 =	vld [tilespmem:s5+$0x20]  }
0x13d: {  	v4 =	vld [tilespmem:s5+$0xFFFFFFC0]  }
0x13e: {  	v5 =	vld [tilespmem:s4+$0xFFFFFFF0]  }
0x13f: {  	v6 =	vld [tilespmem:s5+$0xFFFFFFE0]  }
0x140: {  	v7 =	vld [tilespmem:s4+$0x80]  }
0x141: {  	v8 =	vld [tilespmem:s5+$0x30]  }
0x142: {  	v2 =	vadd.f32 v3, v2;
	v3 =	vld [tilespmem:s5+$0x0]  }
0x143: {  	v9 =	vld [tilespmem:s4+$0xFFFFFF60]  }
0x144: {  	v11 =	vld [tilespmem:s5+$0xFFFFFFD0];
	v10 =	vmul.f32 $2.000000030e-01, v2  }
0x145: {  	v14 =	vld [tilespmem:s4+$0xFFFFFF10];
	v5 =	vadd.f32 v6, v5;
	vm1 =	vge.f32 v2, $0.0e+00  }
0x146: {  	v6 =	vld [tilespmem:s5+$0xFFFFFFF0];
	v2 =	vsel vm1, v2, v10  }
0x147: {  	v12 =	vmul.f32 $2.000000030e-01, v5;
	v10 =	vld [tilespmem:s5+$0x10];
	v2 =	vsub.f32 v2, v8;
	v3 =	vadd.f32 v3, v7  }
0x148: {  	v15 =	vld [tilespmem:s4+$0xFFFFFF20];
	v4 =	vadd.f32 v4, v9;
	vm1 =	vge.f32 v5, $0.0e+00  }
0x149: {  	v17 =	vld [tilespmem:s4+$0xFFFFFFC0];
	v5 =	vsel vm1, v5, v12;
	v2 =	vmul.f32 $1.442695020e+00, v2;
	v12 =	vmul.f32 $2.000000030e-01, v3  }
0x14a: {  	v18 =	vld [tilespmem:s4+$0xFFFFFFD0];
	vm2 =	vge.f32 v4, $0.0e+00;
	v13 =	vmul.f32 $2.000000030e-01, v4;
	vm1 =	vge.f32 v3, $0.0e+00  }
0x14b: {  	v20 =	vld [tilespmem:s4+$0xFFFFFFE0];
	(erf) = vpow2.f32 v2;
	v2 =	vsub.f32 v5, v6;
	v3 =	vsel vm1, v3, v12  }
0x14c: {  	v22 =	vld [tilespmem:s4+$0x0];
	v4 =	vsel vm2, v4, v13;
	v3 =	vsub.f32 v3, v10  }
0x14d: {  	v23 =	vld [tilespmem:s4+$0x10];
	v4 =	vsub.f32 v4, v11;
	v2 =	vmul.f32 $1.442695020e+00, v2  }
0x14e: {  	v25 =	vld [tilespmem:s4+$0x20];
	v3 =	vmul.f32 $1.442695020e+00, v3  }
0x14f: {  	v26 =	vld [tilespmem:s4+$0x30];
	v4 =	vmul.f32 $1.442695020e+00, v4;
	(erf) = vpow2.f32 v2  }
0x150: {  	v21 =	vld [tilespmem:s4+$0xFFFFFF50];
	(erf) = vpow2.f32 v3  }
0x151: {  	v28 =	vld [tilespmem:s4+$0x40];
	(erf) = vpow2.f32 v4  }
0x152: {  	v3 =	vld [tilespmem:s4+$0x100]  }
0x153: {  	v29 =	vld [tilespmem:s4+$0x60]  }
0x154: {  	v9 =	vld [tilespmem:s4+$0xFFFFFF00];
	v16 =	vpop (erf)  }
0x155: {  	v11 =	vld [tilespmem:s4+$0xFFFFFF80];
	v2 =	vperm.xlane v16, v1;
	v16 =	vnsel vm0, $0x0, v16  }
0x156: {  	v10 =	vld [tilespmem:s4+$0xFFFFFF70]  }
0x157: {  	v4 =	vld [tilespmem:s4+$0xFFFFFF90];
	v3 =	vmul.f32 v3, v2  }
0x158: {  	v8 =	vld [tilespmem:s4+$0xFFFFFEE0];
	[tilespmem:s4+$0x110] =	vst v16;
	v16 =	vpop (erf)  }
0x159: {  	v7 =	vld [tilespmem:s4+$0xFFFFFEF0];
	[tilespmem:s4+$0x100] =	vst v3;
	v24 =	vperm.xlane v16, v1;
	v3 =	vnsel vm0, $0x0, v16;
	v16 =	vpop (erf)  }
0x15a: {  	v13 =	vld [tilespmem:s4+$0xFFFFFFB0];
	[tilespmem:s4+$0xFFFFFFF0] =	vst v3;
	v3 =	vperm.xlane v16, v1;
	v16 =	vnsel vm0, $0x0, v16;
	v19 =	vpop (erf)  }
0x15b: {  	v5 =	vld [tilespmem:s4+$0xFFFFFF30];
	v27 =	vperm.xlane v19, v1;
	v19 =	vnsel vm0, $0x0, v19;
	v10 =	vmul.f32 v10, v24;
	[tilespmem:s4+$0x80] =	vst v16  }
0x15c: {  	v6 =	vld [tilespmem:s4+$0xFFFFFF40];
	v11 =	vmul.f32 v11, v24;
	v4 =	vmul.f32 v4, v24;
	[tilespmem:s4+$0xFFFFFF60] =	vst v19  }
0x15d: {  	v12 =	vld [tilespmem:s4+$0xFFFFFFA0];
	v19 =	vmul.f32 v17, v24;
	v8 =	vmul.f32 v8, v27;
	[tilespmem:s4+$0xFFFFFF70] =	vst v10  }
0x15e: {  	v17 =	vmul.f32 v20, v24;
	v20 =	vld [tilespmem:s4+$0xC0];
	v7 =	vmul.f32 v7, v27;
	[tilespmem:s4+$0xFFFFFF80] =	vst v11  }
0x15f: {  	v16 =	vmul.f32 v13, v24;
	v10 =	vld [tilespmem:s4+$0x50];
	v9 =	vmul.f32 v9, v27;
	[tilespmem:s4+$0xFFFFFEE0] =	vst v8  }
0x160: {  	v14 =	vmul.f32 v14, v27;
	v30 =	vmul.f32 v5, v27;
	v5 =	vld [tilespmem:s4+$0x70];
	[tilespmem:s4+$0xFFFFFEF0] =	vst v7  }
0x161: {  	v13 =	vmul.f32 v18, v24;
	v11 =	vmul.f32 v15, v27;
	v15 =	vld [tilespmem:s4+$0xB0];
	[tilespmem:s4+$0xFFFFFF00] =	vst v9  }
0x162: {  	v18 =	vmul.f32 v23, v3;
	v6 =	vmul.f32 v6, v27;
	v7 =	vld [tilespmem:s4+$0x90];
	[tilespmem:s4+$0xFFFFFF10] =	vst v14  }
0x163: {  	v27 =	vmul.f32 v21, v27;
	v21 =	vmul.f32 v12, v24;
	v8 =	vld [tilespmem:s4+$0xA0];
	[tilespmem:s4+$0xFFFFFF20] =	vst v11  }
0x164: {  	v12 =	vmul.f32 v25, v3;
	v11 =	vmul.f32 v22, v3;
	[tilespmem:s4+$0xFFFFFF30] =	vst v30;
	v22 =	vld [tilespmem:s4+$0xD0]  }
0x165: {  	v23 =	vld [tilespmem:s4+$0xE0];
	[tilespmem:s4+$0xFFFFFF40] =	vst v6;
	v14 =	vmul.f32 v26, v3;
	v9 =	vmul.f32 v28, v3  }
0x166: {  	s6 =	simm.s32 $0x0;
	s7 =	simm.s32 $0x4260;
	v24 =	vld [tilespmem:s4+$0xF0];
	[tilespmem:s4+$0xFFFFFF50] =	vst v27;
	v6 =	vmul.f32 v29, v3;
	v10 =	vmul.f32 v10, v3  }
.LBB2_8:
0x167: {  	v25 =	vld [tilespmem:s7+$0x110];
	[tilespmem:s4+$0xFFFFFF90] =	vst v4;
	v3 =	vmul.f32 v5, v3;
	v4 =	vmul.f32 v7, v2;
	s5 =	sadd.s32 $0x80, s5  }
0x168: {  	s6 =	sadd.s32 $0x4, s6;
	v7 =	vmul.f32 v8, v2;
	v8 =	vmul.f32 v15, v2;
	v5 =	vld [tilespmem:s5+$0x20];
	[tilespmem:s4+$0xFFFFFFA0] =	vst v21  }
0x169: {  	p0 =	slt.u32 s6, $0x3C;
	v15 =	vld [tilespmem:s5+$0xFFFFFFC0];
	[tilespmem:s4+$0xFFFFFFB0] =	vst v16;
	v16 =	vmul.f32 v20, v2;
	v20 =	vmul.f32 v22, v2  }
0x16a: {  	v21 =	vld [tilespmem:s7+$0xFFFFFFF0];
	[tilespmem:s4+$0xFFFFFFC0] =	vst v19;
	v19 =	vmul.f32 v23, v2  }
0x16b: {  	v22 =	vld [tilespmem:s5+$0xFFFFFFE0];
	[tilespmem:s4+$0xFFFFFFD0] =	vst v13;
	v2 =	vmul.f32 v24, v2  }
0x16c: {  	v13 =	vld [tilespmem:s7+$0x80];
	[tilespmem:s4+$0xFFFFFFE0] =	vst v17  }
0x16d: {  	v17 =	vld [tilespmem:s5+$0x30];
	v5 =	vadd.f32 v5, v25;
	[tilespmem:s4+$0x0] =	vst v11  }
0x16e: {  	v11 =	vld [tilespmem:s5+$0x0];
	[tilespmem:s4+$0x10] =	vst v18  }
0x16f: {  	v18 =	vld [tilespmem:s7+$0xFFFFFF60];
	v23 =	vmul.f32 $2.000000030e-01, v5;
	[tilespmem:s4+$0x20] =	vst v12  }
0x170: {  	vm1 =	vge.f32 v5, $0.0e+00;
	v12 =	vld [tilespmem:s5+$0xFFFFFFD0];
	v21 =	vadd.f32 v22, v21;
	[tilespmem:s4+$0x30] =	vst v14  }
0x171: {  	v14 =	vld [tilespmem:s5+$0xFFFFFFF0];
	v5 =	vsel vm1, v5, v23;
	[tilespmem:s4+$0x40] =	vst v9  }
0x172: {  	vm1 =	vge.f32 v21, $0.0e+00;
	v9 =	vmul.f32 $2.000000030e-01, v21;
	v22 =	vld [tilespmem:s5+$0x10];
	v5 =	vsub.f32 v5, v17;
	[tilespmem:s4+$0x50] =	vst v10  }
0x173: {  	v10 =	vld [tilespmem:s7+$0xFFFFFEE0];
	v11 =	vadd.f32 v11, v13;
	[tilespmem:s4+$0x60] =	vst v6  }
0x174: {  	v6 =	vadd.f32 v15, v18;
	v13 =	vld [tilespmem:s7+$0xFFFFFEF0];
	v9 =	vsel vm1, v21, v9;
	v5 =	vmul.f32 $1.442695020e+00, v5;
	[tilespmem:s4+$0x70] =	vst v3  }
0x175: {  	v15 =	vld [tilespmem:s7+$0xFFFFFF00];
	vm1 =	vge.f32 v11, $0.0e+00;
	v3 =	vmul.f32 $2.000000030e-01, v11;
	[tilespmem:s4+$0x90] =	vst v4  }
0x176: {  	vm2 =	vge.f32 v6, $0.0e+00;
	v4 =	vmul.f32 $2.000000030e-01, v6;
	v17 =	vld [tilespmem:s7+$0xFFFFFF10];
	(erf) = vpow2.f32 v5;
	[tilespmem:s4+$0xA0] =	vst v7  }
0x177: {  	v7 =	vsub.f32 v9, v14;
	v5 =	vld [tilespmem:s7+$0xFFFFFF20];
	v3 =	vsel vm1, v11, v3;
	[tilespmem:s4+$0xB0] =	vst v8  }
0x178: {  	v4 =	vsel vm2, v6, v4;
	v6 =	vld [tilespmem:s7+$0xFFFFFF30];
	v3 =	vsub.f32 v3, v22;
	[tilespmem:s4+$0xC0] =	vst v16  }
0x179: {  	v7 =	vmul.f32 $1.442695020e+00, v7;
	v4 =	vsub.f32 v4, v12;
	v8 =	vld [tilespmem:s7+$0xFFFFFF40];
	[tilespmem:s4+$0xD0] =	vst v20  }
0x17a: {  	v9 =	vld [tilespmem:s7+$0xFFFFFF50];
	v3 =	vmul.f32 $1.442695020e+00, v3;
	[tilespmem:s4+$0xE0] =	vst v19  }
0x17b: {  	v4 =	vmul.f32 $1.442695020e+00, v4;
	v11 =	vld [tilespmem:s7+$0xFFFFFF70];
	(erf) = vpow2.f32 v7;
	[tilespmem:s4+$0xF0] =	vst v2;
	s4 =	smov.u32 s7  }
0x17c: {  	v7 =	vld [tilespmem:s7+$0xFFFFFF80];
	(erf) = vpow2.f32 v3  }
0x17d: {  	v3 =	vld [tilespmem:s7+$0x100];
	(erf) = vpow2.f32 v4  }
0x17e: {  	v4 =	vld [tilespmem:s7+$0xFFFFFF90]  }
0x17f: {  	v12 =	vld [tilespmem:s7+$0xFFFFFFA0];
	v14 =	vpop (erf)  }
0x180: {  	v16 =	vld [tilespmem:s7+$0xFFFFFFB0];
	v2 =	vperm.xlane v14, v1;
	v14 =	vnsel vm0, $0x0, v14  }
0x181: {  	v18 =	vld [tilespmem:s7+$0xFFFFFFC0];
	[tilespmem:s7+$0x110] =	vst v14  }
0x182: {  	v14 =	vld [tilespmem:s7+$0xFFFFFFD0];
	v21 =	vmul.f32 v3, v2  }
0x183: {  	v20 =	vld [tilespmem:s7+$0xFFFFFFE0]  }
0x184: {  	v22 =	vld [tilespmem:s7+$0x0];
	[tilespmem:s7+$0x100] =	vst v21;
	v3 =	vpop (erf)  }
0x185: {  	v23 =	vperm.xlane v3, v1;
	v3 =	vnsel vm0, $0x0, v3;
	v24 =	vld [tilespmem:s7+$0x10];
	v19 =	vpop (erf)  }
0x186: {  	[tilespmem:s7+$0xFFFFFFF0] =	vst v3;
	v3 =	vperm.xlane v19, v1;
	v25 =	vld [tilespmem:s7+$0x20];
	v19 =	vnsel vm0, $0x0, v19;
	v21 =	vpop (erf)  }
0x187: {  	v26 =	vperm.xlane v21, v1;
	v21 =	vnsel vm0, $0x0, v21;
	v11 =	vmul.f32 v11, v23;
	v27 =	vld [tilespmem:s7+$0x30];
	[tilespmem:s7+$0x80] =	vst v19  }
0x188: {  	v7 =	vmul.f32 v7, v23;
	v4 =	vmul.f32 v4, v23;
	[tilespmem:s7+$0xFFFFFF60] =	vst v21;
	v28 =	vld [tilespmem:s7+$0x40]  }
0x189: {  	v10 =	vmul.f32 v10, v26;
	v13 =	vmul.f32 v13, v26;
	[tilespmem:s7+$0xFFFFFF70] =	vst v11;
	v29 =	vld [tilespmem:s7+$0x50]  }
0x18a: {  	v11 =	vmul.f32 v15, v26;
	v15 =	vmul.f32 v17, v26;
	[tilespmem:s7+$0xFFFFFF80] =	vst v7;
	v30 =	vld [tilespmem:s7+$0x60]  }
0x18b: {  	v6 =	vmul.f32 v6, v26;
	[tilespmem:s7+$0xFFFFFEE0] =	vst v10;
	v10 =	vmul.f32 v5, v26;
	v5 =	vld [tilespmem:s7+$0x70]  }
0x18c: {  	v31 =	vmul.f32 v8, v26;
	v26 =	vmul.f32 v9, v26;
	[tilespmem:s7+$0xFFFFFEF0] =	vst v13;
	v7 =	vld [tilespmem:s7+$0x90]  }
0x18d: {  	v16 =	vmul.f32 v16, v23;
	v21 =	vmul.f32 v12, v23;
	[tilespmem:s7+$0xFFFFFF00] =	vst v11;
	v8 =	vld [tilespmem:s7+$0xA0]  }
.Ltmp6:
0x18e: {  	v19 =	vmul.f32 v18, v23;
	v13 =	vmul.f32 v14, v23;
	[tilespmem:s7+$0xFFFFFF10] =	vst v15;
	v15 =	vld [tilespmem:s7+$0xB0];
	(pc) =	sbr.rel @p0 .LBB2_8-.Ltmp6, $4  }
0x18f: {  	v17 =	vmul.f32 v20, v23;
	v11 =	vmul.f32 v22, v3;
	[tilespmem:s7+$0xFFFFFF20] =	vst v10;
	v20 =	vld [tilespmem:s7+$0xC0]  }
0x190: {  	v18 =	vmul.f32 v24, v3;
	v12 =	vmul.f32 v25, v3;
	[tilespmem:s7+$0xFFFFFF30] =	vst v6;
	v22 =	vld [tilespmem:s7+$0xD0]  }
0x191: {  	v14 =	vmul.f32 v27, v3;
	v9 =	vmul.f32 v28, v3;
	[tilespmem:s7+$0xFFFFFF40] =	vst v31;
	v23 =	vld [tilespmem:s7+$0xE0]  }
0x192: {  	v10 =	vmul.f32 v29, v3;
	v6 =	vmul.f32 v30, v3;
	s7 =	sadd.s32 $0x240, s7;
	[tilespmem:s4+$0xFFFFFF50] =	vst v26;
	v24 =	vld [tilespmem:s4+$0xF0]  }
0x193: {  	[tilespmem:s4+$0xFFFFFF90] =	vst v4  }
0x194: {  	[tilespmem:s4+$0xFFFFFFA0] =	vst v21  }
0x195: {  	[tilespmem:s4+$0xFFFFFFB0] =	vst v16  }
0x196: {  	[tilespmem:s4+$0xFFFFFFC0] =	vst v19  }
0x197: {  	[tilespmem:s4+$0xFFFFFFD0] =	vst v13  }
0x198: {  	[tilespmem:s4+$0xFFFFFFE0] =	vst v17  }
0x199: {  	[tilespmem:s4+$0x0] =	vst v11  }
0x19a: {  	[tilespmem:s4+$0x10] =	vst v18  }
0x19b: {  	[tilespmem:s4+$0x20] =	vst v12  }
0x19c: {  	[tilespmem:s4+$0x30] =	vst v14  }
0x19d: {  	[tilespmem:s4+$0x40] =	vst v9  }
0x19e: {  	v3 =	vmul.f32 v5, v3;
	[tilespmem:s4+$0x50] =	vst v10  }
0x19f: {  	v60 =	vmul.f32 v7, v2;
	[tilespmem:s4+$0x60] =	vst v6  }
0x1a0: {  	v61 =	vmul.f32 v8, v2;
	[tilespmem:s4+$0x70] =	vst v3  }
0x1a1: {  	v62 =	vmul.f32 v20, v2;
	[tilespmem:s4+$0x90] =	vst v60  }
0x1a2: {  	v3 =	vmul.f32 v15, v2;
	[tilespmem:s4+$0xA0] =	vst v61  }
0x1a3: {  	v63 =	vmul.f32 v22, v2;
	[tilespmem:s4+$0xC0] =	vst v62  }
0x1a4: {  	[tilespmem:s4+$0xB0] =	vst v3;
	v3 =	vmul.f32 v23, v2  }
0x1a5: {  	p0 =	seq.s32 s12, $0x1A;
	v2 =	vmul.f32 v24, v2;
	[tilespmem:s4+$0xD0] =	vst v63  }
.Ltmp7:
0x1a6: {  	[tilespmem:s4+$0xE0] =	vst v3;
	(pc) =	sbr.rel @p0 .LBB2_11-.Ltmp7, $4  }
0x1a7: {  	[tilespmem:s4+$0xF0] =	vst v2  }
0x1a8: {  	_ =	swait.ge [sflag:s28], $0x2400  }
0x1a9: {  	[sflag:s28] =	ssyncset.done $0x0  }
0x1aa: {  	[sflag:s28] =	ssyncadd.s32 $0xFFFFDC00  }
0x1ab: {  	s4 =	sadd.s32 $0x80, s0  }
0x1ac: {  	[tilespmem:s10], [sflag:$0x1] =	stream.indirect.gather [hbm4b:s16+s19], $0x90, s4, s19, $0xb8;
	[tilespmem:$0x1DB00] =	vst v63  }
.Ltmp8:
0x1ad: {  	_ = 	snop;
	(pc) =	sbr.rel .LBB2_5-.Ltmp8, $4  }
0x1ae: {  	s7 =	sadd.s32 $0xE00, s0  }
0x1af: {  	[tilespmem:s20], [sflag:$0x3] =	stream.indirect.gather [hbm4b:s17+s19], $0x20, s7, s19, $0xb8;
	[tilespmem:$0x1DB00] =	vst v63  }
0x1b0: {  	s12 =	sadd.s32 $0x1, s12  }
0x1b1: {  	[spmem:s13] =	stream.indirect.scatter.add.f32 [tilespmem:s21], [sflag:$0x6], $0x90, s3, s19, $0xb8;
	[tilespmem:$0x1DB00] =	vst v63  }
.LBB2_13:
0x1b2: {  	_ =	sfence.sel $0x180000  }
0x1b3: {  	[bflag:$0x0] =	sbarrier.arrive $0xFFFF  }
0x1b4: {  	_ =	strace $0x90000047  }
0x1b5: {  	s0 =	stileid.u32;
	[bflag:$0x2] =	sbarrier.arrive $0xFFFF  }
0x1b6: {  	p0 =	sne.s32 s0, $0x0;
	s0 =	rddreg [dreg:$0x3]  }
0x1b7: {  	s0 =	sadd.s32 @!p0 $0x100000, s0  }
0x1b8: {  	[sflag:s0] =	ssyncadd.tile.s32 @!p0 $0x1;
	_ =	shalt  }
.Lfunc_end2:
_tile_overlayer_lowered:
.L_overlay_start_2:
0x1b9: {  	(tag) =	ssettag $0x2  }
0x1ba: {  	s0 =	rddreg [dreg:$0x0];
	s2 =	stileid.u32  }
0x1bb: {  	s1 =	rddreg [dreg:$0x1];
	p0 =	sne.s32 s2, $0x0  }
0x1bc: {  	s3 =	rddreg [dreg:$0x2];
	[bflag:$0x3] =	sbarrier.arrive $0xFFFF;
	s2 =	simm.s32 @!p0 $0x1C07  }
0x1bd: {  	[timem:s3], [sflag:s2] =	dma.local @!p0 [hbm:s0], s1  }
0x1be: {  	s0 =	simm.s32 @!p0 $0x7  }
0x1bf: {  	_ =	swait.ge @!p0 [sflag:s0], s1  }
0x1c0: {  	s1 =	ssub.s32 @!p0 $0x0, s1;
	[sflag:s0] =	ssyncset.done @!p0 $0x0  }
0x1c1: {  	[sflag:s0] =	ssyncadd.s32 @!p0 s1  }
0x1c2: {  	[bflag:$0x3] =	sbarrier.arrive $0xFFFF  }
0x1c3: {  	_ =	shalt  }

</sc_bundles>
